<compile_context>
chip_gen: v7x
topology: tpu7x:2x2x1
jax: 0.10.2.dev20260603
libtpu: 0.0.44.dev20260713+nightly
codegen_flags: <defaults>
</compile_context>

<pallas_src>
import functools

import jax
import jax.numpy as jnp
from jax import lax
from jax.experimental import pallas as pl
from jax.experimental.pallas import tpu as pltpu
from jax.experimental.pallas import tpu_sc as plsc

N = 10000
E = 320000
F_IN = 128
H = 64
C = 10
EPS = 1e-5

NC = 2
NS = 16
NW = NC * NS
EPW = E // NW
CHUNK = 80
NCHUNK = -(-EPW // CHUNK)
EPT = NCHUNK * CHUNK
RPT = N // NS
NPAD = 16
NSTREAM = 3

_mesh = plsc.VectorSubcoreMesh(
    core_axis_name="c", subcore_axis_name="s", num_cores=NC, num_subcores=NS
)

_sc_params = pltpu.CompilerParams(use_tc_tiling_on_sc=False)


@functools.partial(
    pl.kernel,
    out_type=jax.ShapeDtypeStruct((NC, N, 16), jnp.float32),
    mesh=_mesh,
    scratch_types=[
        pltpu.VMEM((NCHUNK, CHUNK), jnp.int32),
        pltpu.VMEM((CHUNK, 16), jnp.float32),
        pltpu.VMEM_SHARED((N + NPAD, 16), jnp.float32),
        pltpu.SemaphoreType.DMA,
        pltpu.SemaphoreType.DMA,
    ],
    compiler_params=_sc_params,
)
def sc_degree(dst_hbm, zeros_hbm, ones_hbm, out_hbm, idx_d, ones_v, acc,
              sem_a, sem_b):
    c = lax.axis_index("c")
    s = lax.axis_index("s")
    wid = c * NS + s
    pltpu.sync_copy(zeros_hbm.at[pl.ds(s * RPT, RPT)], acc.at[pl.ds(s * RPT, RPT)])
    @pl.when(s == 0)
    def _():
        pltpu.sync_copy(zeros_hbm.at[pl.ds(0, NPAD)], acc.at[pl.ds(N, NPAD)])
    pltpu.sync_copy(ones_hbm, ones_v)
    pltpu.sync_copy(dst_hbm.at[wid], idx_d)
    plsc.subcore_barrier()

    def body(j, carry):
        i0 = 2 * j
        pltpu.async_copy(ones_v, acc.at[idx_d.at[i0]], sem_a, add=True)
        pltpu.async_copy(ones_v, acc.at[idx_d.at[i0 + 1]], sem_b, add=True)
        pltpu.make_async_copy(ones_v, acc.at[idx_d.at[i0]], sem_a).wait()
        pltpu.make_async_copy(ones_v, acc.at[idx_d.at[i0 + 1]], sem_b).wait()
        return carry

    lax.fori_loop(0, NCHUNK // 2, body, 0)
    pltpu.sync_copy(ones_v, acc.at[idx_d.at[NCHUNK - 1]], add=True)
    plsc.subcore_barrier()
    pltpu.sync_copy(acc.at[pl.ds(s * RPT, RPT)], out_hbm.at[c, pl.ds(s * RPT, RPT)])


@functools.partial(
    pl.kernel,
    out_type=jax.ShapeDtypeStruct((NC, N, H), jnp.float32),
    mesh=_mesh,
    scratch_types=[
        pltpu.VMEM((NCHUNK, CHUNK), jnp.int32),
        pltpu.VMEM((NCHUNK, CHUNK), jnp.int32),
    ] + [pltpu.VMEM((CHUNK, H), jnp.float32)] * NSTREAM + [
        pltpu.VMEM_SHARED((N + NPAD, H), jnp.float32),
        pltpu.VMEM_SHARED((N, H), jnp.float32),
    ] + [pltpu.SemaphoreType.DMA] * (2 * NSTREAM),
    compiler_params=_sc_params,
)
def sc_aggregate(g_hbm, src_hbm, dst_hbm, zeros_hbm, out_hbm,
                 idx_s, idx_d, *rest):
    rows = rest[:NSTREAM]
    acc = rest[NSTREAM]
    sh_g = rest[NSTREAM + 1]
    sem_g = rest[NSTREAM + 2:2 * NSTREAM + 2]
    sem_s = rest[2 * NSTREAM + 2:]
    c = lax.axis_index("c")
    s = lax.axis_index("s")
    wid = c * NS + s
    pltpu.async_copy(zeros_hbm.at[pl.ds(s * RPT, RPT)],
                     acc.at[pl.ds(s * RPT, RPT)], sem_g[0])
    pltpu.async_copy(g_hbm.at[pl.ds(s * RPT, RPT)],
                     sh_g.at[pl.ds(s * RPT, RPT)], sem_g[1])
    pltpu.async_copy(src_hbm.at[wid], idx_s, sem_s[0])
    pltpu.async_copy(dst_hbm.at[wid], idx_d, sem_s[1])
    @pl.when(s == 0)
    def _():
        pltpu.sync_copy(zeros_hbm.at[pl.ds(0, NPAD)], acc.at[pl.ds(N, NPAD)])
    pltpu.make_async_copy(zeros_hbm.at[pl.ds(s * RPT, RPT)],
                          acc.at[pl.ds(s * RPT, RPT)], sem_g[0]).wait()
    pltpu.make_async_copy(g_hbm.at[pl.ds(s * RPT, RPT)],
                          sh_g.at[pl.ds(s * RPT, RPT)], sem_g[1]).wait()
    pltpu.make_async_copy(src_hbm.at[wid], idx_s, sem_s[0]).wait()
    pltpu.make_async_copy(dst_hbm.at[wid], idx_d, sem_s[1]).wait()
    plsc.subcore_barrier()

    for k in range(NSTREAM):
        pltpu.async_copy(sh_g.at[idx_s.at[k]], rows[k], sem_g[k])

    def body(j, carry):
        i0 = NSTREAM * j
        for k in range(NSTREAM):
            pltpu.make_async_copy(sh_g.at[idx_s.at[i0 + k]], rows[k],
                                  sem_g[k]).wait()
            pltpu.async_copy(rows[k], acc.at[idx_d.at[i0 + k]], sem_s[k],
                             add=True)
        for k in range(NSTREAM):
            pltpu.make_async_copy(rows[k], acc.at[idx_d.at[i0 + k]],
                                  sem_s[k]).wait()
            pltpu.async_copy(sh_g.at[idx_s.at[i0 + NSTREAM + k]], rows[k],
                             sem_g[k])
        return carry

    nfull = (NCHUNK - 2 * NSTREAM) // NSTREAM + 1
    lax.fori_loop(0, nfull, body, 0)
    base = nfull * NSTREAM
    for k in range(NSTREAM):
        pltpu.make_async_copy(sh_g.at[idx_s.at[base + k]], rows[k],
                              sem_g[k]).wait()
        pltpu.async_copy(rows[k], acc.at[idx_d.at[base + k]], sem_s[k],
                         add=True)
    for k in range(NSTREAM):
        pltpu.make_async_copy(rows[k], acc.at[idx_d.at[base + k]],
                              sem_s[k]).wait()
    for i in range(base + NSTREAM, NCHUNK):
        pltpu.sync_copy(sh_g.at[idx_s.at[i]], rows[0])
        pltpu.sync_copy(rows[0], acc.at[idx_d.at[i]], add=True)
    plsc.subcore_barrier()
    pltpu.sync_copy(acc.at[pl.ds(s * RPT, RPT)], out_hbm.at[c, pl.ds(s * RPT, RPT)])


def _graph_norm(h, w, b, ms):
    mean = jnp.mean(h, axis=0, keepdims=True)
    out = h - ms * mean
    var = jnp.mean(out * out, axis=0, keepdims=True)
    return w * out * lax.rsqrt(var + EPS) + b


def _tc_first(x_ref, degp_ref, gw_ref, gb_ref, gms_ref, w1_ref,
              g1_ref, dinv_ref):
    deg = degp_ref[0, :, 0:1] + degp_ref[1, :, 0:1] + 1.0
    dinv = lax.rsqrt(deg)
    dinv_ref[...] = dinv
    h = _graph_norm(x_ref[...], gw_ref[...], gb_ref[...], gms_ref[...])
    g1_ref[...] = jnp.dot(h, w1_ref[...], preferred_element_type=jnp.float32) * dinv


def _tc_mid(p_ref, g_ref, dinv_ref, bias_ref, gw_ref, gb_ref, gms_ref, w_ref,
            out_ref):
    dinv = dinv_ref[...]
    a = jax.nn.relu(dinv * (p_ref[0] + p_ref[1] + g_ref[...]) + bias_ref[...])
    h = _graph_norm(a, gw_ref[...], gb_ref[...], gms_ref[...])
    out_ref[...] = jnp.dot(h, w_ref[...], preferred_element_type=jnp.float32) * dinv


def _tc_head(p_ref, g_ref, dinv_ref, b3_ref, wd_ref, bd_ref, wo_ref, bo_ref,
             out_ref):
    a = jax.nn.relu(dinv_ref[...] * (p_ref[0] + p_ref[1] + g_ref[...]) + b3_ref[...])
    pooled = jnp.mean(a, axis=0, keepdims=True)
    d = jax.nn.relu(
        jnp.dot(pooled, wd_ref[...], preferred_element_type=jnp.float32) + bd_ref[...]
    )
    logits = jnp.dot(d, wo_ref[...], preferred_element_type=jnp.float32) + bo_ref[...]
    out_ref[...] = jax.nn.softmax(logits, axis=1)


def kernel(x, edge_index, batch, gn0_weight, gn0_bias, gn0_mean_scale, W1, b1,
           gn1_weight, gn1_bias, gn1_mean_scale, W2, b2,
           gn2_weight, gn2_bias, gn2_mean_scale, W3, b3, Wd, bd, Wo, bo):
    src = edge_index[0].astype(jnp.int32)
    dst = edge_index[1].astype(jnp.int32)
    if EPT > EPW:
        pad_src = jnp.zeros((NW, EPT - EPW), jnp.int32)
        pad_dst = jnp.broadcast_to(
            N + (jnp.arange(EPT - EPW, dtype=jnp.int32) % NPAD),
            (NW, EPT - EPW))
        src2 = jnp.concatenate([src.reshape(NW, EPW), pad_src], axis=1)
        dst2 = jnp.concatenate([dst.reshape(NW, EPW), pad_dst], axis=1)
    else:
        src2, dst2 = src.reshape(NW, EPW), dst.reshape(NW, EPW)
    src3 = src2.reshape(NW, NCHUNK, CHUNK)
    dst3 = dst2.reshape(NW, NCHUNK, CHUNK)
    zeros16 = jnp.zeros((N, 16), jnp.float32)
    ones16 = jnp.ones((CHUNK, 16), jnp.float32)
    zeros64 = jnp.zeros((N, H), jnp.float32)

    degp = sc_degree(dst3, zeros16, ones16)

    g1, dinv = pl.pallas_call(
        _tc_first,
        out_shape=(
            jax.ShapeDtypeStruct((N, H), jnp.float32),
            jax.ShapeDtypeStruct((N, 1), jnp.float32),
        ),
    )(x, degp, gn0_weight[None, :], gn0_bias[None, :], gn0_mean_scale[None, :], W1)

    p1 = sc_aggregate(g1, src3, dst3, zeros64)

    g2 = pl.pallas_call(
        _tc_mid,
        out_shape=jax.ShapeDtypeStruct((N, H), jnp.float32),
    )(p1, g1, dinv, b1[None, :], gn1_weight[None, :], gn1_bias[None, :],
      gn1_mean_scale[None, :], W2)

    p2 = sc_aggregate(g2, src3, dst3, zeros64)

    g3 = pl.pallas_call(
        _tc_mid,
        out_shape=jax.ShapeDtypeStruct((N, H), jnp.float32),
    )(p2, g2, dinv, b2[None, :], gn2_weight[None, :], gn2_bias[None, :],
      gn2_mean_scale[None, :], W3)

    p3 = sc_aggregate(g3, src3, dst3, zeros64)

    out = pl.pallas_call(
        _tc_head,
        out_shape=jax.ShapeDtypeStruct((1, C), jnp.float32),
    )(p3, g3, dinv, b3[None, :], Wd, bd[None, :], Wo, bo[None, :])

    return out

# --- scband reference (transcript-rebuilt; emitter-appended) ---
"""Pipeline reference for scband-gcn-31903017075238 (READ-ONLY COPY).

The authoritative reference and input builder live on the scoring server;
editing this copy changes nothing except your own understanding.
"""

import jax, jax.numpy as jnp
import numpy as np

N = 10000
E = 320000
F_IN = 128
H = 64
C = 10
EPS = 1e-5


def setup_inputs(seed: int = 0):
    key = jax.random.key(seed)
    ks = jax.random.split(key, 12)

    def lin(k, fi, fo):
        return (jax.random.normal(k, (fi, fo), dtype=jnp.float32) / np.sqrt(fi)).astype(jnp.float32)

    inp = {}
    inp['x'] = jax.random.normal(ks[0], (N, F_IN), dtype=jnp.float32)
    inp['edge_index'] = jax.random.randint(ks[1], (2, E), 0, N)
    inp['batch'] = jnp.zeros((N,), dtype=jnp.int32)
    # GraphNorm params (weight=1, bias=0, mean_scale=1 as in PyG init)
    inp['gn0_weight'] = jnp.ones((F_IN,), jnp.float32)
    inp['gn0_bias'] = jnp.zeros((F_IN,), jnp.float32)
    inp['gn0_mean_scale'] = jnp.ones((F_IN,), jnp.float32)
    inp['W1'] = lin(ks[2], F_IN, H)
    inp['b1'] = jnp.zeros((H,), jnp.float32)
    inp['gn1_weight'] = jnp.ones((H,), jnp.float32)
    inp['gn1_bias'] = jnp.zeros((H,), jnp.float32)
    inp['gn1_mean_scale'] = jnp.ones((H,), jnp.float32)
    inp['W2'] = lin(ks[3], H, H)
    inp['b2'] = jnp.zeros((H,), jnp.float32)
    inp['gn2_weight'] = jnp.ones((H,), jnp.float32)
    inp['gn2_bias'] = jnp.zeros((H,), jnp.float32)
    inp['gn2_mean_scale'] = jnp.ones((H,), jnp.float32)
    inp['W3'] = lin(ks[4], H, H)
    inp['b3'] = jnp.zeros((H,), jnp.float32)
    inp['Wd'] = lin(ks[5], H, H)
    inp['bd'] = jnp.zeros((H,), jnp.float32)
    inp['Wo'] = lin(ks[6], H, C)
    inp['bo'] = jnp.zeros((C,), jnp.float32)
    return inp


def graph_norm(x, batch, weight, bias, mean_scale, num_graphs):
    ones = jnp.ones((x.shape[0], 1), x.dtype)
    cnt = jnp.maximum(jax.ops.segment_sum(ones, batch, num_segments=num_graphs), 1.0)
    mean = jax.ops.segment_sum(x, batch, num_segments=num_graphs) / cnt
    out = x - mean_scale[None, :] * mean[batch]
    var = jax.ops.segment_sum(out * out, batch, num_segments=num_graphs) / cnt
    std = jnp.sqrt(var + EPS)
    return weight[None, :] * out / std[batch] + bias[None, :]


def gcn_conv(x, edge_index, W, b, num_nodes):
    # PyG GCNConv: linear transform, add self-loops, symmetric normalization, scatter-add, add bias
    h = x @ W
    loop = jnp.arange(num_nodes, dtype=edge_index.dtype)
    src = jnp.concatenate([edge_index[0], loop])
    dst = jnp.concatenate([edge_index[1], loop])
    deg = jax.ops.segment_sum(jnp.ones_like(src, dtype=h.dtype), dst, num_segments=num_nodes)
    dinv = jnp.where(deg > 0, 1.0 / jnp.sqrt(deg), 0.0)
    norm = dinv[src] * dinv[dst]
    msg = h[src] * norm[:, None]
    out = jax.ops.segment_sum(msg, dst, num_segments=num_nodes)
    return out + b[None, :]


def reference(x, edge_index, batch, gn0_weight, gn0_bias, gn0_mean_scale, W1, b1,
              gn1_weight, gn1_bias, gn1_mean_scale, W2, b2,
              gn2_weight, gn2_bias, gn2_mean_scale, W3, b3, Wd, bd, Wo, bo):
    num_nodes = x.shape[0]
    h = graph_norm(x, batch, gn0_weight, gn0_bias, gn0_mean_scale, 1)
    h = jax.nn.relu(gcn_conv(h, edge_index, W1, b1, num_nodes))
    h = graph_norm(h, batch, gn1_weight, gn1_bias, gn1_mean_scale, 1)
    h = jax.nn.relu(gcn_conv(h, edge_index, W2, b2, num_nodes))
    h = graph_norm(h, batch, gn2_weight, gn2_bias, gn2_mean_scale, 1)
    h = jax.nn.relu(gcn_conv(h, edge_index, W3, b3, num_nodes))
    # global mean pool over batch (single graph)
    cnt = jnp.maximum(jax.ops.segment_sum(jnp.ones((num_nodes, 1), h.dtype), batch, num_segments=1), 1.0)
    pooled = jax.ops.segment_sum(h, batch, num_segments=1) / cnt
    # dropout is identity in eval mode
    d = jax.nn.relu(pooled @ Wd + bd[None, :])
    logits = d @ Wo + bo[None, :]
    return jax.nn.softmax(logits, axis=1)

if __name__ == "__main__":
    import jax
    _d = setup_inputs()
    print(jax.jit(kernel)(*tuple(_d.values())))

</pallas_src>

<mosaic_0001>
#map = affine_map<(d0, d1) -> (0, 0, 0)>
#map1 = affine_map<(d0, d1) -> (0, 0)>
module attributes {stable_mosaic.version = 14 : i64} {
  func.func @sc_degree(%arg0: i32, %arg1: i32, %arg2: memref<32x125x80xi32, #tpu.memory_space<hbm>>, %arg3: memref<10000x16xf32, #tpu.memory_space<hbm>>, %arg4: memref<80x16xf32, #tpu.memory_space<hbm>>, %arg5: memref<2x10000x16xf32, #tpu.memory_space<hbm>>, %arg6: memref<125x80xi32, #tpu.memory_space<vmem>>, %arg7: memref<80x16xf32, #tpu.memory_space<vmem>>, %arg8: memref<10016x16xf32, #tpu.memory_space<vmem_shared>>, %arg9: memref<!tpu.dma_semaphore, #tpu.memory_space<semaphore_mem>>, %arg10: memref<!tpu.dma_semaphore, #tpu.memory_space<semaphore_mem>>) attributes {dimension_semantics = [#tpu.dimension_semantics<core_parallel>, #tpu.dimension_semantics<subcore_parallel>], iteration_bounds = array<i64: 2, 16>, scalar_prefetch = 0 : i64, scratch_operands = 5 : i64, tpu.core_type = #tpu.core_type<sc_vector_subcore>, window_params = [{transform_indices = #map}, {transform_indices = #map1}, {transform_indices = #map1}, {transform_indices = #map}]} {
    %mul3A = arith.constant 16 : i32
    %mul3A_0 = arith.muli %arg0, %mul3A : i32
    %add3A = arith.addi %mul3A_0, %arg1 : i32
    %mul3A_1 = arith.constant 625 : i32
    %mul3A_2 = arith.muli %arg1, %mul3A_1 : i32
    %mul3A_3 = arith.constant 625 : i32
    %mul3A_4 = arith.muli %arg1, %mul3A_3 : i32
    "tpu.region"() ({
      %run_scoped3A_17 = tpu.sem_alloc : memref<!tpu.dma_semaphore, #tpu.memory_space<semaphore_mem>>
      %dma_start3A = arith.constant 0 : i32
      %dma_start3A_18 = tpu.memref_slice %arg8[%mul3A_4, %dma_start3A] : memref<10016x16xf32, #tpu.memory_space<vmem_shared>> -> memref<625x16xf32, #tpu.memory_space<vmem_shared>>
      %dma_start3A_19 = arith.constant 0 : i32
      %dma_start3A_20 = tpu.memref_slice %arg3[%mul3A_2, %dma_start3A_19] : memref<10000x16xf32, #tpu.memory_space<hbm>> -> memref<625x16xf32, #tpu.memory_space<hbm>>
      tpu.enqueue_dma source(%dma_start3A_20 : memref<625x16xf32, #tpu.memory_space<hbm>>) target(%dma_start3A_18 : memref<625x16xf32, #tpu.memory_space<vmem_shared>>) target_semaphore(%run_scoped3A_17 : memref<!tpu.dma_semaphore, #tpu.memory_space<semaphore_mem>>)
      %dma_wait3A = arith.constant 0 : i32
      %dma_wait3A_21 = tpu.memref_slice %arg8[%mul3A_4, %dma_wait3A] : memref<10016x16xf32, #tpu.memory_space<vmem_shared>> -> memref<625x16xf32, #tpu.memory_space<vmem_shared>>
      %dma_wait3A_22 = arith.constant 0 : i32
      %dma_wait3A_23 = tpu.memref_slice %arg3[%mul3A_2, %dma_wait3A_22] : memref<10000x16xf32, #tpu.memory_space<hbm>> -> memref<625x16xf32, #tpu.memory_space<hbm>>
      tpu.wait_dma2 semaphore(%run_scoped3A_17 : memref<!tpu.dma_semaphore, #tpu.memory_space<semaphore_mem>>) src(%dma_wait3A_23 : memref<625x16xf32, #tpu.memory_space<hbm>>) dst(%dma_wait3A_21 : memref<625x16xf32, #tpu.memory_space<vmem_shared>>)
      tpu.yield
    }) : () -> ()
    %eq3A = arith.constant 0 : i32
    %eq3A_5 = arith.cmpi eq, %arg1, %eq3A : i32
    %convert_element_type3A = arith.extui %eq3A_5 : i1 to i32
    %cond3A = arith.constant 0 : i32
    %cond3A_6 = arith.cmpi ne, %convert_element_type3A, %cond3A : i32
    scf.if %cond3A_6 {
      "tpu.region"() ({
        %run_scoped3A_17 = tpu.sem_alloc : memref<!tpu.dma_semaphore, #tpu.memory_space<semaphore_mem>>
        %dma_start3A = arith.constant 10000 : i32
        %dma_start3A_18 = arith.constant 0 : i32
        %dma_start3A_19 = tpu.memref_slice %arg8[%dma_start3A, %dma_start3A_18] : memref<10016x16xf32, #tpu.memory_space<vmem_shared>> -> memref<16x16xf32, #tpu.memory_space<vmem_shared>>
        %dma_start3A_20 = arith.constant 0 : i32
        %dma_start3A_21 = arith.constant 0 : i32
        %dma_start3A_22 = tpu.memref_slice %arg3[%dma_start3A_20, %dma_start3A_21] : memref<10000x16xf32, #tpu.memory_space<hbm>> -> memref<16x16xf32, #tpu.memory_space<hbm>>
        tpu.enqueue_dma source(%dma_start3A_22 : memref<16x16xf32, #tpu.memory_space<hbm>>) target(%dma_start3A_19 : memref<16x16xf32, #tpu.memory_space<vmem_shared>>) target_semaphore(%run_scoped3A_17 : memref<!tpu.dma_semaphore, #tpu.memory_space<semaphore_mem>>)
        %dma_wait3A = arith.constant 10000 : i32
        %dma_wait3A_23 = arith.constant 0 : i32
        %dma_wait3A_24 = tpu.memref_slice %arg8[%dma_wait3A, %dma_wait3A_23] : memref<10016x16xf32, #tpu.memory_space<vmem_shared>> -> memref<16x16xf32, #tpu.memory_space<vmem_shared>>
        %dma_wait3A_25 = arith.constant 0 : i32
        %dma_wait3A_26 = arith.constant 0 : i32
        %dma_wait3A_27 = tpu.memref_slice %arg3[%dma_wait3A_25, %dma_wait3A_26] : memref<10000x16xf32, #tpu.memory_space<hbm>> -> memref<16x16xf32, #tpu.memory_space<hbm>>
        tpu.wait_dma2 semaphore(%run_scoped3A_17 : memref<!tpu.dma_semaphore, #tpu.memory_space<semaphore_mem>>) src(%dma_wait3A_27 : memref<16x16xf32, #tpu.memory_space<hbm>>) dst(%dma_wait3A_24 : memref<16x16xf32, #tpu.memory_space<vmem_shared>>)
        tpu.yield
      }) : () -> ()
    } else {
    }
    "tpu.region"() ({
      %run_scoped3A_17 = tpu.sem_alloc : memref<!tpu.dma_semaphore, #tpu.memory_space<semaphore_mem>>
      tpu.enqueue_dma source(%arg4 : memref<80x16xf32, #tpu.memory_space<hbm>>) target(%arg7 : memref<80x16xf32, #tpu.memory_space<vmem>>) target_semaphore(%run_scoped3A_17 : memref<!tpu.dma_semaphore, #tpu.memory_space<semaphore_mem>>)
      tpu.wait_dma2 semaphore(%run_scoped3A_17 : memref<!tpu.dma_semaphore, #tpu.memory_space<semaphore_mem>>) src(%arg4 : memref<80x16xf32, #tpu.memory_space<hbm>>) dst(%arg7 : memref<80x16xf32, #tpu.memory_space<vmem>>)
      tpu.yield
    }) : () -> ()
    "tpu.region"() ({
      %run_scoped3A_17 = tpu.sem_alloc : memref<!tpu.dma_semaphore, #tpu.memory_space<semaphore_mem>>
      %dma_start3A = arith.constant 0 : i32
      %dma_start3A_18 = arith.constant 0 : i32
      %dma_start3A_19 = tpu.memref_slice %arg2[%add3A, %dma_start3A, %dma_start3A_18] : memref<32x125x80xi32, #tpu.memory_space<hbm>> -> memref<1x125x80xi32, #tpu.memory_space<hbm>>
      %dma_start3A_20 = tpu.memref_squeeze %dma_start3A_19 : memref<1x125x80xi32, #tpu.memory_space<hbm>> -> memref<125x80xi32, #tpu.memory_space<hbm>>
      %dma_start3A_21 = arith.constant 0 : i32
      %dma_start3A_22 = arith.constant 0 : i32
      %dma_start3A_23 = tpu.memref_slice %arg2[%add3A, %dma_start3A_21, %dma_start3A_22] : memref<32x125x80xi32, #tpu.memory_space<hbm>> -> memref<1x125x80xi32, #tpu.memory_space<hbm>>
      %dma_start3A_24 = tpu.memref_squeeze %dma_start3A_23 : memref<1x125x80xi32, #tpu.memory_space<hbm>> -> memref<125x80xi32, #tpu.memory_space<hbm>>
      tpu.enqueue_dma source(%dma_start3A_24 : memref<125x80xi32, #tpu.memory_space<hbm>>) target(%arg6 : memref<125x80xi32, #tpu.memory_space<vmem>>) target_semaphore(%run_scoped3A_17 : memref<!tpu.dma_semaphore, #tpu.memory_space<semaphore_mem>>)
      %dma_wait3A = arith.constant 0 : i32
      %dma_wait3A_25 = arith.constant 0 : i32
      %dma_wait3A_26 = tpu.memref_slice %arg2[%add3A, %dma_wait3A, %dma_wait3A_25] : memref<32x125x80xi32, #tpu.memory_space<hbm>> -> memref<1x125x80xi32, #tpu.memory_space<hbm>>
      %dma_wait3A_27 = tpu.memref_squeeze %dma_wait3A_26 : memref<1x125x80xi32, #tpu.memory_space<hbm>> -> memref<125x80xi32, #tpu.memory_space<hbm>>
      %dma_wait3A_28 = arith.constant 0 : i32
      %dma_wait3A_29 = arith.constant 0 : i32
      %dma_wait3A_30 = tpu.memref_slice %arg2[%add3A, %dma_wait3A_28, %dma_wait3A_29] : memref<32x125x80xi32, #tpu.memory_space<hbm>> -> memref<1x125x80xi32, #tpu.memory_space<hbm>>
      %dma_wait3A_31 = tpu.memref_squeeze %dma_wait3A_30 : memref<1x125x80xi32, #tpu.memory_space<hbm>> -> memref<125x80xi32, #tpu.memory_space<hbm>>
      tpu.wait_dma2 semaphore(%run_scoped3A_17 : memref<!tpu.dma_semaphore, #tpu.memory_space<semaphore_mem>>) src(%dma_wait3A_31 : memref<125x80xi32, #tpu.memory_space<hbm>>) dst(%arg6 : memref<125x80xi32, #tpu.memory_space<vmem>>)
      tpu.yield
    }) : () -> ()
    %barrier3A = arith.constant 0 : index
    tpu.barrier barrier_id(%barrier3A)
    %scan3A = arith.constant 0 : i32
    %scan3A_7 = arith.constant 0 : i32
    %scan3A_8 = arith.constant 62 : i32
    %scan3A_9 = arith.addi %scan3A_7, %scan3A_8 : i32
    %scan3A_10 = arith.constant 1 : i32
    scf.for %scan3A_17 = %scan3A_7 to %scan3A_9 step %scan3A_10  : i32 {
      %mul3A_18 = arith.constant 2 : i32
      %mul3A_19 = arith.muli %mul3A_18, %scan3A_17 : i32
      %dma_start3A = arith.constant 0 : i32
      %dma_start3A_20 = tpu.memref_slice %arg6[%mul3A_19, %dma_start3A] : memref<125x80xi32, #tpu.memory_space<vmem>> -> memref<1x80xi32, #tpu.memory_space<vmem>>
      %dma_start3A_21 = tpu.memref_squeeze %dma_start3A_20 : memref<1x80xi32, #tpu.memory_space<vmem>> -> memref<80xi32, #tpu.memory_space<vmem>>
      %dma_start3A_22 = arith.constant 0 : i32
      %dma_start3A_23 = arith.constant 0 : i32
      %dma_start3A_24 = tpu.memref_slice %arg8[%dma_start3A_22, %dma_start3A_23] : memref<10016x16xf32, #tpu.memory_space<vmem_shared>> -> memref<10016x16xf32, #tpu.memory_space<vmem_shared>>
      tpu.enqueue_indirect_dma source(%arg7 : memref<80x16xf32, #tpu.memory_space<vmem>>) target(%dma_start3A_24 : memref<10016x16xf32, #tpu.memory_space<vmem_shared>>) offsets(%dma_start3A_21 : memref<80xi32, #tpu.memory_space<vmem>>) semaphore(%arg9 : memref<!tpu.dma_semaphore, #tpu.memory_space<semaphore_mem>>) {add = true}
      %add3A_25 = arith.constant 1 : i32
      %add3A_26 = arith.addi %mul3A_19, %add3A_25 : i32
      %dma_start3A_27 = arith.constant 0 : i32
      %dma_start3A_28 = tpu.memref_slice %arg6[%add3A_26, %dma_start3A_27] : memref<125x80xi32, #tpu.memory_space<vmem>> -> memref<1x80xi32, #tpu.memory_space<vmem>>
      %dma_start3A_29 = tpu.memref_squeeze %dma_start3A_28 : memref<1x80xi32, #tpu.memory_space<vmem>> -> memref<80xi32, #tpu.memory_space<vmem>>
      %dma_start3A_30 = arith.constant 0 : i32
      %dma_start3A_31 = arith.constant 0 : i32
      %dma_start3A_32 = tpu.memref_slice %arg8[%dma_start3A_30, %dma_start3A_31] : memref<10016x16xf32, #tpu.memory_space<vmem_shared>> -> memref<10016x16xf32, #tpu.memory_space<vmem_shared>>
      tpu.enqueue_indirect_dma source(%arg7 : memref<80x16xf32, #tpu.memory_space<vmem>>) target(%dma_start3A_32 : memref<10016x16xf32, #tpu.memory_space<vmem_shared>>) offsets(%dma_start3A_29 : memref<80xi32, #tpu.memory_space<vmem>>) semaphore(%arg10 : memref<!tpu.dma_semaphore, #tpu.memory_space<semaphore_mem>>) {add = true}
      %dma_wait3A = arith.constant 0 : i32
      %dma_wait3A_33 = tpu.memref_slice %arg6[%mul3A_19, %dma_wait3A] : memref<125x80xi32, #tpu.memory_space<vmem>> -> memref<1x80xi32, #tpu.memory_space<vmem>>
      %dma_wait3A_34 = tpu.memref_squeeze %dma_wait3A_33 : memref<1x80xi32, #tpu.memory_space<vmem>> -> memref<80xi32, #tpu.memory_space<vmem>>
      %dma_wait3A_35 = arith.constant 0 : i32
      %dma_wait3A_36 = arith.constant 0 : i32
      %dma_wait3A_37 = tpu.memref_slice %arg8[%dma_wait3A_35, %dma_wait3A_36] : memref<10016x16xf32, #tpu.memory_space<vmem_shared>> -> memref<10016x16xf32, #tpu.memory_space<vmem_shared>>
      tpu.wait_indirect_dma semaphore(%arg9 : memref<!tpu.dma_semaphore, #tpu.memory_space<semaphore_mem>>) src(%arg7 : memref<80x16xf32, #tpu.memory_space<vmem>>) dst(%dma_wait3A_37 : memref<10016x16xf32, #tpu.memory_space<vmem_shared>>)
      %add3A_38 = arith.constant 1 : i32
      %add3A_39 = arith.addi %mul3A_19, %add3A_38 : i32
      %dma_wait3A_40 = arith.constant 0 : i32
      %dma_wait3A_41 = tpu.memref_slice %arg6[%add3A_39, %dma_wait3A_40] : memref<125x80xi32, #tpu.memory_space<vmem>> -> memref<1x80xi32, #tpu.memory_space<vmem>>
      %dma_wait3A_42 = tpu.memref_squeeze %dma_wait3A_41 : memref<1x80xi32, #tpu.memory_space<vmem>> -> memref<80xi32, #tpu.memory_space<vmem>>
      %dma_wait3A_43 = arith.constant 0 : i32
      %dma_wait3A_44 = arith.constant 0 : i32
      %dma_wait3A_45 = tpu.memref_slice %arg8[%dma_wait3A_43, %dma_wait3A_44] : memref<10016x16xf32, #tpu.memory_space<vmem_shared>> -> memref<10016x16xf32, #tpu.memory_space<vmem_shared>>
      tpu.wait_indirect_dma semaphore(%arg10 : memref<!tpu.dma_semaphore, #tpu.memory_space<semaphore_mem>>) src(%arg7 : memref<80x16xf32, #tpu.memory_space<vmem>>) dst(%dma_wait3A_45 : memref<10016x16xf32, #tpu.memory_space<vmem_shared>>)
    }
    %scan3A_11 = arith.constant 62 : i32
    %run_scoped3A = arith.constant 124 : i32
    "tpu.region"() ({
      %run_scoped3A_17 = tpu.sem_alloc : memref<!tpu.dma_semaphore, #tpu.memory_space<semaphore_mem>>
      %dma_start3A = arith.constant 0 : i32
      %dma_start3A_18 = tpu.memref_slice %arg6[%run_scoped3A, %dma_start3A] : memref<125x80xi32, #tpu.memory_space<vmem>> -> memref<1x80xi32, #tpu.memory_space<vmem>>
      %dma_start3A_19 = tpu.memref_squeeze %dma_start3A_18 : memref<1x80xi32, #tpu.memory_space<vmem>> -> memref<80xi32, #tpu.memory_space<vmem>>
      %dma_start3A_20 = arith.constant 0 : i32
      %dma_start3A_21 = arith.constant 0 : i32
      %dma_start3A_22 = tpu.memref_slice %arg8[%dma_start3A_20, %dma_start3A_21] : memref<10016x16xf32, #tpu.memory_space<vmem_shared>> -> memref<10016x16xf32, #tpu.memory_space<vmem_shared>>
      tpu.enqueue_indirect_dma source(%arg7 : memref<80x16xf32, #tpu.memory_space<vmem>>) target(%dma_start3A_22 : memref<10016x16xf32, #tpu.memory_space<vmem_shared>>) offsets(%dma_start3A_19 : memref<80xi32, #tpu.memory_space<vmem>>) semaphore(%run_scoped3A_17 : memref<!tpu.dma_semaphore, #tpu.memory_space<semaphore_mem>>) {add = true}
      %dma_wait3A = arith.constant 0 : i32
      %dma_wait3A_23 = tpu.memref_slice %arg6[%run_scoped3A, %dma_wait3A] : memref<125x80xi32, #tpu.memory_space<vmem>> -> memref<1x80xi32, #tpu.memory_space<vmem>>
      %dma_wait3A_24 = tpu.memref_squeeze %dma_wait3A_23 : memref<1x80xi32, #tpu.memory_space<vmem>> -> memref<80xi32, #tpu.memory_space<vmem>>
      %dma_wait3A_25 = arith.constant 0 : i32
      %dma_wait3A_26 = arith.constant 0 : i32
      %dma_wait3A_27 = tpu.memref_slice %arg8[%dma_wait3A_25, %dma_wait3A_26] : memref<10016x16xf32, #tpu.memory_space<vmem_shared>> -> memref<10016x16xf32, #tpu.memory_space<vmem_shared>>
      tpu.wait_indirect_dma semaphore(%run_scoped3A_17 : memref<!tpu.dma_semaphore, #tpu.memory_space<semaphore_mem>>) src(%arg7 : memref<80x16xf32, #tpu.memory_space<vmem>>) dst(%dma_wait3A_27 : memref<10016x16xf32, #tpu.memory_space<vmem_shared>>)
      tpu.yield
    }) : () -> ()
    %barrier3A_12 = arith.constant 0 : index
    tpu.barrier barrier_id(%barrier3A_12)
    %mul3A_13 = arith.constant 625 : i32
    %mul3A_14 = arith.muli %arg1, %mul3A_13 : i32
    %mul3A_15 = arith.constant 625 : i32
    %mul3A_16 = arith.muli %arg1, %mul3A_15 : i32
    "tpu.region"() ({
      %run_scoped3A_17 = tpu.sem_alloc : memref<!tpu.dma_semaphore, #tpu.memory_space<semaphore_mem>>
      %dma_start3A = arith.constant 0 : i32
      %dma_start3A_18 = tpu.memref_slice %arg5[%arg0, %mul3A_16, %dma_start3A] : memref<2x10000x16xf32, #tpu.memory_space<hbm>> -> memref<1x625x16xf32, #tpu.memory_space<hbm>>
      %dma_start3A_19 = tpu.memref_squeeze %dma_start3A_18 : memref<1x625x16xf32, #tpu.memory_space<hbm>> -> memref<625x16xf32, #tpu.memory_space<hbm>>
      %dma_start3A_20 = arith.constant 0 : i32
      %dma_start3A_21 = tpu.memref_slice %arg8[%mul3A_14, %dma_start3A_20] : memref<10016x16xf32, #tpu.memory_space<vmem_shared>> -> memref<625x16xf32, #tpu.memory_space<vmem_shared>>
      tpu.enqueue_dma source(%dma_start3A_21 : memref<625x16xf32, #tpu.memory_space<vmem_shared>>) target(%dma_start3A_19 : memref<625x16xf32, #tpu.memory_space<hbm>>) target_semaphore(%run_scoped3A_17 : memref<!tpu.dma_semaphore, #tpu.memory_space<semaphore_mem>>)
      %dma_wait3A = arith.constant 0 : i32
      %dma_wait3A_22 = tpu.memref_slice %arg5[%arg0, %mul3A_16, %dma_wait3A] : memref<2x10000x16xf32, #tpu.memory_space<hbm>> -> memref<1x625x16xf32, #tpu.memory_space<hbm>>
      %dma_wait3A_23 = tpu.memref_squeeze %dma_wait3A_22 : memref<1x625x16xf32, #tpu.memory_space<hbm>> -> memref<625x16xf32, #tpu.memory_space<hbm>>
      %dma_wait3A_24 = arith.constant 0 : i32
      %dma_wait3A_25 = tpu.memref_slice %arg8[%mul3A_14, %dma_wait3A_24] : memref<10016x16xf32, #tpu.memory_space<vmem_shared>> -> memref<625x16xf32, #tpu.memory_space<vmem_shared>>
      tpu.wait_dma2 semaphore(%run_scoped3A_17 : memref<!tpu.dma_semaphore, #tpu.memory_space<semaphore_mem>>) src(%dma_wait3A_25 : memref<625x16xf32, #tpu.memory_space<vmem_shared>>) dst(%dma_wait3A_23 : memref<625x16xf32, #tpu.memory_space<hbm>>)
      tpu.yield
    }) : () -> ()
    return
  }
}

#map = affine_map<(d0, d1) -> (0, 0)>
#map1 = affine_map<(d0, d1) -> (0, 0, 0)>
module attributes {stable_mosaic.version = 14 : i64} {
  func.func @sc_aggregate(%arg0: i32, %arg1: i32, %arg2: memref<10000x64xf32, #tpu.memory_space<hbm>>, %arg3: memref<32x125x80xi32, #tpu.memory_space<hbm>>, %arg4: memref<32x125x80xi32, #tpu.memory_space<hbm>>, %arg5: memref<10000x64xf32, #tpu.memory_space<hbm>>, %arg6: memref<2x10000x64xf32, #tpu.memory_space<hbm>>, %arg7: memref<125x80xi32, #tpu.memory_space<vmem>>, %arg8: memref<125x80xi32, #tpu.memory_space<vmem>>, %arg9: memref<80x64xf32, #tpu.memory_space<vmem>>, %arg10: memref<80x64xf32, #tpu.memory_space<vmem>>, %arg11: memref<80x64xf32, #tpu.memory_space<vmem>>, %arg12: memref<10016x64xf32, #tpu.memory_space<vmem_shared>>, %arg13: memref<10000x64xf32, #tpu.memory_space<vmem_shared>>, %arg14: memref<!tpu.dma_semaphore, #tpu.memory_space<semaphore_mem>>, %arg15: memref<!tpu.dma_semaphore, #tpu.memory_space<semaphore_mem>>, %arg16: memref<!tpu.dma_semaphore, #tpu.memory_space<semaphore_mem>>, %arg17: memref<!tpu.dma_semaphore, #tpu.memory_space<semaphore_mem>>, %arg18: memref<!tpu.dma_semaphore, #tpu.memory_space<semaphore_mem>>, %arg19: memref<!tpu.dma_semaphore, #tpu.memory_space<semaphore_mem>>) attributes {dimension_semantics = [#tpu.dimension_semantics<core_parallel>, #tpu.dimension_semantics<subcore_parallel>], iteration_bounds = array<i64: 2, 16>, scalar_prefetch = 0 : i64, scratch_operands = 13 : i64, tpu.core_type = #tpu.core_type<sc_vector_subcore>, window_params = [{transform_indices = #map}, {transform_indices = #map1}, {transform_indices = #map1}, {transform_indices = #map}, {transform_indices = #map1}]} {
    %mul3A = arith.constant 16 : i32
    %mul3A_0 = arith.muli %arg0, %mul3A : i32
    %add3A = arith.addi %mul3A_0, %arg1 : i32
    %mul3A_1 = arith.constant 625 : i32
    %mul3A_2 = arith.muli %arg1, %mul3A_1 : i32
    %mul3A_3 = arith.constant 625 : i32
    %mul3A_4 = arith.muli %arg1, %mul3A_3 : i32
    %dma_start3A = arith.constant 0 : i32
    %dma_start3A_5 = tpu.memref_slice %arg12[%mul3A_4, %dma_start3A] : memref<10016x64xf32, #tpu.memory_space<vmem_shared>> -> memref<625x64xf32, #tpu.memory_space<vmem_shared>>
    %dma_start3A_6 = arith.constant 0 : i32
    %dma_start3A_7 = tpu.memref_slice %arg5[%mul3A_2, %dma_start3A_6] : memref<10000x64xf32, #tpu.memory_space<hbm>> -> memref<625x64xf32, #tpu.memory_space<hbm>>
    tpu.enqueue_dma source(%dma_start3A_7 : memref<625x64xf32, #tpu.memory_space<hbm>>) target(%dma_start3A_5 : memref<625x64xf32, #tpu.memory_space<vmem_shared>>) target_semaphore(%arg14 : memref<!tpu.dma_semaphore, #tpu.memory_space<semaphore_mem>>)
    %mul3A_8 = arith.constant 625 : i32
    %mul3A_9 = arith.muli %arg1, %mul3A_8 : i32
    %mul3A_10 = arith.constant 625 : i32
    %mul3A_11 = arith.muli %arg1, %mul3A_10 : i32
    %dma_start3A_12 = arith.constant 0 : i32
    %dma_start3A_13 = tpu.memref_slice %arg13[%mul3A_11, %dma_start3A_12] : memref<10000x64xf32, #tpu.memory_space<vmem_shared>> -> memref<625x64xf32, #tpu.memory_space<vmem_shared>>
    %dma_start3A_14 = arith.constant 0 : i32
    %dma_start3A_15 = tpu.memref_slice %arg2[%mul3A_9, %dma_start3A_14] : memref<10000x64xf32, #tpu.memory_space<hbm>> -> memref<625x64xf32, #tpu.memory_space<hbm>>
    tpu.enqueue_dma source(%dma_start3A_15 : memref<625x64xf32, #tpu.memory_space<hbm>>) target(%dma_start3A_13 : memref<625x64xf32, #tpu.memory_space<vmem_shared>>) target_semaphore(%arg15 : memref<!tpu.dma_semaphore, #tpu.memory_space<semaphore_mem>>)
    %dma_start3A_16 = arith.constant 0 : i32
    %dma_start3A_17 = arith.constant 0 : i32
    %dma_start3A_18 = tpu.memref_slice %arg3[%add3A, %dma_start3A_16, %dma_start3A_17] : memref<32x125x80xi32, #tpu.memory_space<hbm>> -> memref<1x125x80xi32, #tpu.memory_space<hbm>>
    %dma_start3A_19 = tpu.memref_squeeze %dma_start3A_18 : memref<1x125x80xi32, #tpu.memory_space<hbm>> -> memref<125x80xi32, #tpu.memory_space<hbm>>
    %dma_start3A_20 = arith.constant 0 : i32
    %dma_start3A_21 = arith.constant 0 : i32
    %dma_start3A_22 = tpu.memref_slice %arg3[%add3A, %dma_start3A_20, %dma_start3A_21] : memref<32x125x80xi32, #tpu.memory_space<hbm>> -> memref<1x125x80xi32, #tpu.memory_space<hbm>>
    %dma_start3A_23 = tpu.memref_squeeze %dma_start3A_22 : memref<1x125x80xi32, #tpu.memory_space<hbm>> -> memref<125x80xi32, #tpu.memory_space<hbm>>
    tpu.enqueue_dma source(%dma_start3A_23 : memref<125x80xi32, #tpu.memory_space<hbm>>) target(%arg7 : memref<125x80xi32, #tpu.memory_space<vmem>>) target_semaphore(%arg17 : memref<!tpu.dma_semaphore, #tpu.memory_space<semaphore_mem>>)
    %dma_start3A_24 = arith.constant 0 : i32
    %dma_start3A_25 = arith.constant 0 : i32
    %dma_start3A_26 = tpu.memref_slice %arg4[%add3A, %dma_start3A_24, %dma_start3A_25] : memref<32x125x80xi32, #tpu.memory_space<hbm>> -> memref<1x125x80xi32, #tpu.memory_space<hbm>>
    %dma_start3A_27 = tpu.memref_squeeze %dma_start3A_26 : memref<1x125x80xi32, #tpu.memory_space<hbm>> -> memref<125x80xi32, #tpu.memory_space<hbm>>
    %dma_start3A_28 = arith.constant 0 : i32
    %dma_start3A_29 = arith.constant 0 : i32
    %dma_start3A_30 = tpu.memref_slice %arg4[%add3A, %dma_start3A_28, %dma_start3A_29] : memref<32x125x80xi32, #tpu.memory_space<hbm>> -> memref<1x125x80xi32, #tpu.memory_space<hbm>>
    %dma_start3A_31 = tpu.memref_squeeze %dma_start3A_30 : memref<1x125x80xi32, #tpu.memory_space<hbm>> -> memref<125x80xi32, #tpu.memory_space<hbm>>
    tpu.enqueue_dma source(%dma_start3A_31 : memref<125x80xi32, #tpu.memory_space<hbm>>) target(%arg8 : memref<125x80xi32, #tpu.memory_space<vmem>>) target_semaphore(%arg18 : memref<!tpu.dma_semaphore, #tpu.memory_space<semaphore_mem>>)
    %eq3A = arith.constant 0 : i32
    %eq3A_32 = arith.cmpi eq, %arg1, %eq3A : i32
    %convert_element_type3A = arith.extui %eq3A_32 : i1 to i32
    %cond3A = arith.constant 0 : i32
    %cond3A_33 = arith.cmpi ne, %convert_element_type3A, %cond3A : i32
    scf.if %cond3A_33 {
      "tpu.region"() ({
        %run_scoped3A_162 = tpu.sem_alloc : memref<!tpu.dma_semaphore, #tpu.memory_space<semaphore_mem>>
        %dma_start3A_163 = arith.constant 10000 : i32
        %dma_start3A_164 = arith.constant 0 : i32
        %dma_start3A_165 = tpu.memref_slice %arg12[%dma_start3A_163, %dma_start3A_164] : memref<10016x64xf32, #tpu.memory_space<vmem_shared>> -> memref<16x64xf32, #tpu.memory_space<vmem_shared>>
        %dma_start3A_166 = arith.constant 0 : i32
        %dma_start3A_167 = arith.constant 0 : i32
        %dma_start3A_168 = tpu.memref_slice %arg5[%dma_start3A_166, %dma_start3A_167] : memref<10000x64xf32, #tpu.memory_space<hbm>> -> memref<16x64xf32, #tpu.memory_space<hbm>>
        tpu.enqueue_dma source(%dma_start3A_168 : memref<16x64xf32, #tpu.memory_space<hbm>>) target(%dma_start3A_165 : memref<16x64xf32, #tpu.memory_space<vmem_shared>>) target_semaphore(%run_scoped3A_162 : memref<!tpu.dma_semaphore, #tpu.memory_space<semaphore_mem>>)
        %dma_wait3A_169 = arith.constant 10000 : i32
        %dma_wait3A_170 = arith.constant 0 : i32
        %dma_wait3A_171 = tpu.memref_slice %arg12[%dma_wait3A_169, %dma_wait3A_170] : memref<10016x64xf32, #tpu.memory_space<vmem_shared>> -> memref<16x64xf32, #tpu.memory_space<vmem_shared>>
        %dma_wait3A_172 = arith.constant 0 : i32
        %dma_wait3A_173 = arith.constant 0 : i32
        %dma_wait3A_174 = tpu.memref_slice %arg5[%dma_wait3A_172, %dma_wait3A_173] : memref<10000x64xf32, #tpu.memory_space<hbm>> -> memref<16x64xf32, #tpu.memory_space<hbm>>
        tpu.wait_dma2 semaphore(%run_scoped3A_162 : memref<!tpu.dma_semaphore, #tpu.memory_space<semaphore_mem>>) src(%dma_wait3A_174 : memref<16x64xf32, #tpu.memory_space<hbm>>) dst(%dma_wait3A_171 : memref<16x64xf32, #tpu.memory_space<vmem_shared>>)
        tpu.yield
      }) : () -> ()
    } else {
    }
    %mul3A_34 = arith.constant 625 : i32
    %mul3A_35 = arith.muli %arg1, %mul3A_34 : i32
    %mul3A_36 = arith.constant 625 : i32
    %mul3A_37 = arith.muli %arg1, %mul3A_36 : i32
    %dma_wait3A = arith.constant 0 : i32
    %dma_wait3A_38 = tpu.memref_slice %arg12[%mul3A_37, %dma_wait3A] : memref<10016x64xf32, #tpu.memory_space<vmem_shared>> -> memref<625x64xf32, #tpu.memory_space<vmem_shared>>
    %dma_wait3A_39 = arith.constant 0 : i32
    %dma_wait3A_40 = tpu.memref_slice %arg5[%mul3A_35, %dma_wait3A_39] : memref<10000x64xf32, #tpu.memory_space<hbm>> -> memref<625x64xf32, #tpu.memory_space<hbm>>
    tpu.wait_dma2 semaphore(%arg14 : memref<!tpu.dma_semaphore, #tpu.memory_space<semaphore_mem>>) src(%dma_wait3A_40 : memref<625x64xf32, #tpu.memory_space<hbm>>) dst(%dma_wait3A_38 : memref<625x64xf32, #tpu.memory_space<vmem_shared>>)
    %mul3A_41 = arith.constant 625 : i32
    %mul3A_42 = arith.muli %arg1, %mul3A_41 : i32
    %mul3A_43 = arith.constant 625 : i32
    %mul3A_44 = arith.muli %arg1, %mul3A_43 : i32
    %dma_wait3A_45 = arith.constant 0 : i32
    %dma_wait3A_46 = tpu.memref_slice %arg13[%mul3A_44, %dma_wait3A_45] : memref<10000x64xf32, #tpu.memory_space<vmem_shared>> -> memref<625x64xf32, #tpu.memory_space<vmem_shared>>
    %dma_wait3A_47 = arith.constant 0 : i32
    %dma_wait3A_48 = tpu.memref_slice %arg2[%mul3A_42, %dma_wait3A_47] : memref<10000x64xf32, #tpu.memory_space<hbm>> -> memref<625x64xf32, #tpu.memory_space<hbm>>
    tpu.wait_dma2 semaphore(%arg15 : memref<!tpu.dma_semaphore, #tpu.memory_space<semaphore_mem>>) src(%dma_wait3A_48 : memref<625x64xf32, #tpu.memory_space<hbm>>) dst(%dma_wait3A_46 : memref<625x64xf32, #tpu.memory_space<vmem_shared>>)
    %dma_wait3A_49 = arith.constant 0 : i32
    %dma_wait3A_50 = arith.constant 0 : i32
    %dma_wait3A_51 = tpu.memref_slice %arg3[%add3A, %dma_wait3A_49, %dma_wait3A_50] : memref<32x125x80xi32, #tpu.memory_space<hbm>> -> memref<1x125x80xi32, #tpu.memory_space<hbm>>
    %dma_wait3A_52 = tpu.memref_squeeze %dma_wait3A_51 : memref<1x125x80xi32, #tpu.memory_space<hbm>> -> memref<125x80xi32, #tpu.memory_space<hbm>>
    %dma_wait3A_53 = arith.constant 0 : i32
    %dma_wait3A_54 = arith.constant 0 : i32
    %dma_wait3A_55 = tpu.memref_slice %arg3[%add3A, %dma_wait3A_53, %dma_wait3A_54] : memref<32x125x80xi32, #tpu.memory_space<hbm>> -> memref<1x125x80xi32, #tpu.memory_space<hbm>>
    %dma_wait3A_56 = tpu.memref_squeeze %dma_wait3A_55 : memref<1x125x80xi32, #tpu.memory_space<hbm>> -> memref<125x80xi32, #tpu.memory_space<hbm>>
    tpu.wait_dma2 semaphore(%arg17 : memref<!tpu.dma_semaphore, #tpu.memory_space<semaphore_mem>>) src(%dma_wait3A_56 : memref<125x80xi32, #tpu.memory_space<hbm>>) dst(%arg7 : memref<125x80xi32, #tpu.memory_space<vmem>>)
    %dma_wait3A_57 = arith.constant 0 : i32
    %dma_wait3A_58 = arith.constant 0 : i32
    %dma_wait3A_59 = tpu.memref_slice %arg4[%add3A, %dma_wait3A_57, %dma_wait3A_58] : memref<32x125x80xi32, #tpu.memory_space<hbm>> -> memref<1x125x80xi32, #tpu.memory_space<hbm>>
    %dma_wait3A_60 = tpu.memref_squeeze %dma_wait3A_59 : memref<1x125x80xi32, #tpu.memory_space<hbm>> -> memref<125x80xi32, #tpu.memory_space<hbm>>
    %dma_wait3A_61 = arith.constant 0 : i32
    %dma_wait3A_62 = arith.constant 0 : i32
    %dma_wait3A_63 = tpu.memref_slice %arg4[%add3A, %dma_wait3A_61, %dma_wait3A_62] : memref<32x125x80xi32, #tpu.memory_space<hbm>> -> memref<1x125x80xi32, #tpu.memory_space<hbm>>
    %dma_wait3A_64 = tpu.memref_squeeze %dma_wait3A_63 : memref<1x125x80xi32, #tpu.memory_space<hbm>> -> memref<125x80xi32, #tpu.memory_space<hbm>>
    tpu.wait_dma2 semaphore(%arg18 : memref<!tpu.dma_semaphore, #tpu.memory_space<semaphore_mem>>) src(%dma_wait3A_64 : memref<125x80xi32, #tpu.memory_space<hbm>>) dst(%arg8 : memref<125x80xi32, #tpu.memory_space<vmem>>)
    %barrier3A = arith.constant 0 : index
    tpu.barrier barrier_id(%barrier3A)
    %dma_start3A_65 = arith.constant 0 : i32
    %dma_start3A_66 = arith.constant 0 : i32
    %dma_start3A_67 = tpu.memref_slice %arg7[%dma_start3A_65, %dma_start3A_66] : memref<125x80xi32, #tpu.memory_space<vmem>> -> memref<1x80xi32, #tpu.memory_space<vmem>>
    %dma_start3A_68 = tpu.memref_squeeze %dma_start3A_67 : memref<1x80xi32, #tpu.memory_space<vmem>> -> memref<80xi32, #tpu.memory_space<vmem>>
    %dma_start3A_69 = arith.constant 0 : i32
    %dma_start3A_70 = arith.constant 0 : i32
    %dma_start3A_71 = tpu.memref_slice %arg13[%dma_start3A_69, %dma_start3A_70] : memref<10000x64xf32, #tpu.memory_space<vmem_shared>> -> memref<10000x64xf32, #tpu.memory_space<vmem_shared>>
    tpu.enqueue_indirect_dma source(%dma_start3A_71 : memref<10000x64xf32, #tpu.memory_space<vmem_shared>>) target(%arg9 : memref<80x64xf32, #tpu.memory_space<vmem>>) offsets(%dma_start3A_68 : memref<80xi32, #tpu.memory_space<vmem>>) semaphore(%arg14 : memref<!tpu.dma_semaphore, #tpu.memory_space<semaphore_mem>>)
    %dma_start3A_72 = arith.constant 1 : i32
    %dma_start3A_73 = arith.constant 0 : i32
    %dma_start3A_74 = tpu.memref_slice %arg7[%dma_start3A_72, %dma_start3A_73] : memref<125x80xi32, #tpu.memory_space<vmem>> -> memref<1x80xi32, #tpu.memory_space<vmem>>
    %dma_start3A_75 = tpu.memref_squeeze %dma_start3A_74 : memref<1x80xi32, #tpu.memory_space<vmem>> -> memref<80xi32, #tpu.memory_space<vmem>>
    %dma_start3A_76 = arith.constant 0 : i32
    %dma_start3A_77 = arith.constant 0 : i32
    %dma_start3A_78 = tpu.memref_slice %arg13[%dma_start3A_76, %dma_start3A_77] : memref<10000x64xf32, #tpu.memory_space<vmem_shared>> -> memref<10000x64xf32, #tpu.memory_space<vmem_shared>>
    tpu.enqueue_indirect_dma source(%dma_start3A_78 : memref<10000x64xf32, #tpu.memory_space<vmem_shared>>) target(%arg10 : memref<80x64xf32, #tpu.memory_space<vmem>>) offsets(%dma_start3A_75 : memref<80xi32, #tpu.memory_space<vmem>>) semaphore(%arg15 : memref<!tpu.dma_semaphore, #tpu.memory_space<semaphore_mem>>)
    %dma_start3A_79 = arith.constant 2 : i32
    %dma_start3A_80 = arith.constant 0 : i32
    %dma_start3A_81 = tpu.memref_slice %arg7[%dma_start3A_79, %dma_start3A_80] : memref<125x80xi32, #tpu.memory_space<vmem>> -> memref<1x80xi32, #tpu.memory_space<vmem>>
    %dma_start3A_82 = tpu.memref_squeeze %dma_start3A_81 : memref<1x80xi32, #tpu.memory_space<vmem>> -> memref<80xi32, #tpu.memory_space<vmem>>
    %dma_start3A_83 = arith.constant 0 : i32
    %dma_start3A_84 = arith.constant 0 : i32
    %dma_start3A_85 = tpu.memref_slice %arg13[%dma_start3A_83, %dma_start3A_84] : memref<10000x64xf32, #tpu.memory_space<vmem_shared>> -> memref<10000x64xf32, #tpu.memory_space<vmem_shared>>
    tpu.enqueue_indirect_dma source(%dma_start3A_85 : memref<10000x64xf32, #tpu.memory_space<vmem_shared>>) target(%arg11 : memref<80x64xf32, #tpu.memory_space<vmem>>) offsets(%dma_start3A_82 : memref<80xi32, #tpu.memory_space<vmem>>) semaphore(%arg16 : memref<!tpu.dma_semaphore, #tpu.memory_space<semaphore_mem>>)
    %scan3A = arith.constant 0 : i32
    %scan3A_86 = arith.constant 0 : i32
    %scan3A_87 = arith.constant 40 : i32
    %scan3A_88 = arith.addi %scan3A_86, %scan3A_87 : i32
    %scan3A_89 = arith.constant 1 : i32
    scf.for %scan3A_162 = %scan3A_86 to %scan3A_88 step %scan3A_89  : i32 {
      %mul3A_163 = arith.constant 3 : i32
      %mul3A_164 = arith.muli %mul3A_163, %scan3A_162 : i32
      %add3A_165 = arith.constant 0 : i32
      %add3A_166 = arith.addi %mul3A_164, %add3A_165 : i32
      %dma_wait3A_167 = arith.constant 0 : i32
      %dma_wait3A_168 = tpu.memref_slice %arg7[%add3A_166, %dma_wait3A_167] : memref<125x80xi32, #tpu.memory_space<vmem>> -> memref<1x80xi32, #tpu.memory_space<vmem>>
      %dma_wait3A_169 = tpu.memref_squeeze %dma_wait3A_168 : memref<1x80xi32, #tpu.memory_space<vmem>> -> memref<80xi32, #tpu.memory_space<vmem>>
      %dma_wait3A_170 = arith.constant 0 : i32
      %dma_wait3A_171 = arith.constant 0 : i32
      %dma_wait3A_172 = tpu.memref_slice %arg13[%dma_wait3A_170, %dma_wait3A_171] : memref<10000x64xf32, #tpu.memory_space<vmem_shared>> -> memref<10000x64xf32, #tpu.memory_space<vmem_shared>>
      tpu.wait_indirect_dma semaphore(%arg14 : memref<!tpu.dma_semaphore, #tpu.memory_space<semaphore_mem>>) src(%dma_wait3A_172 : memref<10000x64xf32, #tpu.memory_space<vmem_shared>>) dst(%arg9 : memref<80x64xf32, #tpu.memory_space<vmem>>)
      %add3A_173 = arith.constant 0 : i32
      %add3A_174 = arith.addi %mul3A_164, %add3A_173 : i32
      %dma_start3A_175 = arith.constant 0 : i32
      %dma_start3A_176 = tpu.memref_slice %arg8[%add3A_174, %dma_start3A_175] : memref<125x80xi32, #tpu.memory_space<vmem>> -> memref<1x80xi32, #tpu.memory_space<vmem>>
      %dma_start3A_177 = tpu.memref_squeeze %dma_start3A_176 : memref<1x80xi32, #tpu.memory_space<vmem>> -> memref<80xi32, #tpu.memory_space<vmem>>
      %dma_start3A_178 = arith.constant 0 : i32
      %dma_start3A_179 = arith.constant 0 : i32
      %dma_start3A_180 = tpu.memref_slice %arg12[%dma_start3A_178, %dma_start3A_179] : memref<10016x64xf32, #tpu.memory_space<vmem_shared>> -> memref<10016x64xf32, #tpu.memory_space<vmem_shared>>
      tpu.enqueue_indirect_dma source(%arg9 : memref<80x64xf32, #tpu.memory_space<vmem>>) target(%dma_start3A_180 : memref<10016x64xf32, #tpu.memory_space<vmem_shared>>) offsets(%dma_start3A_177 : memref<80xi32, #tpu.memory_space<vmem>>) semaphore(%arg17 : memref<!tpu.dma_semaphore, #tpu.memory_space<semaphore_mem>>) {add = true}
      %add3A_181 = arith.constant 1 : i32
      %add3A_182 = arith.addi %mul3A_164, %add3A_181 : i32
      %dma_wait3A_183 = arith.constant 0 : i32
      %dma_wait3A_184 = tpu.memref_slice %arg7[%add3A_182, %dma_wait3A_183] : memref<125x80xi32, #tpu.memory_space<vmem>> -> memref<1x80xi32, #tpu.memory_space<vmem>>
      %dma_wait3A_185 = tpu.memref_squeeze %dma_wait3A_184 : memref<1x80xi32, #tpu.memory_space<vmem>> -> memref<80xi32, #tpu.memory_space<vmem>>
      %dma_wait3A_186 = arith.constant 0 : i32
      %dma_wait3A_187 = arith.constant 0 : i32
      %dma_wait3A_188 = tpu.memref_slice %arg13[%dma_wait3A_186, %dma_wait3A_187] : memref<10000x64xf32, #tpu.memory_space<vmem_shared>> -> memref<10000x64xf32, #tpu.memory_space<vmem_shared>>
      tpu.wait_indirect_dma semaphore(%arg15 : memref<!tpu.dma_semaphore, #tpu.memory_space<semaphore_mem>>) src(%dma_wait3A_188 : memref<10000x64xf32, #tpu.memory_space<vmem_shared>>) dst(%arg10 : memref<80x64xf32, #tpu.memory_space<vmem>>)
      %add3A_189 = arith.constant 1 : i32
      %add3A_190 = arith.addi %mul3A_164, %add3A_189 : i32
      %dma_start3A_191 = arith.constant 0 : i32
      %dma_start3A_192 = tpu.memref_slice %arg8[%add3A_190, %dma_start3A_191] : memref<125x80xi32, #tpu.memory_space<vmem>> -> memref<1x80xi32, #tpu.memory_space<vmem>>
      %dma_start3A_193 = tpu.memref_squeeze %dma_start3A_192 : memref<1x80xi32, #tpu.memory_space<vmem>> -> memref<80xi32, #tpu.memory_space<vmem>>
      %dma_start3A_194 = arith.constant 0 : i32
      %dma_start3A_195 = arith.constant 0 : i32
      %dma_start3A_196 = tpu.memref_slice %arg12[%dma_start3A_194, %dma_start3A_195] : memref<10016x64xf32, #tpu.memory_space<vmem_shared>> -> memref<10016x64xf32, #tpu.memory_space<vmem_shared>>
      tpu.enqueue_indirect_dma source(%arg10 : memref<80x64xf32, #tpu.memory_space<vmem>>) target(%dma_start3A_196 : memref<10016x64xf32, #tpu.memory_space<vmem_shared>>) offsets(%dma_start3A_193 : memref<80xi32, #tpu.memory_space<vmem>>) semaphore(%arg18 : memref<!tpu.dma_semaphore, #tpu.memory_space<semaphore_mem>>) {add = true}
      %add3A_197 = arith.constant 2 : i32
      %add3A_198 = arith.addi %mul3A_164, %add3A_197 : i32
      %dma_wait3A_199 = arith.constant 0 : i32
      %dma_wait3A_200 = tpu.memref_slice %arg7[%add3A_198, %dma_wait3A_199] : memref<125x80xi32, #tpu.memory_space<vmem>> -> memref<1x80xi32, #tpu.memory_space<vmem>>
      %dma_wait3A_201 = tpu.memref_squeeze %dma_wait3A_200 : memref<1x80xi32, #tpu.memory_space<vmem>> -> memref<80xi32, #tpu.memory_space<vmem>>
      %dma_wait3A_202 = arith.constant 0 : i32
      %dma_wait3A_203 = arith.constant 0 : i32
      %dma_wait3A_204 = tpu.memref_slice %arg13[%dma_wait3A_202, %dma_wait3A_203] : memref<10000x64xf32, #tpu.memory_space<vmem_shared>> -> memref<10000x64xf32, #tpu.memory_space<vmem_shared>>
      tpu.wait_indirect_dma semaphore(%arg16 : memref<!tpu.dma_semaphore, #tpu.memory_space<semaphore_mem>>) src(%dma_wait3A_204 : memref<10000x64xf32, #tpu.memory_space<vmem_shared>>) dst(%arg11 : memref<80x64xf32, #tpu.memory_space<vmem>>)
      %add3A_205 = arith.constant 2 : i32
      %add3A_206 = arith.addi %mul3A_164, %add3A_205 : i32
      %dma_start3A_207 = arith.constant 0 : i32
      %dma_start3A_208 = tpu.memref_slice %arg8[%add3A_206, %dma_start3A_207] : memref<125x80xi32, #tpu.memory_space<vmem>> -> memref<1x80xi32, #tpu.memory_space<vmem>>
      %dma_start3A_209 = tpu.memref_squeeze %dma_start3A_208 : memref<1x80xi32, #tpu.memory_space<vmem>> -> memref<80xi32, #tpu.memory_space<vmem>>
      %dma_start3A_210 = arith.constant 0 : i32
      %dma_start3A_211 = arith.constant 0 : i32
      %dma_start3A_212 = tpu.memref_slice %arg12[%dma_start3A_210, %dma_start3A_211] : memref<10016x64xf32, #tpu.memory_space<vmem_shared>> -> memref<10016x64xf32, #tpu.memory_space<vmem_shared>>
      tpu.enqueue_indirect_dma source(%arg11 : memref<80x64xf32, #tpu.memory_space<vmem>>) target(%dma_start3A_212 : memref<10016x64xf32, #tpu.memory_space<vmem_shared>>) offsets(%dma_start3A_209 : memref<80xi32, #tpu.memory_space<vmem>>) semaphore(%arg19 : memref<!tpu.dma_semaphore, #tpu.memory_space<semaphore_mem>>) {add = true}
      %add3A_213 = arith.constant 0 : i32
      %add3A_214 = arith.addi %mul3A_164, %add3A_213 : i32
      %dma_wait3A_215 = arith.constant 0 : i32
      %dma_wait3A_216 = tpu.memref_slice %arg8[%add3A_214, %dma_wait3A_215] : memref<125x80xi32, #tpu.memory_space<vmem>> -> memref<1x80xi32, #tpu.memory_space<vmem>>
      %dma_wait3A_217 = tpu.memref_squeeze %dma_wait3A_216 : memref<1x80xi32, #tpu.memory_space<vmem>> -> memref<80xi32, #tpu.memory_space<vmem>>
      %dma_wait3A_218 = arith.constant 0 : i32
      %dma_wait3A_219 = arith.constant 0 : i32
      %dma_wait3A_220 = tpu.memref_slice %arg12[%dma_wait3A_218, %dma_wait3A_219] : memref<10016x64xf32, #tpu.memory_space<vmem_shared>> -> memref<10016x64xf32, #tpu.memory_space<vmem_shared>>
      tpu.wait_indirect_dma semaphore(%arg17 : memref<!tpu.dma_semaphore, #tpu.memory_space<semaphore_mem>>) src(%arg9 : memref<80x64xf32, #tpu.memory_space<vmem>>) dst(%dma_wait3A_220 : memref<10016x64xf32, #tpu.memory_space<vmem_shared>>)
      %add3A_221 = arith.constant 3 : i32
      %add3A_222 = arith.addi %mul3A_164, %add3A_221 : i32
      %add3A_223 = arith.constant 0 : i32
      %add3A_224 = arith.addi %add3A_222, %add3A_223 : i32
      %dma_start3A_225 = arith.constant 0 : i32
      %dma_start3A_226 = tpu.memref_slice %arg7[%add3A_224, %dma_start3A_225] : memref<125x80xi32, #tpu.memory_space<vmem>> -> memref<1x80xi32, #tpu.memory_space<vmem>>
      %dma_start3A_227 = tpu.memref_squeeze %dma_start3A_226 : memref<1x80xi32, #tpu.memory_space<vmem>> -> memref<80xi32, #tpu.memory_space<vmem>>
      %dma_start3A_228 = arith.constant 0 : i32
      %dma_start3A_229 = arith.constant 0 : i32
      %dma_start3A_230 = tpu.memref_slice %arg13[%dma_start3A_228, %dma_start3A_229] : memref<10000x64xf32, #tpu.memory_space<vmem_shared>> -> memref<10000x64xf32, #tpu.memory_space<vmem_shared>>
      tpu.enqueue_indirect_dma source(%dma_start3A_230 : memref<10000x64xf32, #tpu.memory_space<vmem_shared>>) target(%arg9 : memref<80x64xf32, #tpu.memory_space<vmem>>) offsets(%dma_start3A_227 : memref<80xi32, #tpu.memory_space<vmem>>) semaphore(%arg14 : memref<!tpu.dma_semaphore, #tpu.memory_space<semaphore_mem>>)
      %add3A_231 = arith.constant 1 : i32
      %add3A_232 = arith.addi %mul3A_164, %add3A_231 : i32
      %dma_wait3A_233 = arith.constant 0 : i32
      %dma_wait3A_234 = tpu.memref_slice %arg8[%add3A_232, %dma_wait3A_233] : memref<125x80xi32, #tpu.memory_space<vmem>> -> memref<1x80xi32, #tpu.memory_space<vmem>>
      %dma_wait3A_235 = tpu.memref_squeeze %dma_wait3A_234 : memref<1x80xi32, #tpu.memory_space<vmem>> -> memref<80xi32, #tpu.memory_space<vmem>>
      %dma_wait3A_236 = arith.constant 0 : i32
      %dma_wait3A_237 = arith.constant 0 : i32
      %dma_wait3A_238 = tpu.memref_slice %arg12[%dma_wait3A_236, %dma_wait3A_237] : memref<10016x64xf32, #tpu.memory_space<vmem_shared>> -> memref<10016x64xf32, #tpu.memory_space<vmem_shared>>
      tpu.wait_indirect_dma semaphore(%arg18 : memref<!tpu.dma_semaphore, #tpu.memory_space<semaphore_mem>>) src(%arg10 : memref<80x64xf32, #tpu.memory_space<vmem>>) dst(%dma_wait3A_238 : memref<10016x64xf32, #tpu.memory_space<vmem_shared>>)
      %add3A_239 = arith.constant 3 : i32
      %add3A_240 = arith.addi %mul3A_164, %add3A_239 : i32
      %add3A_241 = arith.constant 1 : i32
      %add3A_242 = arith.addi %add3A_240, %add3A_241 : i32
      %dma_start3A_243 = arith.constant 0 : i32
      %dma_start3A_244 = tpu.memref_slice %arg7[%add3A_242, %dma_start3A_243] : memref<125x80xi32, #tpu.memory_space<vmem>> -> memref<1x80xi32, #tpu.memory_space<vmem>>
      %dma_start3A_245 = tpu.memref_squeeze %dma_start3A_244 : memref<1x80xi32, #tpu.memory_space<vmem>> -> memref<80xi32, #tpu.memory_space<vmem>>
      %dma_start3A_246 = arith.constant 0 : i32
      %dma_start3A_247 = arith.constant 0 : i32
      %dma_start3A_248 = tpu.memref_slice %arg13[%dma_start3A_246, %dma_start3A_247] : memref<10000x64xf32, #tpu.memory_space<vmem_shared>> -> memref<10000x64xf32, #tpu.memory_space<vmem_shared>>
      tpu.enqueue_indirect_dma source(%dma_start3A_248 : memref<10000x64xf32, #tpu.memory_space<vmem_shared>>) target(%arg10 : memref<80x64xf32, #tpu.memory_space<vmem>>) offsets(%dma_start3A_245 : memref<80xi32, #tpu.memory_space<vmem>>) semaphore(%arg15 : memref<!tpu.dma_semaphore, #tpu.memory_space<semaphore_mem>>)
      %add3A_249 = arith.constant 2 : i32
      %add3A_250 = arith.addi %mul3A_164, %add3A_249 : i32
      %dma_wait3A_251 = arith.constant 0 : i32
      %dma_wait3A_252 = tpu.memref_slice %arg8[%add3A_250, %dma_wait3A_251] : memref<125x80xi32, #tpu.memory_space<vmem>> -> memref<1x80xi32, #tpu.memory_space<vmem>>
      %dma_wait3A_253 = tpu.memref_squeeze %dma_wait3A_252 : memref<1x80xi32, #tpu.memory_space<vmem>> -> memref<80xi32, #tpu.memory_space<vmem>>
      %dma_wait3A_254 = arith.constant 0 : i32
      %dma_wait3A_255 = arith.constant 0 : i32
      %dma_wait3A_256 = tpu.memref_slice %arg12[%dma_wait3A_254, %dma_wait3A_255] : memref<10016x64xf32, #tpu.memory_space<vmem_shared>> -> memref<10016x64xf32, #tpu.memory_space<vmem_shared>>
      tpu.wait_indirect_dma semaphore(%arg19 : memref<!tpu.dma_semaphore, #tpu.memory_space<semaphore_mem>>) src(%arg11 : memref<80x64xf32, #tpu.memory_space<vmem>>) dst(%dma_wait3A_256 : memref<10016x64xf32, #tpu.memory_space<vmem_shared>>)
      %add3A_257 = arith.constant 3 : i32
      %add3A_258 = arith.addi %mul3A_164, %add3A_257 : i32
      %add3A_259 = arith.constant 2 : i32
      %add3A_260 = arith.addi %add3A_258, %add3A_259 : i32
      %dma_start3A_261 = arith.constant 0 : i32
      %dma_start3A_262 = tpu.memref_slice %arg7[%add3A_260, %dma_start3A_261] : memref<125x80xi32, #tpu.memory_space<vmem>> -> memref<1x80xi32, #tpu.memory_space<vmem>>
      %dma_start3A_263 = tpu.memref_squeeze %dma_start3A_262 : memref<1x80xi32, #tpu.memory_space<vmem>> -> memref<80xi32, #tpu.memory_space<vmem>>
      %dma_start3A_264 = arith.constant 0 : i32
      %dma_start3A_265 = arith.constant 0 : i32
      %dma_start3A_266 = tpu.memref_slice %arg13[%dma_start3A_264, %dma_start3A_265] : memref<10000x64xf32, #tpu.memory_space<vmem_shared>> -> memref<10000x64xf32, #tpu.memory_space<vmem_shared>>
      tpu.enqueue_indirect_dma source(%dma_start3A_266 : memref<10000x64xf32, #tpu.memory_space<vmem_shared>>) target(%arg11 : memref<80x64xf32, #tpu.memory_space<vmem>>) offsets(%dma_start3A_263 : memref<80xi32, #tpu.memory_space<vmem>>) semaphore(%arg16 : memref<!tpu.dma_semaphore, #tpu.memory_space<semaphore_mem>>)
    }
    %scan3A_90 = arith.constant 40 : i32
    %dma_wait3A_91 = arith.constant 120 : i32
    %dma_wait3A_92 = arith.constant 0 : i32
    %dma_wait3A_93 = tpu.memref_slice %arg7[%dma_wait3A_91, %dma_wait3A_92] : memref<125x80xi32, #tpu.memory_space<vmem>> -> memref<1x80xi32, #tpu.memory_space<vmem>>
    %dma_wait3A_94 = tpu.memref_squeeze %dma_wait3A_93 : memref<1x80xi32, #tpu.memory_space<vmem>> -> memref<80xi32, #tpu.memory_space<vmem>>
    %dma_wait3A_95 = arith.constant 0 : i32
    %dma_wait3A_96 = arith.constant 0 : i32
    %dma_wait3A_97 = tpu.memref_slice %arg13[%dma_wait3A_95, %dma_wait3A_96] : memref<10000x64xf32, #tpu.memory_space<vmem_shared>> -> memref<10000x64xf32, #tpu.memory_space<vmem_shared>>
    tpu.wait_indirect_dma semaphore(%arg14 : memref<!tpu.dma_semaphore, #tpu.memory_space<semaphore_mem>>) src(%dma_wait3A_97 : memref<10000x64xf32, #tpu.memory_space<vmem_shared>>) dst(%arg9 : memref<80x64xf32, #tpu.memory_space<vmem>>)
    %dma_start3A_98 = arith.constant 120 : i32
    %dma_start3A_99 = arith.constant 0 : i32
    %dma_start3A_100 = tpu.memref_slice %arg8[%dma_start3A_98, %dma_start3A_99] : memref<125x80xi32, #tpu.memory_space<vmem>> -> memref<1x80xi32, #tpu.memory_space<vmem>>
    %dma_start3A_101 = tpu.memref_squeeze %dma_start3A_100 : memref<1x80xi32, #tpu.memory_space<vmem>> -> memref<80xi32, #tpu.memory_space<vmem>>
    %dma_start3A_102 = arith.constant 0 : i32
    %dma_start3A_103 = arith.constant 0 : i32
    %dma_start3A_104 = tpu.memref_slice %arg12[%dma_start3A_102, %dma_start3A_103] : memref<10016x64xf32, #tpu.memory_space<vmem_shared>> -> memref<10016x64xf32, #tpu.memory_space<vmem_shared>>
    tpu.enqueue_indirect_dma source(%arg9 : memref<80x64xf32, #tpu.memory_space<vmem>>) target(%dma_start3A_104 : memref<10016x64xf32, #tpu.memory_space<vmem_shared>>) offsets(%dma_start3A_101 : memref<80xi32, #tpu.memory_space<vmem>>) semaphore(%arg17 : memref<!tpu.dma_semaphore, #tpu.memory_space<semaphore_mem>>) {add = true}
    %dma_wait3A_105 = arith.constant 121 : i32
    %dma_wait3A_106 = arith.constant 0 : i32
    %dma_wait3A_107 = tpu.memref_slice %arg7[%dma_wait3A_105, %dma_wait3A_106] : memref<125x80xi32, #tpu.memory_space<vmem>> -> memref<1x80xi32, #tpu.memory_space<vmem>>
    %dma_wait3A_108 = tpu.memref_squeeze %dma_wait3A_107 : memref<1x80xi32, #tpu.memory_space<vmem>> -> memref<80xi32, #tpu.memory_space<vmem>>
    %dma_wait3A_109 = arith.constant 0 : i32
    %dma_wait3A_110 = arith.constant 0 : i32
    %dma_wait3A_111 = tpu.memref_slice %arg13[%dma_wait3A_109, %dma_wait3A_110] : memref<10000x64xf32, #tpu.memory_space<vmem_shared>> -> memref<10000x64xf32, #tpu.memory_space<vmem_shared>>
    tpu.wait_indirect_dma semaphore(%arg15 : memref<!tpu.dma_semaphore, #tpu.memory_space<semaphore_mem>>) src(%dma_wait3A_111 : memref<10000x64xf32, #tpu.memory_space<vmem_shared>>) dst(%arg10 : memref<80x64xf32, #tpu.memory_space<vmem>>)
    %dma_start3A_112 = arith.constant 121 : i32
    %dma_start3A_113 = arith.constant 0 : i32
    %dma_start3A_114 = tpu.memref_slice %arg8[%dma_start3A_112, %dma_start3A_113] : memref<125x80xi32, #tpu.memory_space<vmem>> -> memref<1x80xi32, #tpu.memory_space<vmem>>
    %dma_start3A_115 = tpu.memref_squeeze %dma_start3A_114 : memref<1x80xi32, #tpu.memory_space<vmem>> -> memref<80xi32, #tpu.memory_space<vmem>>
    %dma_start3A_116 = arith.constant 0 : i32
    %dma_start3A_117 = arith.constant 0 : i32
    %dma_start3A_118 = tpu.memref_slice %arg12[%dma_start3A_116, %dma_start3A_117] : memref<10016x64xf32, #tpu.memory_space<vmem_shared>> -> memref<10016x64xf32, #tpu.memory_space<vmem_shared>>
    tpu.enqueue_indirect_dma source(%arg10 : memref<80x64xf32, #tpu.memory_space<vmem>>) target(%dma_start3A_118 : memref<10016x64xf32, #tpu.memory_space<vmem_shared>>) offsets(%dma_start3A_115 : memref<80xi32, #tpu.memory_space<vmem>>) semaphore(%arg18 : memref<!tpu.dma_semaphore, #tpu.memory_space<semaphore_mem>>) {add = true}
    %dma_wait3A_119 = arith.constant 122 : i32
    %dma_wait3A_120 = arith.constant 0 : i32
    %dma_wait3A_121 = tpu.memref_slice %arg7[%dma_wait3A_119, %dma_wait3A_120] : memref<125x80xi32, #tpu.memory_space<vmem>> -> memref<1x80xi32, #tpu.memory_space<vmem>>
    %dma_wait3A_122 = tpu.memref_squeeze %dma_wait3A_121 : memref<1x80xi32, #tpu.memory_space<vmem>> -> memref<80xi32, #tpu.memory_space<vmem>>
    %dma_wait3A_123 = arith.constant 0 : i32
    %dma_wait3A_124 = arith.constant 0 : i32
    %dma_wait3A_125 = tpu.memref_slice %arg13[%dma_wait3A_123, %dma_wait3A_124] : memref<10000x64xf32, #tpu.memory_space<vmem_shared>> -> memref<10000x64xf32, #tpu.memory_space<vmem_shared>>
    tpu.wait_indirect_dma semaphore(%arg16 : memref<!tpu.dma_semaphore, #tpu.memory_space<semaphore_mem>>) src(%dma_wait3A_125 : memref<10000x64xf32, #tpu.memory_space<vmem_shared>>) dst(%arg11 : memref<80x64xf32, #tpu.memory_space<vmem>>)
    %dma_start3A_126 = arith.constant 122 : i32
    %dma_start3A_127 = arith.constant 0 : i32
    %dma_start3A_128 = tpu.memref_slice %arg8[%dma_start3A_126, %dma_start3A_127] : memref<125x80xi32, #tpu.memory_space<vmem>> -> memref<1x80xi32, #tpu.memory_space<vmem>>
    %dma_start3A_129 = tpu.memref_squeeze %dma_start3A_128 : memref<1x80xi32, #tpu.memory_space<vmem>> -> memref<80xi32, #tpu.memory_space<vmem>>
    %dma_start3A_130 = arith.constant 0 : i32
    %dma_start3A_131 = arith.constant 0 : i32
    %dma_start3A_132 = tpu.memref_slice %arg12[%dma_start3A_130, %dma_start3A_131] : memref<10016x64xf32, #tpu.memory_space<vmem_shared>> -> memref<10016x64xf32, #tpu.memory_space<vmem_shared>>
    tpu.enqueue_indirect_dma source(%arg11 : memref<80x64xf32, #tpu.memory_space<vmem>>) target(%dma_start3A_132 : memref<10016x64xf32, #tpu.memory_space<vmem_shared>>) offsets(%dma_start3A_129 : memref<80xi32, #tpu.memory_space<vmem>>) semaphore(%arg19 : memref<!tpu.dma_semaphore, #tpu.memory_space<semaphore_mem>>) {add = true}
    %dma_wait3A_133 = arith.constant 120 : i32
    %dma_wait3A_134 = arith.constant 0 : i32
    %dma_wait3A_135 = tpu.memref_slice %arg8[%dma_wait3A_133, %dma_wait3A_134] : memref<125x80xi32, #tpu.memory_space<vmem>> -> memref<1x80xi32, #tpu.memory_space<vmem>>
    %dma_wait3A_136 = tpu.memref_squeeze %dma_wait3A_135 : memref<1x80xi32, #tpu.memory_space<vmem>> -> memref<80xi32, #tpu.memory_space<vmem>>
    %dma_wait3A_137 = arith.constant 0 : i32
    %dma_wait3A_138 = arith.constant 0 : i32
    %dma_wait3A_139 = tpu.memref_slice %arg12[%dma_wait3A_137, %dma_wait3A_138] : memref<10016x64xf32, #tpu.memory_space<vmem_shared>> -> memref<10016x64xf32, #tpu.memory_space<vmem_shared>>
    tpu.wait_indirect_dma semaphore(%arg17 : memref<!tpu.dma_semaphore, #tpu.memory_space<semaphore_mem>>) src(%arg9 : memref<80x64xf32, #tpu.memory_space<vmem>>) dst(%dma_wait3A_139 : memref<10016x64xf32, #tpu.memory_space<vmem_shared>>)
    %dma_wait3A_140 = arith.constant 121 : i32
    %dma_wait3A_141 = arith.constant 0 : i32
    %dma_wait3A_142 = tpu.memref_slice %arg8[%dma_wait3A_140, %dma_wait3A_141] : memref<125x80xi32, #tpu.memory_space<vmem>> -> memref<1x80xi32, #tpu.memory_space<vmem>>
    %dma_wait3A_143 = tpu.memref_squeeze %dma_wait3A_142 : memref<1x80xi32, #tpu.memory_space<vmem>> -> memref<80xi32, #tpu.memory_space<vmem>>
    %dma_wait3A_144 = arith.constant 0 : i32
    %dma_wait3A_145 = arith.constant 0 : i32
    %dma_wait3A_146 = tpu.memref_slice %arg12[%dma_wait3A_144, %dma_wait3A_145] : memref<10016x64xf32, #tpu.memory_space<vmem_shared>> -> memref<10016x64xf32, #tpu.memory_space<vmem_shared>>
    tpu.wait_indirect_dma semaphore(%arg18 : memref<!tpu.dma_semaphore, #tpu.memory_space<semaphore_mem>>) src(%arg10 : memref<80x64xf32, #tpu.memory_space<vmem>>) dst(%dma_wait3A_146 : memref<10016x64xf32, #tpu.memory_space<vmem_shared>>)
    %dma_wait3A_147 = arith.constant 122 : i32
    %dma_wait3A_148 = arith.constant 0 : i32
    %dma_wait3A_149 = tpu.memref_slice %arg8[%dma_wait3A_147, %dma_wait3A_148] : memref<125x80xi32, #tpu.memory_space<vmem>> -> memref<1x80xi32, #tpu.memory_space<vmem>>
    %dma_wait3A_150 = tpu.memref_squeeze %dma_wait3A_149 : memref<1x80xi32, #tpu.memory_space<vmem>> -> memref<80xi32, #tpu.memory_space<vmem>>
    %dma_wait3A_151 = arith.constant 0 : i32
    %dma_wait3A_152 = arith.constant 0 : i32
    %dma_wait3A_153 = tpu.memref_slice %arg12[%dma_wait3A_151, %dma_wait3A_152] : memref<10016x64xf32, #tpu.memory_space<vmem_shared>> -> memref<10016x64xf32, #tpu.memory_space<vmem_shared>>
    tpu.wait_indirect_dma semaphore(%arg19 : memref<!tpu.dma_semaphore, #tpu.memory_space<semaphore_mem>>) src(%arg11 : memref<80x64xf32, #tpu.memory_space<vmem>>) dst(%dma_wait3A_153 : memref<10016x64xf32, #tpu.memory_space<vmem_shared>>)
    %run_scoped3A = arith.constant 123 : i32
    "tpu.region"() ({
      %run_scoped3A_162 = tpu.sem_alloc : memref<!tpu.dma_semaphore, #tpu.memory_space<semaphore_mem>>
      %dma_start3A_163 = arith.constant 0 : i32
      %dma_start3A_164 = tpu.memref_slice %arg7[%run_scoped3A, %dma_start3A_163] : memref<125x80xi32, #tpu.memory_space<vmem>> -> memref<1x80xi32, #tpu.memory_space<vmem>>
      %dma_start3A_165 = tpu.memref_squeeze %dma_start3A_164 : memref<1x80xi32, #tpu.memory_space<vmem>> -> memref<80xi32, #tpu.memory_space<vmem>>
      %dma_start3A_166 = arith.constant 0 : i32
      %dma_start3A_167 = arith.constant 0 : i32
      %dma_start3A_168 = tpu.memref_slice %arg13[%dma_start3A_166, %dma_start3A_167] : memref<10000x64xf32, #tpu.memory_space<vmem_shared>> -> memref<10000x64xf32, #tpu.memory_space<vmem_shared>>
      tpu.enqueue_indirect_dma source(%dma_start3A_168 : memref<10000x64xf32, #tpu.memory_space<vmem_shared>>) target(%arg9 : memref<80x64xf32, #tpu.memory_space<vmem>>) offsets(%dma_start3A_165 : memref<80xi32, #tpu.memory_space<vmem>>) semaphore(%run_scoped3A_162 : memref<!tpu.dma_semaphore, #tpu.memory_space<semaphore_mem>>)
      %dma_wait3A_169 = arith.constant 0 : i32
      %dma_wait3A_170 = tpu.memref_slice %arg7[%run_scoped3A, %dma_wait3A_169] : memref<125x80xi32, #tpu.memory_space<vmem>> -> memref<1x80xi32, #tpu.memory_space<vmem>>
      %dma_wait3A_171 = tpu.memref_squeeze %dma_wait3A_170 : memref<1x80xi32, #tpu.memory_space<vmem>> -> memref<80xi32, #tpu.memory_space<vmem>>
      %dma_wait3A_172 = arith.constant 0 : i32
      %dma_wait3A_173 = arith.constant 0 : i32
      %dma_wait3A_174 = tpu.memref_slice %arg13[%dma_wait3A_172, %dma_wait3A_173] : memref<10000x64xf32, #tpu.memory_space<vmem_shared>> -> memref<10000x64xf32, #tpu.memory_space<vmem_shared>>
      tpu.wait_indirect_dma semaphore(%run_scoped3A_162 : memref<!tpu.dma_semaphore, #tpu.memory_space<semaphore_mem>>) src(%dma_wait3A_174 : memref<10000x64xf32, #tpu.memory_space<vmem_shared>>) dst(%arg9 : memref<80x64xf32, #tpu.memory_space<vmem>>)
      tpu.yield
    }) : () -> ()
    %run_scoped3A_154 = arith.constant 123 : i32
    "tpu.region"() ({
      %run_scoped3A_162 = tpu.sem_alloc : memref<!tpu.dma_semaphore, #tpu.memory_space<semaphore_mem>>
      %dma_start3A_163 = arith.constant 0 : i32
      %dma_start3A_164 = tpu.memref_slice %arg8[%run_scoped3A_154, %dma_start3A_163] : memref<125x80xi32, #tpu.memory_space<vmem>> -> memref<1x80xi32, #tpu.memory_space<vmem>>
      %dma_start3A_165 = tpu.memref_squeeze %dma_start3A_164 : memref<1x80xi32, #tpu.memory_space<vmem>> -> memref<80xi32, #tpu.memory_space<vmem>>
      %dma_start3A_166 = arith.constant 0 : i32
      %dma_start3A_167 = arith.constant 0 : i32
      %dma_start3A_168 = tpu.memref_slice %arg12[%dma_start3A_166, %dma_start3A_167] : memref<10016x64xf32, #tpu.memory_space<vmem_shared>> -> memref<10016x64xf32, #tpu.memory_space<vmem_shared>>
      tpu.enqueue_indirect_dma source(%arg9 : memref<80x64xf32, #tpu.memory_space<vmem>>) target(%dma_start3A_168 : memref<10016x64xf32, #tpu.memory_space<vmem_shared>>) offsets(%dma_start3A_165 : memref<80xi32, #tpu.memory_space<vmem>>) semaphore(%run_scoped3A_162 : memref<!tpu.dma_semaphore, #tpu.memory_space<semaphore_mem>>) {add = true}
      %dma_wait3A_169 = arith.constant 0 : i32
      %dma_wait3A_170 = tpu.memref_slice %arg8[%run_scoped3A_154, %dma_wait3A_169] : memref<125x80xi32, #tpu.memory_space<vmem>> -> memref<1x80xi32, #tpu.memory_space<vmem>>
      %dma_wait3A_171 = tpu.memref_squeeze %dma_wait3A_170 : memref<1x80xi32, #tpu.memory_space<vmem>> -> memref<80xi32, #tpu.memory_space<vmem>>
      %dma_wait3A_172 = arith.constant 0 : i32
      %dma_wait3A_173 = arith.constant 0 : i32
      %dma_wait3A_174 = tpu.memref_slice %arg12[%dma_wait3A_172, %dma_wait3A_173] : memref<10016x64xf32, #tpu.memory_space<vmem_shared>> -> memref<10016x64xf32, #tpu.memory_space<vmem_shared>>
      tpu.wait_indirect_dma semaphore(%run_scoped3A_162 : memref<!tpu.dma_semaphore, #tpu.memory_space<semaphore_mem>>) src(%arg9 : memref<80x64xf32, #tpu.memory_space<vmem>>) dst(%dma_wait3A_174 : memref<10016x64xf32, #tpu.memory_space<vmem_shared>>)
      tpu.yield
    }) : () -> ()
    %run_scoped3A_155 = arith.constant 124 : i32
    "tpu.region"() ({
      %run_scoped3A_162 = tpu.sem_alloc : memref<!tpu.dma_semaphore, #tpu.memory_space<semaphore_mem>>
      %dma_start3A_163 = arith.constant 0 : i32
      %dma_start3A_164 = tpu.memref_slice %arg7[%run_scoped3A_155, %dma_start3A_163] : memref<125x80xi32, #tpu.memory_space<vmem>> -> memref<1x80xi32, #tpu.memory_space<vmem>>
      %dma_start3A_165 = tpu.memref_squeeze %dma_start3A_164 : memref<1x80xi32, #tpu.memory_space<vmem>> -> memref<80xi32, #tpu.memory_space<vmem>>
      %dma_start3A_166 = arith.constant 0 : i32
      %dma_start3A_167 = arith.constant 0 : i32
      %dma_start3A_168 = tpu.memref_slice %arg13[%dma_start3A_166, %dma_start3A_167] : memref<10000x64xf32, #tpu.memory_space<vmem_shared>> -> memref<10000x64xf32, #tpu.memory_space<vmem_shared>>
      tpu.enqueue_indirect_dma source(%dma_start3A_168 : memref<10000x64xf32, #tpu.memory_space<vmem_shared>>) target(%arg9 : memref<80x64xf32, #tpu.memory_space<vmem>>) offsets(%dma_start3A_165 : memref<80xi32, #tpu.memory_space<vmem>>) semaphore(%run_scoped3A_162 : memref<!tpu.dma_semaphore, #tpu.memory_space<semaphore_mem>>)
      %dma_wait3A_169 = arith.constant 0 : i32
      %dma_wait3A_170 = tpu.memref_slice %arg7[%run_scoped3A_155, %dma_wait3A_169] : memref<125x80xi32, #tpu.memory_space<vmem>> -> memref<1x80xi32, #tpu.memory_space<vmem>>
      %dma_wait3A_171 = tpu.memref_squeeze %dma_wait3A_170 : memref<1x80xi32, #tpu.memory_space<vmem>> -> memref<80xi32, #tpu.memory_space<vmem>>
      %dma_wait3A_172 = arith.constant 0 : i32
      %dma_wait3A_173 = arith.constant 0 : i32
      %dma_wait3A_174 = tpu.memref_slice %arg13[%dma_wait3A_172, %dma_wait3A_173] : memref<10000x64xf32, #tpu.memory_space<vmem_shared>> -> memref<10000x64xf32, #tpu.memory_space<vmem_shared>>
      tpu.wait_indirect_dma semaphore(%run_scoped3A_162 : memref<!tpu.dma_semaphore, #tpu.memory_space<semaphore_mem>>) src(%dma_wait3A_174 : memref<10000x64xf32, #tpu.memory_space<vmem_shared>>) dst(%arg9 : memref<80x64xf32, #tpu.memory_space<vmem>>)
      tpu.yield
    }) : () -> ()
    %run_scoped3A_156 = arith.constant 124 : i32
    "tpu.region"() ({
      %run_scoped3A_162 = tpu.sem_alloc : memref<!tpu.dma_semaphore, #tpu.memory_space<semaphore_mem>>
      %dma_start3A_163 = arith.constant 0 : i32
      %dma_start3A_164 = tpu.memref_slice %arg8[%run_scoped3A_156, %dma_start3A_163] : memref<125x80xi32, #tpu.memory_space<vmem>> -> memref<1x80xi32, #tpu.memory_space<vmem>>
      %dma_start3A_165 = tpu.memref_squeeze %dma_start3A_164 : memref<1x80xi32, #tpu.memory_space<vmem>> -> memref<80xi32, #tpu.memory_space<vmem>>
      %dma_start3A_166 = arith.constant 0 : i32
      %dma_start3A_167 = arith.constant 0 : i32
      %dma_start3A_168 = tpu.memref_slice %arg12[%dma_start3A_166, %dma_start3A_167] : memref<10016x64xf32, #tpu.memory_space<vmem_shared>> -> memref<10016x64xf32, #tpu.memory_space<vmem_shared>>
      tpu.enqueue_indirect_dma source(%arg9 : memref<80x64xf32, #tpu.memory_space<vmem>>) target(%dma_start3A_168 : memref<10016x64xf32, #tpu.memory_space<vmem_shared>>) offsets(%dma_start3A_165 : memref<80xi32, #tpu.memory_space<vmem>>) semaphore(%run_scoped3A_162 : memref<!tpu.dma_semaphore, #tpu.memory_space<semaphore_mem>>) {add = true}
      %dma_wait3A_169 = arith.constant 0 : i32
      %dma_wait3A_170 = tpu.memref_slice %arg8[%run_scoped3A_156, %dma_wait3A_169] : memref<125x80xi32, #tpu.memory_space<vmem>> -> memref<1x80xi32, #tpu.memory_space<vmem>>
      %dma_wait3A_171 = tpu.memref_squeeze %dma_wait3A_170 : memref<1x80xi32, #tpu.memory_space<vmem>> -> memref<80xi32, #tpu.memory_space<vmem>>
      %dma_wait3A_172 = arith.constant 0 : i32
      %dma_wait3A_173 = arith.constant 0 : i32
      %dma_wait3A_174 = tpu.memref_slice %arg12[%dma_wait3A_172, %dma_wait3A_173] : memref<10016x64xf32, #tpu.memory_space<vmem_shared>> -> memref<10016x64xf32, #tpu.memory_space<vmem_shared>>
      tpu.wait_indirect_dma semaphore(%run_scoped3A_162 : memref<!tpu.dma_semaphore, #tpu.memory_space<semaphore_mem>>) src(%arg9 : memref<80x64xf32, #tpu.memory_space<vmem>>) dst(%dma_wait3A_174 : memref<10016x64xf32, #tpu.memory_space<vmem_shared>>)
      tpu.yield
    }) : () -> ()
    %barrier3A_157 = arith.constant 0 : index
    tpu.barrier barrier_id(%barrier3A_157)
    %mul3A_158 = arith.constant 625 : i32
    %mul3A_159 = arith.muli %arg1, %mul3A_158 : i32
    %mul3A_160 = arith.constant 625 : i32
    %mul3A_161 = arith.muli %arg1, %mul3A_160 : i32
    "tpu.region"() ({
      %run_scoped3A_162 = tpu.sem_alloc : memref<!tpu.dma_semaphore, #tpu.memory_space<semaphore_mem>>
      %dma_start3A_163 = arith.constant 0 : i32
      %dma_start3A_164 = tpu.memref_slice %arg6[%arg0, %mul3A_161, %dma_start3A_163] : memref<2x10000x64xf32, #tpu.memory_space<hbm>> -> memref<1x625x64xf32, #tpu.memory_space<hbm>>
      %dma_start3A_165 = tpu.memref_squeeze %dma_start3A_164 : memref<1x625x64xf32, #tpu.memory_space<hbm>> -> memref<625x64xf32, #tpu.memory_space<hbm>>
      %dma_start3A_166 = arith.constant 0 : i32
      %dma_start3A_167 = tpu.memref_slice %arg12[%mul3A_159, %dma_start3A_166] : memref<10016x64xf32, #tpu.memory_space<vmem_shared>> -> memref<625x64xf32, #tpu.memory_space<vmem_shared>>
      tpu.enqueue_dma source(%dma_start3A_167 : memref<625x64xf32, #tpu.memory_space<vmem_shared>>) target(%dma_start3A_165 : memref<625x64xf32, #tpu.memory_space<hbm>>) target_semaphore(%run_scoped3A_162 : memref<!tpu.dma_semaphore, #tpu.memory_space<semaphore_mem>>)
      %dma_wait3A_168 = arith.constant 0 : i32
      %dma_wait3A_169 = tpu.memref_slice %arg6[%arg0, %mul3A_161, %dma_wait3A_168] : memref<2x10000x64xf32, #tpu.memory_space<hbm>> -> memref<1x625x64xf32, #tpu.memory_space<hbm>>
      %dma_wait3A_170 = tpu.memref_squeeze %dma_wait3A_169 : memref<1x625x64xf32, #tpu.memory_space<hbm>> -> memref<625x64xf32, #tpu.memory_space<hbm>>
      %dma_wait3A_171 = arith.constant 0 : i32
      %dma_wait3A_172 = tpu.memref_slice %arg12[%mul3A_159, %dma_wait3A_171] : memref<10016x64xf32, #tpu.memory_space<vmem_shared>> -> memref<625x64xf32, #tpu.memory_space<vmem_shared>>
      tpu.wait_dma2 semaphore(%run_scoped3A_162 : memref<!tpu.dma_semaphore, #tpu.memory_space<semaphore_mem>>) src(%dma_wait3A_172 : memref<625x64xf32, #tpu.memory_space<vmem_shared>>) dst(%dma_wait3A_170 : memref<625x64xf32, #tpu.memory_space<hbm>>)
      tpu.yield
    }) : () -> ()
    return
  }
}

#map = affine_map<(d0, d1) -> (0, 0)>
#map1 = affine_map<(d0, d1) -> (0, 0, 0)>
module attributes {stable_mosaic.version = 14 : i64} {
  func.func @sc_aggregate(%arg0: i32, %arg1: i32, %arg2: memref<10000x64xf32, #tpu.memory_space<hbm>>, %arg3: memref<32x125x80xi32, #tpu.memory_space<hbm>>, %arg4: memref<32x125x80xi32, #tpu.memory_space<hbm>>, %arg5: memref<10000x64xf32, #tpu.memory_space<hbm>>, %arg6: memref<2x10000x64xf32, #tpu.memory_space<hbm>>, %arg7: memref<125x80xi32, #tpu.memory_space<vmem>>, %arg8: memref<125x80xi32, #tpu.memory_space<vmem>>, %arg9: memref<80x64xf32, #tpu.memory_space<vmem>>, %arg10: memref<80x64xf32, #tpu.memory_space<vmem>>, %arg11: memref<80x64xf32, #tpu.memory_space<vmem>>, %arg12: memref<10016x64xf32, #tpu.memory_space<vmem_shared>>, %arg13: memref<10000x64xf32, #tpu.memory_space<vmem_shared>>, %arg14: memref<!tpu.dma_semaphore, #tpu.memory_space<semaphore_mem>>, %arg15: memref<!tpu.dma_semaphore, #tpu.memory_space<semaphore_mem>>, %arg16: memref<!tpu.dma_semaphore, #tpu.memory_space<semaphore_mem>>, %arg17: memref<!tpu.dma_semaphore, #tpu.memory_space<semaphore_mem>>, %arg18: memref<!tpu.dma_semaphore, #tpu.memory_space<semaphore_mem>>, %arg19: memref<!tpu.dma_semaphore, #tpu.memory_space<semaphore_mem>>) attributes {dimension_semantics = [#tpu.dimension_semantics<core_parallel>, #tpu.dimension_semantics<subcore_parallel>], iteration_bounds = array<i64: 2, 16>, scalar_prefetch = 0 : i64, scratch_operands = 13 : i64, tpu.core_type = #tpu.core_type<sc_vector_subcore>, window_params = [{transform_indices = #map}, {transform_indices = #map1}, {transform_indices = #map1}, {transform_indices = #map}, {transform_indices = #map1}]} {
    %mul3A = arith.constant 16 : i32
    %mul3A_0 = arith.muli %arg0, %mul3A : i32
    %add3A = arith.addi %mul3A_0, %arg1 : i32
    %mul3A_1 = arith.constant 625 : i32
    %mul3A_2 = arith.muli %arg1, %mul3A_1 : i32
    %mul3A_3 = arith.constant 625 : i32
    %mul3A_4 = arith.muli %arg1, %mul3A_3 : i32
    %dma_start3A = arith.constant 0 : i32
    %dma_start3A_5 = tpu.memref_slice %arg12[%mul3A_4, %dma_start3A] : memref<10016x64xf32, #tpu.memory_space<vmem_shared>> -> memref<625x64xf32, #tpu.memory_space<vmem_shared>>
    %dma_start3A_6 = arith.constant 0 : i32
    %dma_start3A_7 = tpu.memref_slice %arg5[%mul3A_2, %dma_start3A_6] : memref<10000x64xf32, #tpu.memory_space<hbm>> -> memref<625x64xf32, #tpu.memory_space<hbm>>
    tpu.enqueue_dma source(%dma_start3A_7 : memref<625x64xf32, #tpu.memory_space<hbm>>) target(%dma_start3A_5 : memref<625x64xf32, #tpu.memory_space<vmem_shared>>) target_semaphore(%arg14 : memref<!tpu.dma_semaphore, #tpu.memory_space<semaphore_mem>>)
    %mul3A_8 = arith.constant 625 : i32
    %mul3A_9 = arith.muli %arg1, %mul3A_8 : i32
    %mul3A_10 = arith.constant 625 : i32
    %mul3A_11 = arith.muli %arg1, %mul3A_10 : i32
    %dma_start3A_12 = arith.constant 0 : i32
    %dma_start3A_13 = tpu.memref_slice %arg13[%mul3A_11, %dma_start3A_12] : memref<10000x64xf32, #tpu.memory_space<vmem_shared>> -> memref<625x64xf32, #tpu.memory_space<vmem_shared>>
    %dma_start3A_14 = arith.constant 0 : i32
    %dma_start3A_15 = tpu.memref_slice %arg2[%mul3A_9, %dma_start3A_14] : memref<10000x64xf32, #tpu.memory_space<hbm>> -> memref<625x64xf32, #tpu.memory_space<hbm>>
    tpu.enqueue_dma source(%dma_start3A_15 : memref<625x64xf32, #tpu.memory_space<hbm>>) target(%dma_start3A_13 : memref<625x64xf32, #tpu.memory_space<vmem_shared>>) target_semaphore(%arg15 : memref<!tpu.dma_semaphore, #tpu.memory_space<semaphore_mem>>)
    %dma_start3A_16 = arith.constant 0 : i32
    %dma_start3A_17 = arith.constant 0 : i32
    %dma_start3A_18 = tpu.memref_slice %arg3[%add3A, %dma_start3A_16, %dma_start3A_17] : memref<32x125x80xi32, #tpu.memory_space<hbm>> -> memref<1x125x80xi32, #tpu.memory_space<hbm>>
    %dma_start3A_19 = tpu.memref_squeeze %dma_start3A_18 : memref<1x125x80xi32, #tpu.memory_space<hbm>> -> memref<125x80xi32, #tpu.memory_space<hbm>>
    %dma_start3A_20 = arith.constant 0 : i32
    %dma_start3A_21 = arith.constant 0 : i32
    %dma_start3A_22 = tpu.memref_slice %arg3[%add3A, %dma_start3A_20, %dma_start3A_21] : memref<32x125x80xi32, #tpu.memory_space<hbm>> -> memref<1x125x80xi32, #tpu.memory_space<hbm>>
    %dma_start3A_23 = tpu.memref_squeeze %dma_start3A_22 : memref<1x125x80xi32, #tpu.memory_space<hbm>> -> memref<125x80xi32, #tpu.memory_space<hbm>>
    tpu.enqueue_dma source(%dma_start3A_23 : memref<125x80xi32, #tpu.memory_space<hbm>>) target(%arg7 : memref<125x80xi32, #tpu.memory_space<vmem>>) target_semaphore(%arg17 : memref<!tpu.dma_semaphore, #tpu.memory_space<semaphore_mem>>)
    %dma_start3A_24 = arith.constant 0 : i32
    %dma_start3A_25 = arith.constant 0 : i32
    %dma_start3A_26 = tpu.memref_slice %arg4[%add3A, %dma_start3A_24, %dma_start3A_25] : memref<32x125x80xi32, #tpu.memory_space<hbm>> -> memref<1x125x80xi32, #tpu.memory_space<hbm>>
    %dma_start3A_27 = tpu.memref_squeeze %dma_start3A_26 : memref<1x125x80xi32, #tpu.memory_space<hbm>> -> memref<125x80xi32, #tpu.memory_space<hbm>>
    %dma_start3A_28 = arith.constant 0 : i32
    %dma_start3A_29 = arith.constant 0 : i32
    %dma_start3A_30 = tpu.memref_slice %arg4[%add3A, %dma_start3A_28, %dma_start3A_29] : memref<32x125x80xi32, #tpu.memory_space<hbm>> -> memref<1x125x80xi32, #tpu.memory_space<hbm>>
    %dma_start3A_31 = tpu.memref_squeeze %dma_start3A_30 : memref<1x125x80xi32, #tpu.memory_space<hbm>> -> memref<125x80xi32, #tpu.memory_space<hbm>>
    tpu.enqueue_dma source(%dma_start3A_31 : memref<125x80xi32, #tpu.memory_space<hbm>>) target(%arg8 : memref<125x80xi32, #tpu.memory_space<vmem>>) target_semaphore(%arg18 : memref<!tpu.dma_semaphore, #tpu.memory_space<semaphore_mem>>)
    %eq3A = arith.constant 0 : i32
    %eq3A_32 = arith.cmpi eq, %arg1, %eq3A : i32
    %convert_element_type3A = arith.extui %eq3A_32 : i1 to i32
    %cond3A = arith.constant 0 : i32
    %cond3A_33 = arith.cmpi ne, %convert_element_type3A, %cond3A : i32
    scf.if %cond3A_33 {
      "tpu.region"() ({
        %run_scoped3A_162 = tpu.sem_alloc : memref<!tpu.dma_semaphore, #tpu.memory_space<semaphore_mem>>
        %dma_start3A_163 = arith.constant 10000 : i32
        %dma_start3A_164 = arith.constant 0 : i32
        %dma_start3A_165 = tpu.memref_slice %arg12[%dma_start3A_163, %dma_start3A_164] : memref<10016x64xf32, #tpu.memory_space<vmem_shared>> -> memref<16x64xf32, #tpu.memory_space<vmem_shared>>
        %dma_start3A_166 = arith.constant 0 : i32
        %dma_start3A_167 = arith.constant 0 : i32
        %dma_start3A_168 = tpu.memref_slice %arg5[%dma_start3A_166, %dma_start3A_167] : memref<10000x64xf32, #tpu.memory_space<hbm>> -> memref<16x64xf32, #tpu.memory_space<hbm>>
        tpu.enqueue_dma source(%dma_start3A_168 : memref<16x64xf32, #tpu.memory_space<hbm>>) target(%dma_start3A_165 : memref<16x64xf32, #tpu.memory_space<vmem_shared>>) target_semaphore(%run_scoped3A_162 : memref<!tpu.dma_semaphore, #tpu.memory_space<semaphore_mem>>)
        %dma_wait3A_169 = arith.constant 10000 : i32
        %dma_wait3A_170 = arith.constant 0 : i32
        %dma_wait3A_171 = tpu.memref_slice %arg12[%dma_wait3A_169, %dma_wait3A_170] : memref<10016x64xf32, #tpu.memory_space<vmem_shared>> -> memref<16x64xf32, #tpu.memory_space<vmem_shared>>
        %dma_wait3A_172 = arith.constant 0 : i32
        %dma_wait3A_173 = arith.constant 0 : i32
        %dma_wait3A_174 = tpu.memref_slice %arg5[%dma_wait3A_172, %dma_wait3A_173] : memref<10000x64xf32, #tpu.memory_space<hbm>> -> memref<16x64xf32, #tpu.memory_space<hbm>>
        tpu.wait_dma2 semaphore(%run_scoped3A_162 : memref<!tpu.dma_semaphore, #tpu.memory_space<semaphore_mem>>) src(%dma_wait3A_174 : memref<16x64xf32, #tpu.memory_space<hbm>>) dst(%dma_wait3A_171 : memref<16x64xf32, #tpu.memory_space<vmem_shared>>)
        tpu.yield
      }) : () -> ()
    } else {
    }
    %mul3A_34 = arith.constant 625 : i32
    %mul3A_35 = arith.muli %arg1, %mul3A_34 : i32
    %mul3A_36 = arith.constant 625 : i32
    %mul3A_37 = arith.muli %arg1, %mul3A_36 : i32
    %dma_wait3A = arith.constant 0 : i32
    %dma_wait3A_38 = tpu.memref_slice %arg12[%mul3A_37, %dma_wait3A] : memref<10016x64xf32, #tpu.memory_space<vmem_shared>> -> memref<625x64xf32, #tpu.memory_space<vmem_shared>>
    %dma_wait3A_39 = arith.constant 0 : i32
    %dma_wait3A_40 = tpu.memref_slice %arg5[%mul3A_35, %dma_wait3A_39] : memref<10000x64xf32, #tpu.memory_space<hbm>> -> memref<625x64xf32, #tpu.memory_space<hbm>>
    tpu.wait_dma2 semaphore(%arg14 : memref<!tpu.dma_semaphore, #tpu.memory_space<semaphore_mem>>) src(%dma_wait3A_40 : memref<625x64xf32, #tpu.memory_space<hbm>>) dst(%dma_wait3A_38 : memref<625x64xf32, #tpu.memory_space<vmem_shared>>)
    %mul3A_41 = arith.constant 625 : i32
    %mul3A_42 = arith.muli %arg1, %mul3A_41 : i32
    %mul3A_43 = arith.constant 625 : i32
    %mul3A_44 = arith.muli %arg1, %mul3A_43 : i32
    %dma_wait3A_45 = arith.constant 0 : i32
    %dma_wait3A_46 = tpu.memref_slice %arg13[%mul3A_44, %dma_wait3A_45] : memref<10000x64xf32, #tpu.memory_space<vmem_shared>> -> memref<625x64xf32, #tpu.memory_space<vmem_shared>>
    %dma_wait3A_47 = arith.constant 0 : i32
    %dma_wait3A_48 = tpu.memref_slice %arg2[%mul3A_42, %dma_wait3A_47] : memref<10000x64xf32, #tpu.memory_space<hbm>> -> memref<625x64xf32, #tpu.memory_space<hbm>>
    tpu.wait_dma2 semaphore(%arg15 : memref<!tpu.dma_semaphore, #tpu.memory_space<semaphore_mem>>) src(%dma_wait3A_48 : memref<625x64xf32, #tpu.memory_space<hbm>>) dst(%dma_wait3A_46 : memref<625x64xf32, #tpu.memory_space<vmem_shared>>)
    %dma_wait3A_49 = arith.constant 0 : i32
    %dma_wait3A_50 = arith.constant 0 : i32
    %dma_wait3A_51 = tpu.memref_slice %arg3[%add3A, %dma_wait3A_49, %dma_wait3A_50] : memref<32x125x80xi32, #tpu.memory_space<hbm>> -> memref<1x125x80xi32, #tpu.memory_space<hbm>>
    %dma_wait3A_52 = tpu.memref_squeeze %dma_wait3A_51 : memref<1x125x80xi32, #tpu.memory_space<hbm>> -> memref<125x80xi32, #tpu.memory_space<hbm>>
    %dma_wait3A_53 = arith.constant 0 : i32
    %dma_wait3A_54 = arith.constant 0 : i32
    %dma_wait3A_55 = tpu.memref_slice %arg3[%add3A, %dma_wait3A_53, %dma_wait3A_54] : memref<32x125x80xi32, #tpu.memory_space<hbm>> -> memref<1x125x80xi32, #tpu.memory_space<hbm>>
    %dma_wait3A_56 = tpu.memref_squeeze %dma_wait3A_55 : memref<1x125x80xi32, #tpu.memory_space<hbm>> -> memref<125x80xi32, #tpu.memory_space<hbm>>
    tpu.wait_dma2 semaphore(%arg17 : memref<!tpu.dma_semaphore, #tpu.memory_space<semaphore_mem>>) src(%dma_wait3A_56 : memref<125x80xi32, #tpu.memory_space<hbm>>) dst(%arg7 : memref<125x80xi32, #tpu.memory_space<vmem>>)
    %dma_wait3A_57 = arith.constant 0 : i32
    %dma_wait3A_58 = arith.constant 0 : i32
    %dma_wait3A_59 = tpu.memref_slice %arg4[%add3A, %dma_wait3A_57, %dma_wait3A_58] : memref<32x125x80xi32, #tpu.memory_space<hbm>> -> memref<1x125x80xi32, #tpu.memory_space<hbm>>
    %dma_wait3A_60 = tpu.memref_squeeze %dma_wait3A_59 : memref<1x125x80xi32, #tpu.memory_space<hbm>> -> memref<125x80xi32, #tpu.memory_space<hbm>>
    %dma_wait3A_61 = arith.constant 0 : i32
    %dma_wait3A_62 = arith.constant 0 : i32
    %dma_wait3A_63 = tpu.memref_slice %arg4[%add3A, %dma_wait3A_61, %dma_wait3A_62] : memref<32x125x80xi32, #tpu.memory_space<hbm>> -> memref<1x125x80xi32, #tpu.memory_space<hbm>>
    %dma_wait3A_64 = tpu.memref_squeeze %dma_wait3A_63 : memref<1x125x80xi32, #tpu.memory_space<hbm>> -> memref<125x80xi32, #tpu.memory_space<hbm>>
    tpu.wait_dma2 semaphore(%arg18 : memref<!tpu.dma_semaphore, #tpu.memory_space<semaphore_mem>>) src(%dma_wait3A_64 : memref<125x80xi32, #tpu.memory_space<hbm>>) dst(%arg8 : memref<125x80xi32, #tpu.memory_space<vmem>>)
    %barrier3A = arith.constant 0 : index
    tpu.barrier barrier_id(%barrier3A)
    %dma_start3A_65 = arith.constant 0 : i32
    %dma_start3A_66 = arith.constant 0 : i32
    %dma_start3A_67 = tpu.memref_slice %arg7[%dma_start3A_65, %dma_start3A_66] : memref<125x80xi32, #tpu.memory_space<vmem>> -> memref<1x80xi32, #tpu.memory_space<vmem>>
    %dma_start3A_68 = tpu.memref_squeeze %dma_start3A_67 : memref<1x80xi32, #tpu.memory_space<vmem>> -> memref<80xi32, #tpu.memory_space<vmem>>
    %dma_start3A_69 = arith.constant 0 : i32
    %dma_start3A_70 = arith.constant 0 : i32
    %dma_start3A_71 = tpu.memref_slice %arg13[%dma_start3A_69, %dma_start3A_70] : memref<10000x64xf32, #tpu.memory_space<vmem_shared>> -> memref<10000x64xf32, #tpu.memory_space<vmem_shared>>
    tpu.enqueue_indirect_dma source(%dma_start3A_71 : memref<10000x64xf32, #tpu.memory_space<vmem_shared>>) target(%arg9 : memref<80x64xf32, #tpu.memory_space<vmem>>) offsets(%dma_start3A_68 : memref<80xi32, #tpu.memory_space<vmem>>) semaphore(%arg14 : memref<!tpu.dma_semaphore, #tpu.memory_space<semaphore_mem>>)
    %dma_start3A_72 = arith.constant 1 : i32
    %dma_start3A_73 = arith.constant 0 : i32
    %dma_start3A_74 = tpu.memref_slice %arg7[%dma_start3A_72, %dma_start3A_73] : memref<125x80xi32, #tpu.memory_space<vmem>> -> memref<1x80xi32, #tpu.memory_space<vmem>>
    %dma_start3A_75 = tpu.memref_squeeze %dma_start3A_74 : memref<1x80xi32, #tpu.memory_space<vmem>> -> memref<80xi32, #tpu.memory_space<vmem>>
    %dma_start3A_76 = arith.constant 0 : i32
    %dma_start3A_77 = arith.constant 0 : i32
    %dma_start3A_78 = tpu.memref_slice %arg13[%dma_start3A_76, %dma_start3A_77] : memref<10000x64xf32, #tpu.memory_space<vmem_shared>> -> memref<10000x64xf32, #tpu.memory_space<vmem_shared>>
    tpu.enqueue_indirect_dma source(%dma_start3A_78 : memref<10000x64xf32, #tpu.memory_space<vmem_shared>>) target(%arg10 : memref<80x64xf32, #tpu.memory_space<vmem>>) offsets(%dma_start3A_75 : memref<80xi32, #tpu.memory_space<vmem>>) semaphore(%arg15 : memref<!tpu.dma_semaphore, #tpu.memory_space<semaphore_mem>>)
    %dma_start3A_79 = arith.constant 2 : i32
    %dma_start3A_80 = arith.constant 0 : i32
    %dma_start3A_81 = tpu.memref_slice %arg7[%dma_start3A_79, %dma_start3A_80] : memref<125x80xi32, #tpu.memory_space<vmem>> -> memref<1x80xi32, #tpu.memory_space<vmem>>
    %dma_start3A_82 = tpu.memref_squeeze %dma_start3A_81 : memref<1x80xi32, #tpu.memory_space<vmem>> -> memref<80xi32, #tpu.memory_space<vmem>>
    %dma_start3A_83 = arith.constant 0 : i32
    %dma_start3A_84 = arith.constant 0 : i32
    %dma_start3A_85 = tpu.memref_slice %arg13[%dma_start3A_83, %dma_start3A_84] : memref<10000x64xf32, #tpu.memory_space<vmem_shared>> -> memref<10000x64xf32, #tpu.memory_space<vmem_shared>>
    tpu.enqueue_indirect_dma source(%dma_start3A_85 : memref<10000x64xf32, #tpu.memory_space<vmem_shared>>) target(%arg11 : memref<80x64xf32, #tpu.memory_space<vmem>>) offsets(%dma_start3A_82 : memref<80xi32, #tpu.memory_space<vmem>>) semaphore(%arg16 : memref<!tpu.dma_semaphore, #tpu.memory_space<semaphore_mem>>)
    %scan3A = arith.constant 0 : i32
    %scan3A_86 = arith.constant 0 : i32
    %scan3A_87 = arith.constant 40 : i32
    %scan3A_88 = arith.addi %scan3A_86, %scan3A_87 : i32
    %scan3A_89 = arith.constant 1 : i32
    scf.for %scan3A_162 = %scan3A_86 to %scan3A_88 step %scan3A_89  : i32 {
      %mul3A_163 = arith.constant 3 : i32
      %mul3A_164 = arith.muli %mul3A_163, %scan3A_162 : i32
      %add3A_165 = arith.constant 0 : i32
      %add3A_166 = arith.addi %mul3A_164, %add3A_165 : i32
      %dma_wait3A_167 = arith.constant 0 : i32
      %dma_wait3A_168 = tpu.memref_slice %arg7[%add3A_166, %dma_wait3A_167] : memref<125x80xi32, #tpu.memory_space<vmem>> -> memref<1x80xi32, #tpu.memory_space<vmem>>
      %dma_wait3A_169 = tpu.memref_squeeze %dma_wait3A_168 : memref<1x80xi32, #tpu.memory_space<vmem>> -> memref<80xi32, #tpu.memory_space<vmem>>
      %dma_wait3A_170 = arith.constant 0 : i32
      %dma_wait3A_171 = arith.constant 0 : i32
      %dma_wait3A_172 = tpu.memref_slice %arg13[%dma_wait3A_170, %dma_wait3A_171] : memref<10000x64xf32, #tpu.memory_space<vmem_shared>> -> memref<10000x64xf32, #tpu.memory_space<vmem_shared>>
      tpu.wait_indirect_dma semaphore(%arg14 : memref<!tpu.dma_semaphore, #tpu.memory_space<semaphore_mem>>) src(%dma_wait3A_172 : memref<10000x64xf32, #tpu.memory_space<vmem_shared>>) dst(%arg9 : memref<80x64xf32, #tpu.memory_space<vmem>>)
      %add3A_173 = arith.constant 0 : i32
      %add3A_174 = arith.addi %mul3A_164, %add3A_173 : i32
      %dma_start3A_175 = arith.constant 0 : i32
      %dma_start3A_176 = tpu.memref_slice %arg8[%add3A_174, %dma_start3A_175] : memref<125x80xi32, #tpu.memory_space<vmem>> -> memref<1x80xi32, #tpu.memory_space<vmem>>
      %dma_start3A_177 = tpu.memref_squeeze %dma_start3A_176 : memref<1x80xi32, #tpu.memory_space<vmem>> -> memref<80xi32, #tpu.memory_space<vmem>>
      %dma_start3A_178 = arith.constant 0 : i32
      %dma_start3A_179 = arith.constant 0 : i32
      %dma_start3A_180 = tpu.memref_slice %arg12[%dma_start3A_178, %dma_start3A_179] : memref<10016x64xf32, #tpu.memory_space<vmem_shared>> -> memref<10016x64xf32, #tpu.memory_space<vmem_shared>>
      tpu.enqueue_indirect_dma source(%arg9 : memref<80x64xf32, #tpu.memory_space<vmem>>) target(%dma_start3A_180 : memref<10016x64xf32, #tpu.memory_space<vmem_shared>>) offsets(%dma_start3A_177 : memref<80xi32, #tpu.memory_space<vmem>>) semaphore(%arg17 : memref<!tpu.dma_semaphore, #tpu.memory_space<semaphore_mem>>) {add = true}
      %add3A_181 = arith.constant 1 : i32
      %add3A_182 = arith.addi %mul3A_164, %add3A_181 : i32
      %dma_wait3A_183 = arith.constant 0 : i32
      %dma_wait3A_184 = tpu.memref_slice %arg7[%add3A_182, %dma_wait3A_183] : memref<125x80xi32, #tpu.memory_space<vmem>> -> memref<1x80xi32, #tpu.memory_space<vmem>>
      %dma_wait3A_185 = tpu.memref_squeeze %dma_wait3A_184 : memref<1x80xi32, #tpu.memory_space<vmem>> -> memref<80xi32, #tpu.memory_space<vmem>>
      %dma_wait3A_186 = arith.constant 0 : i32
      %dma_wait3A_187 = arith.constant 0 : i32
      %dma_wait3A_188 = tpu.memref_slice %arg13[%dma_wait3A_186, %dma_wait3A_187] : memref<10000x64xf32, #tpu.memory_space<vmem_shared>> -> memref<10000x64xf32, #tpu.memory_space<vmem_shared>>
      tpu.wait_indirect_dma semaphore(%arg15 : memref<!tpu.dma_semaphore, #tpu.memory_space<semaphore_mem>>) src(%dma_wait3A_188 : memref<10000x64xf32, #tpu.memory_space<vmem_shared>>) dst(%arg10 : memref<80x64xf32, #tpu.memory_space<vmem>>)
      %add3A_189 = arith.constant 1 : i32
      %add3A_190 = arith.addi %mul3A_164, %add3A_189 : i32
      %dma_start3A_191 = arith.constant 0 : i32
      %dma_start3A_192 = tpu.memref_slice %arg8[%add3A_190, %dma_start3A_191] : memref<125x80xi32, #tpu.memory_space<vmem>> -> memref<1x80xi32, #tpu.memory_space<vmem>>
      %dma_start3A_193 = tpu.memref_squeeze %dma_start3A_192 : memref<1x80xi32, #tpu.memory_space<vmem>> -> memref<80xi32, #tpu.memory_space<vmem>>
      %dma_start3A_194 = arith.constant 0 : i32
      %dma_start3A_195 = arith.constant 0 : i32
      %dma_start3A_196 = tpu.memref_slice %arg12[%dma_start3A_194, %dma_start3A_195] : memref<10016x64xf32, #tpu.memory_space<vmem_shared>> -> memref<10016x64xf32, #tpu.memory_space<vmem_shared>>
      tpu.enqueue_indirect_dma source(%arg10 : memref<80x64xf32, #tpu.memory_space<vmem>>) target(%dma_start3A_196 : memref<10016x64xf32, #tpu.memory_space<vmem_shared>>) offsets(%dma_start3A_193 : memref<80xi32, #tpu.memory_space<vmem>>) semaphore(%arg18 : memref<!tpu.dma_semaphore, #tpu.memory_space<semaphore_mem>>) {add = true}
      %add3A_197 = arith.constant 2 : i32
      %add3A_198 = arith.addi %mul3A_164, %add3A_197 : i32
      %dma_wait3A_199 = arith.constant 0 : i32
      %dma_wait3A_200 = tpu.memref_slice %arg7[%add3A_198, %dma_wait3A_199] : memref<125x80xi32, #tpu.memory_space<vmem>> -> memref<1x80xi32, #tpu.memory_space<vmem>>
      %dma_wait3A_201 = tpu.memref_squeeze %dma_wait3A_200 : memref<1x80xi32, #tpu.memory_space<vmem>> -> memref<80xi32, #tpu.memory_space<vmem>>
      %dma_wait3A_202 = arith.constant 0 : i32
      %dma_wait3A_203 = arith.constant 0 : i32
      %dma_wait3A_204 = tpu.memref_slice %arg13[%dma_wait3A_202, %dma_wait3A_203] : memref<10000x64xf32, #tpu.memory_space<vmem_shared>> -> memref<10000x64xf32, #tpu.memory_space<vmem_shared>>
      tpu.wait_indirect_dma semaphore(%arg16 : memref<!tpu.dma_semaphore, #tpu.memory_space<semaphore_mem>>) src(%dma_wait3A_204 : memref<10000x64xf32, #tpu.memory_space<vmem_shared>>) dst(%arg11 : memref<80x64xf32, #tpu.memory_space<vmem>>)
      %add3A_205 = arith.constant 2 : i32
      %add3A_206 = arith.addi %mul3A_164, %add3A_205 : i32
      %dma_start3A_207 = arith.constant 0 : i32
      %dma_start3A_208 = tpu.memref_slice %arg8[%add3A_206, %dma_start3A_207] : memref<125x80xi32, #tpu.memory_space<vmem>> -> memref<1x80xi32, #tpu.memory_space<vmem>>
      %dma_start3A_209 = tpu.memref_squeeze %dma_start3A_208 : memref<1x80xi32, #tpu.memory_space<vmem>> -> memref<80xi32, #tpu.memory_space<vmem>>
      %dma_start3A_210 = arith.constant 0 : i32
      %dma_start3A_211 = arith.constant 0 : i32
      %dma_start3A_212 = tpu.memref_slice %arg12[%dma_start3A_210, %dma_start3A_211] : memref<10016x64xf32, #tpu.memory_space<vmem_shared>> -> memref<10016x64xf32, #tpu.memory_space<vmem_shared>>
      tpu.enqueue_indirect_dma source(%arg11 : memref<80x64xf32, #tpu.memory_space<vmem>>) target(%dma_start3A_212 : memref<10016x64xf32, #tpu.memory_space<vmem_shared>>) offsets(%dma_start3A_209 : memref<80xi32, #tpu.memory_space<vmem>>) semaphore(%arg19 : memref<!tpu.dma_semaphore, #tpu.memory_space<semaphore_mem>>) {add = true}
      %add3A_213 = arith.constant 0 : i32
      %add3A_214 = arith.addi %mul3A_164, %add3A_213 : i32
      %dma_wait3A_215 = arith.constant 0 : i32
      %dma_wait3A_216 = tpu.memref_slice %arg8[%add3A_214, %dma_wait3A_215] : memref<125x80xi32, #tpu.memory_space<vmem>> -> memref<1x80xi32, #tpu.memory_space<vmem>>
      %dma_wait3A_217 = tpu.memref_squeeze %dma_wait3A_216 : memref<1x80xi32, #tpu.memory_space<vmem>> -> memref<80xi32, #tpu.memory_space<vmem>>
      %dma_wait3A_218 = arith.constant 0 : i32
      %dma_wait3A_219 = arith.constant 0 : i32
      %dma_wait3A_220 = tpu.memref_slice %arg12[%dma_wait3A_218, %dma_wait3A_219] : memref<10016x64xf32, #tpu.memory_space<vmem_shared>> -> memref<10016x64xf32, #tpu.memory_space<vmem_shared>>
      tpu.wait_indirect_dma semaphore(%arg17 : memref<!tpu.dma_semaphore, #tpu.memory_space<semaphore_mem>>) src(%arg9 : memref<80x64xf32, #tpu.memory_space<vmem>>) dst(%dma_wait3A_220 : memref<10016x64xf32, #tpu.memory_space<vmem_shared>>)
      %add3A_221 = arith.constant 3 : i32
      %add3A_222 = arith.addi %mul3A_164, %add3A_221 : i32
      %add3A_223 = arith.constant 0 : i32
      %add3A_224 = arith.addi %add3A_222, %add3A_223 : i32
      %dma_start3A_225 = arith.constant 0 : i32
      %dma_start3A_226 = tpu.memref_slice %arg7[%add3A_224, %dma_start3A_225] : memref<125x80xi32, #tpu.memory_space<vmem>> -> memref<1x80xi32, #tpu.memory_space<vmem>>
      %dma_start3A_227 = tpu.memref_squeeze %dma_start3A_226 : memref<1x80xi32, #tpu.memory_space<vmem>> -> memref<80xi32, #tpu.memory_space<vmem>>
      %dma_start3A_228 = arith.constant 0 : i32
      %dma_start3A_229 = arith.constant 0 : i32
      %dma_start3A_230 = tpu.memref_slice %arg13[%dma_start3A_228, %dma_start3A_229] : memref<10000x64xf32, #tpu.memory_space<vmem_shared>> -> memref<10000x64xf32, #tpu.memory_space<vmem_shared>>
      tpu.enqueue_indirect_dma source(%dma_start3A_230 : memref<10000x64xf32, #tpu.memory_space<vmem_shared>>) target(%arg9 : memref<80x64xf32, #tpu.memory_space<vmem>>) offsets(%dma_start3A_227 : memref<80xi32, #tpu.memory_space<vmem>>) semaphore(%arg14 : memref<!tpu.dma_semaphore, #tpu.memory_space<semaphore_mem>>)
      %add3A_231 = arith.constant 1 : i32
      %add3A_232 = arith.addi %mul3A_164, %add3A_231 : i32
      %dma_wait3A_233 = arith.constant 0 : i32
      %dma_wait3A_234 = tpu.memref_slice %arg8[%add3A_232, %dma_wait3A_233] : memref<125x80xi32, #tpu.memory_space<vmem>> -> memref<1x80xi32, #tpu.memory_space<vmem>>
      %dma_wait3A_235 = tpu.memref_squeeze %dma_wait3A_234 : memref<1x80xi32, #tpu.memory_space<vmem>> -> memref<80xi32, #tpu.memory_space<vmem>>
      %dma_wait3A_236 = arith.constant 0 : i32
      %dma_wait3A_237 = arith.constant 0 : i32
      %dma_wait3A_238 = tpu.memref_slice %arg12[%dma_wait3A_236, %dma_wait3A_237] : memref<10016x64xf32, #tpu.memory_space<vmem_shared>> -> memref<10016x64xf32, #tpu.memory_space<vmem_shared>>
      tpu.wait_indirect_dma semaphore(%arg18 : memref<!tpu.dma_semaphore, #tpu.memory_space<semaphore_mem>>) src(%arg10 : memref<80x64xf32, #tpu.memory_space<vmem>>) dst(%dma_wait3A_238 : memref<10016x64xf32, #tpu.memory_space<vmem_shared>>)
      %add3A_239 = arith.constant 3 : i32
      %add3A_240 = arith.addi %mul3A_164, %add3A_239 : i32
      %add3A_241 = arith.constant 1 : i32
      %add3A_242 = arith.addi %add3A_240, %add3A_241 : i32
      %dma_start3A_243 = arith.constant 0 : i32
      %dma_start3A_244 = tpu.memref_slice %arg7[%add3A_242, %dma_start3A_243] : memref<125x80xi32, #tpu.memory_space<vmem>> -> memref<1x80xi32, #tpu.memory_space<vmem>>
      %dma_start3A_245 = tpu.memref_squeeze %dma_start3A_244 : memref<1x80xi32, #tpu.memory_space<vmem>> -> memref<80xi32, #tpu.memory_space<vmem>>
      %dma_start3A_246 = arith.constant 0 : i32
      %dma_start3A_247 = arith.constant 0 : i32
      %dma_start3A_248 = tpu.memref_slice %arg13[%dma_start3A_246, %dma_start3A_247] : memref<10000x64xf32, #tpu.memory_space<vmem_shared>> -> memref<10000x64xf32, #tpu.memory_space<vmem_shared>>
      tpu.enqueue_indirect_dma source(%dma_start3A_248 : memref<10000x64xf32, #tpu.memory_space<vmem_shared>>) target(%arg10 : memref<80x64xf32, #tpu.memory_space<vmem>>) offsets(%dma_start3A_245 : memref<80xi32, #tpu.memory_space<vmem>>) semaphore(%arg15 : memref<!tpu.dma_semaphore, #tpu.memory_space<semaphore_mem>>)
      %add3A_249 = arith.constant 2 : i32
      %add3A_250 = arith.addi %mul3A_164, %add3A_249 : i32
      %dma_wait3A_251 = arith.constant 0 : i32
      %dma_wait3A_252 = tpu.memref_slice %arg8[%add3A_250, %dma_wait3A_251] : memref<125x80xi32, #tpu.memory_space<vmem>> -> memref<1x80xi32, #tpu.memory_space<vmem>>
      %dma_wait3A_253 = tpu.memref_squeeze %dma_wait3A_252 : memref<1x80xi32, #tpu.memory_space<vmem>> -> memref<80xi32, #tpu.memory_space<vmem>>
      %dma_wait3A_254 = arith.constant 0 : i32
      %dma_wait3A_255 = arith.constant 0 : i32
      %dma_wait3A_256 = tpu.memref_slice %arg12[%dma_wait3A_254, %dma_wait3A_255] : memref<10016x64xf32, #tpu.memory_space<vmem_shared>> -> memref<10016x64xf32, #tpu.memory_space<vmem_shared>>
      tpu.wait_indirect_dma semaphore(%arg19 : memref<!tpu.dma_semaphore, #tpu.memory_space<semaphore_mem>>) src(%arg11 : memref<80x64xf32, #tpu.memory_space<vmem>>) dst(%dma_wait3A_256 : memref<10016x64xf32, #tpu.memory_space<vmem_shared>>)
      %add3A_257 = arith.constant 3 : i32
      %add3A_258 = arith.addi %mul3A_164, %add3A_257 : i32
      %add3A_259 = arith.constant 2 : i32
      %add3A_260 = arith.addi %add3A_258, %add3A_259 : i32
      %dma_start3A_261 = arith.constant 0 : i32
      %dma_start3A_262 = tpu.memref_slice %arg7[%add3A_260, %dma_start3A_261] : memref<125x80xi32, #tpu.memory_space<vmem>> -> memref<1x80xi32, #tpu.memory_space<vmem>>
      %dma_start3A_263 = tpu.memref_squeeze %dma_start3A_262 : memref<1x80xi32, #tpu.memory_space<vmem>> -> memref<80xi32, #tpu.memory_space<vmem>>
      %dma_start3A_264 = arith.constant 0 : i32
      %dma_start3A_265 = arith.constant 0 : i32
      %dma_start3A_266 = tpu.memref_slice %arg13[%dma_start3A_264, %dma_start3A_265] : memref<10000x64xf32, #tpu.memory_space<vmem_shared>> -> memref<10000x64xf32, #tpu.memory_space<vmem_shared>>
      tpu.enqueue_indirect_dma source(%dma_start3A_266 : memref<10000x64xf32, #tpu.memory_space<vmem_shared>>) target(%arg11 : memref<80x64xf32, #tpu.memory_space<vmem>>) offsets(%dma_start3A_263 : memref<80xi32, #tpu.memory_space<vmem>>) semaphore(%arg16 : memref<!tpu.dma_semaphore, #tpu.memory_space<semaphore_mem>>)
    }
    %scan3A_90 = arith.constant 40 : i32
    %dma_wait3A_91 = arith.constant 120 : i32
    %dma_wait3A_92 = arith.constant 0 : i32
    %dma_wait3A_93 = tpu.memref_slice %arg7[%dma_wait3A_91, %dma_wait3A_92] : memref<125x80xi32, #tpu.memory_space<vmem>> -> memref<1x80xi32, #tpu.memory_space<vmem>>
    %dma_wait3A_94 = tpu.memref_squeeze %dma_wait3A_93 : memref<1x80xi32, #tpu.memory_space<vmem>> -> memref<80xi32, #tpu.memory_space<vmem>>
    %dma_wait3A_95 = arith.constant 0 : i32
    %dma_wait3A_96 = arith.constant 0 : i32
    %dma_wait3A_97 = tpu.memref_slice %arg13[%dma_wait3A_95, %dma_wait3A_96] : memref<10000x64xf32, #tpu.memory_space<vmem_shared>> -> memref<10000x64xf32, #tpu.memory_space<vmem_shared>>
    tpu.wait_indirect_dma semaphore(%arg14 : memref<!tpu.dma_semaphore, #tpu.memory_space<semaphore_mem>>) src(%dma_wait3A_97 : memref<10000x64xf32, #tpu.memory_space<vmem_shared>>) dst(%arg9 : memref<80x64xf32, #tpu.memory_space<vmem>>)
    %dma_start3A_98 = arith.constant 120 : i32
    %dma_start3A_99 = arith.constant 0 : i32
    %dma_start3A_100 = tpu.memref_slice %arg8[%dma_start3A_98, %dma_start3A_99] : memref<125x80xi32, #tpu.memory_space<vmem>> -> memref<1x80xi32, #tpu.memory_space<vmem>>
    %dma_start3A_101 = tpu.memref_squeeze %dma_start3A_100 : memref<1x80xi32, #tpu.memory_space<vmem>> -> memref<80xi32, #tpu.memory_space<vmem>>
    %dma_start3A_102 = arith.constant 0 : i32
    %dma_start3A_103 = arith.constant 0 : i32
    %dma_start3A_104 = tpu.memref_slice %arg12[%dma_start3A_102, %dma_start3A_103] : memref<10016x64xf32, #tpu.memory_space<vmem_shared>> -> memref<10016x64xf32, #tpu.memory_space<vmem_shared>>
    tpu.enqueue_indirect_dma source(%arg9 : memref<80x64xf32, #tpu.memory_space<vmem>>) target(%dma_start3A_104 : memref<10016x64xf32, #tpu.memory_space<vmem_shared>>) offsets(%dma_start3A_101 : memref<80xi32, #tpu.memory_space<vmem>>) semaphore(%arg17 : memref<!tpu.dma_semaphore, #tpu.memory_space<semaphore_mem>>) {add = true}
    %dma_wait3A_105 = arith.constant 121 : i32
    %dma_wait3A_106 = arith.constant 0 : i32
    %dma_wait3A_107 = tpu.memref_slice %arg7[%dma_wait3A_105, %dma_wait3A_106] : memref<125x80xi32, #tpu.memory_space<vmem>> -> memref<1x80xi32, #tpu.memory_space<vmem>>
    %dma_wait3A_108 = tpu.memref_squeeze %dma_wait3A_107 : memref<1x80xi32, #tpu.memory_space<vmem>> -> memref<80xi32, #tpu.memory_space<vmem>>
    %dma_wait3A_109 = arith.constant 0 : i32
    %dma_wait3A_110 = arith.constant 0 : i32
    %dma_wait3A_111 = tpu.memref_slice %arg13[%dma_wait3A_109, %dma_wait3A_110] : memref<10000x64xf32, #tpu.memory_space<vmem_shared>> -> memref<10000x64xf32, #tpu.memory_space<vmem_shared>>
    tpu.wait_indirect_dma semaphore(%arg15 : memref<!tpu.dma_semaphore, #tpu.memory_space<semaphore_mem>>) src(%dma_wait3A_111 : memref<10000x64xf32, #tpu.memory_space<vmem_shared>>) dst(%arg10 : memref<80x64xf32, #tpu.memory_space<vmem>>)
    %dma_start3A_112 = arith.constant 121 : i32
    %dma_start3A_113 = arith.constant 0 : i32
    %dma_start3A_114 = tpu.memref_slice %arg8[%dma_start3A_112, %dma_start3A_113] : memref<125x80xi32, #tpu.memory_space<vmem>> -> memref<1x80xi32, #tpu.memory_space<vmem>>
    %dma_start3A_115 = tpu.memref_squeeze %dma_start3A_114 : memref<1x80xi32, #tpu.memory_space<vmem>> -> memref<80xi32, #tpu.memory_space<vmem>>
    %dma_start3A_116 = arith.constant 0 : i32
    %dma_start3A_117 = arith.constant 0 : i32
    %dma_start3A_118 = tpu.memref_slice %arg12[%dma_start3A_116, %dma_start3A_117] : memref<10016x64xf32, #tpu.memory_space<vmem_shared>> -> memref<10016x64xf32, #tpu.memory_space<vmem_shared>>
    tpu.enqueue_indirect_dma source(%arg10 : memref<80x64xf32, #tpu.memory_space<vmem>>) target(%dma_start3A_118 : memref<10016x64xf32, #tpu.memory_space<vmem_shared>>) offsets(%dma_start3A_115 : memref<80xi32, #tpu.memory_space<vmem>>) semaphore(%arg18 : memref<!tpu.dma_semaphore, #tpu.memory_space<semaphore_mem>>) {add = true}
    %dma_wait3A_119 = arith.constant 122 : i32
    %dma_wait3A_120 = arith.constant 0 : i32
    %dma_wait3A_121 = tpu.memref_slice %arg7[%dma_wait3A_119, %dma_wait3A_120] : memref<125x80xi32, #tpu.memory_space<vmem>> -> memref<1x80xi32, #tpu.memory_space<vmem>>
    %dma_wait3A_122 = tpu.memref_squeeze %dma_wait3A_121 : memref<1x80xi32, #tpu.memory_space<vmem>> -> memref<80xi32, #tpu.memory_space<vmem>>
    %dma_wait3A_123 = arith.constant 0 : i32
    %dma_wait3A_124 = arith.constant 0 : i32
    %dma_wait3A_125 = tpu.memref_slice %arg13[%dma_wait3A_123, %dma_wait3A_124] : memref<10000x64xf32, #tpu.memory_space<vmem_shared>> -> memref<10000x64xf32, #tpu.memory_space<vmem_shared>>
    tpu.wait_indirect_dma semaphore(%arg16 : memref<!tpu.dma_semaphore, #tpu.memory_space<semaphore_mem>>) src(%dma_wait3A_125 : memref<10000x64xf32, #tpu.memory_space<vmem_shared>>) dst(%arg11 : memref<80x64xf32, #tpu.memory_space<vmem>>)
    %dma_start3A_126 = arith.constant 122 : i32
    %dma_start3A_127 = arith.constant 0 : i32
    %dma_start3A_128 = tpu.memref_slice %arg8[%dma_start3A_126, %dma_start3A_127] : memref<125x80xi32, #tpu.memory_space<vmem>> -> memref<1x80xi32, #tpu.memory_space<vmem>>
    %dma_start3A_129 = tpu.memref_squeeze %dma_start3A_128 : memref<1x80xi32, #tpu.memory_space<vmem>> -> memref<80xi32, #tpu.memory_space<vmem>>
    %dma_start3A_130 = arith.constant 0 : i32
    %dma_start3A_131 = arith.constant 0 : i32
    %dma_start3A_132 = tpu.memref_slice %arg12[%dma_start3A_130, %dma_start3A_131] : memref<10016x64xf32, #tpu.memory_space<vmem_shared>> -> memref<10016x64xf32, #tpu.memory_space<vmem_shared>>
    tpu.enqueue_indirect_dma source(%arg11 : memref<80x64xf32, #tpu.memory_space<vmem>>) target(%dma_start3A_132 : memref<10016x64xf32, #tpu.memory_space<vmem_shared>>) offsets(%dma_start3A_129 : memref<80xi32, #tpu.memory_space<vmem>>) semaphore(%arg19 : memref<!tpu.dma_semaphore, #tpu.memory_space<semaphore_mem>>) {add = true}
    %dma_wait3A_133 = arith.constant 120 : i32
    %dma_wait3A_134 = arith.constant 0 : i32
    %dma_wait3A_135 = tpu.memref_slice %arg8[%dma_wait3A_133, %dma_wait3A_134] : memref<125x80xi32, #tpu.memory_space<vmem>> -> memref<1x80xi32, #tpu.memory_space<vmem>>
    %dma_wait3A_136 = tpu.memref_squeeze %dma_wait3A_135 : memref<1x80xi32, #tpu.memory_space<vmem>> -> memref<80xi32, #tpu.memory_space<vmem>>
    %dma_wait3A_137 = arith.constant 0 : i32
    %dma_wait3A_138 = arith.constant 0 : i32
    %dma_wait3A_139 = tpu.memref_slice %arg12[%dma_wait3A_137, %dma_wait3A_138] : memref<10016x64xf32, #tpu.memory_space<vmem_shared>> -> memref<10016x64xf32, #tpu.memory_space<vmem_shared>>
    tpu.wait_indirect_dma semaphore(%arg17 : memref<!tpu.dma_semaphore, #tpu.memory_space<semaphore_mem>>) src(%arg9 : memref<80x64xf32, #tpu.memory_space<vmem>>) dst(%dma_wait3A_139 : memref<10016x64xf32, #tpu.memory_space<vmem_shared>>)
    %dma_wait3A_140 = arith.constant 121 : i32
    %dma_wait3A_141 = arith.constant 0 : i32
    %dma_wait3A_142 = tpu.memref_slice %arg8[%dma_wait3A_140, %dma_wait3A_141] : memref<125x80xi32, #tpu.memory_space<vmem>> -> memref<1x80xi32, #tpu.memory_space<vmem>>
    %dma_wait3A_143 = tpu.memref_squeeze %dma_wait3A_142 : memref<1x80xi32, #tpu.memory_space<vmem>> -> memref<80xi32, #tpu.memory_space<vmem>>
    %dma_wait3A_144 = arith.constant 0 : i32
    %dma_wait3A_145 = arith.constant 0 : i32
    %dma_wait3A_146 = tpu.memref_slice %arg12[%dma_wait3A_144, %dma_wait3A_145] : memref<10016x64xf32, #tpu.memory_space<vmem_shared>> -> memref<10016x64xf32, #tpu.memory_space<vmem_shared>>
    tpu.wait_indirect_dma semaphore(%arg18 : memref<!tpu.dma_semaphore, #tpu.memory_space<semaphore_mem>>) src(%arg10 : memref<80x64xf32, #tpu.memory_space<vmem>>) dst(%dma_wait3A_146 : memref<10016x64xf32, #tpu.memory_space<vmem_shared>>)
    %dma_wait3A_147 = arith.constant 122 : i32
    %dma_wait3A_148 = arith.constant 0 : i32
    %dma_wait3A_149 = tpu.memref_slice %arg8[%dma_wait3A_147, %dma_wait3A_148] : memref<125x80xi32, #tpu.memory_space<vmem>> -> memref<1x80xi32, #tpu.memory_space<vmem>>
    %dma_wait3A_150 = tpu.memref_squeeze %dma_wait3A_149 : memref<1x80xi32, #tpu.memory_space<vmem>> -> memref<80xi32, #tpu.memory_space<vmem>>
    %dma_wait3A_151 = arith.constant 0 : i32
    %dma_wait3A_152 = arith.constant 0 : i32
    %dma_wait3A_153 = tpu.memref_slice %arg12[%dma_wait3A_151, %dma_wait3A_152] : memref<10016x64xf32, #tpu.memory_space<vmem_shared>> -> memref<10016x64xf32, #tpu.memory_space<vmem_shared>>
    tpu.wait_indirect_dma semaphore(%arg19 : memref<!tpu.dma_semaphore, #tpu.memory_space<semaphore_mem>>) src(%arg11 : memref<80x64xf32, #tpu.memory_space<vmem>>) dst(%dma_wait3A_153 : memref<10016x64xf32, #tpu.memory_space<vmem_shared>>)
    %run_scoped3A = arith.constant 123 : i32
    "tpu.region"() ({
      %run_scoped3A_162 = tpu.sem_alloc : memref<!tpu.dma_semaphore, #tpu.memory_space<semaphore_mem>>
      %dma_start3A_163 = arith.constant 0 : i32
      %dma_start3A_164 = tpu.memref_slice %arg7[%run_scoped3A, %dma_start3A_163] : memref<125x80xi32, #tpu.memory_space<vmem>> -> memref<1x80xi32, #tpu.memory_space<vmem>>
      %dma_start3A_165 = tpu.memref_squeeze %dma_start3A_164 : memref<1x80xi32, #tpu.memory_space<vmem>> -> memref<80xi32, #tpu.memory_space<vmem>>
      %dma_start3A_166 = arith.constant 0 : i32
      %dma_start3A_167 = arith.constant 0 : i32
      %dma_start3A_168 = tpu.memref_slice %arg13[%dma_start3A_166, %dma_start3A_167] : memref<10000x64xf32, #tpu.memory_space<vmem_shared>> -> memref<10000x64xf32, #tpu.memory_space<vmem_shared>>
      tpu.enqueue_indirect_dma source(%dma_start3A_168 : memref<10000x64xf32, #tpu.memory_space<vmem_shared>>) target(%arg9 : memref<80x64xf32, #tpu.memory_space<vmem>>) offsets(%dma_start3A_165 : memref<80xi32, #tpu.memory_space<vmem>>) semaphore(%run_scoped3A_162 : memref<!tpu.dma_semaphore, #tpu.memory_space<semaphore_mem>>)
      %dma_wait3A_169 = arith.constant 0 : i32
      %dma_wait3A_170 = tpu.memref_slice %arg7[%run_scoped3A, %dma_wait3A_169] : memref<125x80xi32, #tpu.memory_space<vmem>> -> memref<1x80xi32, #tpu.memory_space<vmem>>
      %dma_wait3A_171 = tpu.memref_squeeze %dma_wait3A_170 : memref<1x80xi32, #tpu.memory_space<vmem>> -> memref<80xi32, #tpu.memory_space<vmem>>
      %dma_wait3A_172 = arith.constant 0 : i32
      %dma_wait3A_173 = arith.constant 0 : i32
      %dma_wait3A_174 = tpu.memref_slice %arg13[%dma_wait3A_172, %dma_wait3A_173] : memref<10000x64xf32, #tpu.memory_space<vmem_shared>> -> memref<10000x64xf32, #tpu.memory_space<vmem_shared>>
      tpu.wait_indirect_dma semaphore(%run_scoped3A_162 : memref<!tpu.dma_semaphore, #tpu.memory_space<semaphore_mem>>) src(%dma_wait3A_174 : memref<10000x64xf32, #tpu.memory_space<vmem_shared>>) dst(%arg9 : memref<80x64xf32, #tpu.memory_space<vmem>>)
      tpu.yield
    }) : () -> ()
    %run_scoped3A_154 = arith.constant 123 : i32
    "tpu.region"() ({
      %run_scoped3A_162 = tpu.sem_alloc : memref<!tpu.dma_semaphore, #tpu.memory_space<semaphore_mem>>
      %dma_start3A_163 = arith.constant 0 : i32
      %dma_start3A_164 = tpu.memref_slice %arg8[%run_scoped3A_154, %dma_start3A_163] : memref<125x80xi32, #tpu.memory_space<vmem>> -> memref<1x80xi32, #tpu.memory_space<vmem>>
      %dma_start3A_165 = tpu.memref_squeeze %dma_start3A_164 : memref<1x80xi32, #tpu.memory_space<vmem>> -> memref<80xi32, #tpu.memory_space<vmem>>
      %dma_start3A_166 = arith.constant 0 : i32
      %dma_start3A_167 = arith.constant 0 : i32
      %dma_start3A_168 = tpu.memref_slice %arg12[%dma_start3A_166, %dma_start3A_167] : memref<10016x64xf32, #tpu.memory_space<vmem_shared>> -> memref<10016x64xf32, #tpu.memory_space<vmem_shared>>
      tpu.enqueue_indirect_dma source(%arg9 : memref<80x64xf32, #tpu.memory_space<vmem>>) target(%dma_start3A_168 : memref<10016x64xf32, #tpu.memory_space<vmem_shared>>) offsets(%dma_start3A_165 : memref<80xi32, #tpu.memory_space<vmem>>) semaphore(%run_scoped3A_162 : memref<!tpu.dma_semaphore, #tpu.memory_space<semaphore_mem>>) {add = true}
      %dma_wait3A_169 = arith.constant 0 : i32
      %dma_wait3A_170 = tpu.memref_slice %arg8[%run_scoped3A_154, %dma_wait3A_169] : memref<125x80xi32, #tpu.memory_space<vmem>> -> memref<1x80xi32, #tpu.memory_space<vmem>>
      %dma_wait3A_171 = tpu.memref_squeeze %dma_wait3A_170 : memref<1x80xi32, #tpu.memory_space<vmem>> -> memref<80xi32, #tpu.memory_space<vmem>>
      %dma_wait3A_172 = arith.constant 0 : i32
      %dma_wait3A_173 = arith.constant 0 : i32
      %dma_wait3A_174 = tpu.memref_slice %arg12[%dma_wait3A_172, %dma_wait3A_173] : memref<10016x64xf32, #tpu.memory_space<vmem_shared>> -> memref<10016x64xf32, #tpu.memory_space<vmem_shared>>
      tpu.wait_indirect_dma semaphore(%run_scoped3A_162 : memref<!tpu.dma_semaphore, #tpu.memory_space<semaphore_mem>>) src(%arg9 : memref<80x64xf32, #tpu.memory_space<vmem>>) dst(%dma_wait3A_174 : memref<10016x64xf32, #tpu.memory_space<vmem_shared>>)
      tpu.yield
    }) : () -> ()
    %run_scoped3A_155 = arith.constant 124 : i32
    "tpu.region"() ({
      %run_scoped3A_162 = tpu.sem_alloc : memref<!tpu.dma_semaphore, #tpu.memory_space<semaphore_mem>>
      %dma_start3A_163 = arith.constant 0 : i32
      %dma_start3A_164 = tpu.memref_slice %arg7[%run_scoped3A_155, %dma_start3A_163] : memref<125x80xi32, #tpu.memory_space<vmem>> -> memref<1x80xi32, #tpu.memory_space<vmem>>
      %dma_start3A_165 = tpu.memref_squeeze %dma_start3A_164 : memref<1x80xi32, #tpu.memory_space<vmem>> -> memref<80xi32, #tpu.memory_space<vmem>>
      %dma_start3A_166 = arith.constant 0 : i32
      %dma_start3A_167 = arith.constant 0 : i32
      %dma_start3A_168 = tpu.memref_slice %arg13[%dma_start3A_166, %dma_start3A_167] : memref<10000x64xf32, #tpu.memory_space<vmem_shared>> -> memref<10000x64xf32, #tpu.memory_space<vmem_shared>>
      tpu.enqueue_indirect_dma source(%dma_start3A_168 : memref<10000x64xf32, #tpu.memory_space<vmem_shared>>) target(%arg9 : memref<80x64xf32, #tpu.memory_space<vmem>>) offsets(%dma_start3A_165 : memref<80xi32, #tpu.memory_space<vmem>>) semaphore(%run_scoped3A_162 : memref<!tpu.dma_semaphore, #tpu.memory_space<semaphore_mem>>)
      %dma_wait3A_169 = arith.constant 0 : i32
      %dma_wait3A_170 = tpu.memref_slice %arg7[%run_scoped3A_155, %dma_wait3A_169] : memref<125x80xi32, #tpu.memory_space<vmem>> -> memref<1x80xi32, #tpu.memory_space<vmem>>
      %dma_wait3A_171 = tpu.memref_squeeze %dma_wait3A_170 : memref<1x80xi32, #tpu.memory_space<vmem>> -> memref<80xi32, #tpu.memory_space<vmem>>
      %dma_wait3A_172 = arith.constant 0 : i32
      %dma_wait3A_173 = arith.constant 0 : i32
      %dma_wait3A_174 = tpu.memref_slice %arg13[%dma_wait3A_172, %dma_wait3A_173] : memref<10000x64xf32, #tpu.memory_space<vmem_shared>> -> memref<10000x64xf32, #tpu.memory_space<vmem_shared>>
      tpu.wait_indirect_dma semaphore(%run_scoped3A_162 : memref<!tpu.dma_semaphore, #tpu.memory_space<semaphore_mem>>) src(%dma_wait3A_174 : memref<10000x64xf32, #tpu.memory_space<vmem_shared>>) dst(%arg9 : memref<80x64xf32, #tpu.memory_space<vmem>>)
      tpu.yield
    }) : () -> ()
    %run_scoped3A_156 = arith.constant 124 : i32
    "tpu.region"() ({
      %run_scoped3A_162 = tpu.sem_alloc : memref<!tpu.dma_semaphore, #tpu.memory_space<semaphore_mem>>
      %dma_start3A_163 = arith.constant 0 : i32
      %dma_start3A_164 = tpu.memref_slice %arg8[%run_scoped3A_156, %dma_start3A_163] : memref<125x80xi32, #tpu.memory_space<vmem>> -> memref<1x80xi32, #tpu.memory_space<vmem>>
      %dma_start3A_165 = tpu.memref_squeeze %dma_start3A_164 : memref<1x80xi32, #tpu.memory_space<vmem>> -> memref<80xi32, #tpu.memory_space<vmem>>
      %dma_start3A_166 = arith.constant 0 : i32
      %dma_start3A_167 = arith.constant 0 : i32
      %dma_start3A_168 = tpu.memref_slice %arg12[%dma_start3A_166, %dma_start3A_167] : memref<10016x64xf32, #tpu.memory_space<vmem_shared>> -> memref<10016x64xf32, #tpu.memory_space<vmem_shared>>
      tpu.enqueue_indirect_dma source(%arg9 : memref<80x64xf32, #tpu.memory_space<vmem>>) target(%dma_start3A_168 : memref<10016x64xf32, #tpu.memory_space<vmem_shared>>) offsets(%dma_start3A_165 : memref<80xi32, #tpu.memory_space<vmem>>) semaphore(%run_scoped3A_162 : memref<!tpu.dma_semaphore, #tpu.memory_space<semaphore_mem>>) {add = true}
      %dma_wait3A_169 = arith.constant 0 : i32
      %dma_wait3A_170 = tpu.memref_slice %arg8[%run_scoped3A_156, %dma_wait3A_169] : memref<125x80xi32, #tpu.memory_space<vmem>> -> memref<1x80xi32, #tpu.memory_space<vmem>>
      %dma_wait3A_171 = tpu.memref_squeeze %dma_wait3A_170 : memref<1x80xi32, #tpu.memory_space<vmem>> -> memref<80xi32, #tpu.memory_space<vmem>>
      %dma_wait3A_172 = arith.constant 0 : i32
      %dma_wait3A_173 = arith.constant 0 : i32
      %dma_wait3A_174 = tpu.memref_slice %arg12[%dma_wait3A_172, %dma_wait3A_173] : memref<10016x64xf32, #tpu.memory_space<vmem_shared>> -> memref<10016x64xf32, #tpu.memory_space<vmem_shared>>
      tpu.wait_indirect_dma semaphore(%run_scoped3A_162 : memref<!tpu.dma_semaphore, #tpu.memory_space<semaphore_mem>>) src(%arg9 : memref<80x64xf32, #tpu.memory_space<vmem>>) dst(%dma_wait3A_174 : memref<10016x64xf32, #tpu.memory_space<vmem_shared>>)
      tpu.yield
    }) : () -> ()
    %barrier3A_157 = arith.constant 0 : index
    tpu.barrier barrier_id(%barrier3A_157)
    %mul3A_158 = arith.constant 625 : i32
    %mul3A_159 = arith.muli %arg1, %mul3A_158 : i32
    %mul3A_160 = arith.constant 625 : i32
    %mul3A_161 = arith.muli %arg1, %mul3A_160 : i32
    "tpu.region"() ({
      %run_scoped3A_162 = tpu.sem_alloc : memref<!tpu.dma_semaphore, #tpu.memory_space<semaphore_mem>>
      %dma_start3A_163 = arith.constant 0 : i32
      %dma_start3A_164 = tpu.memref_slice %arg6[%arg0, %mul3A_161, %dma_start3A_163] : memref<2x10000x64xf32, #tpu.memory_space<hbm>> -> memref<1x625x64xf32, #tpu.memory_space<hbm>>
      %dma_start3A_165 = tpu.memref_squeeze %dma_start3A_164 : memref<1x625x64xf32, #tpu.memory_space<hbm>> -> memref<625x64xf32, #tpu.memory_space<hbm>>
      %dma_start3A_166 = arith.constant 0 : i32
      %dma_start3A_167 = tpu.memref_slice %arg12[%mul3A_159, %dma_start3A_166] : memref<10016x64xf32, #tpu.memory_space<vmem_shared>> -> memref<625x64xf32, #tpu.memory_space<vmem_shared>>
      tpu.enqueue_dma source(%dma_start3A_167 : memref<625x64xf32, #tpu.memory_space<vmem_shared>>) target(%dma_start3A_165 : memref<625x64xf32, #tpu.memory_space<hbm>>) target_semaphore(%run_scoped3A_162 : memref<!tpu.dma_semaphore, #tpu.memory_space<semaphore_mem>>)
      %dma_wait3A_168 = arith.constant 0 : i32
      %dma_wait3A_169 = tpu.memref_slice %arg6[%arg0, %mul3A_161, %dma_wait3A_168] : memref<2x10000x64xf32, #tpu.memory_space<hbm>> -> memref<1x625x64xf32, #tpu.memory_space<hbm>>
      %dma_wait3A_170 = tpu.memref_squeeze %dma_wait3A_169 : memref<1x625x64xf32, #tpu.memory_space<hbm>> -> memref<625x64xf32, #tpu.memory_space<hbm>>
      %dma_wait3A_171 = arith.constant 0 : i32
      %dma_wait3A_172 = tpu.memref_slice %arg12[%mul3A_159, %dma_wait3A_171] : memref<10016x64xf32, #tpu.memory_space<vmem_shared>> -> memref<625x64xf32, #tpu.memory_space<vmem_shared>>
      tpu.wait_dma2 semaphore(%run_scoped3A_162 : memref<!tpu.dma_semaphore, #tpu.memory_space<semaphore_mem>>) src(%dma_wait3A_172 : memref<625x64xf32, #tpu.memory_space<vmem_shared>>) dst(%dma_wait3A_170 : memref<625x64xf32, #tpu.memory_space<hbm>>)
      tpu.yield
    }) : () -> ()
    return
  }
}

#map = affine_map<(d0, d1) -> (0, 0)>
#map1 = affine_map<(d0, d1) -> (0, 0, 0)>
module attributes {stable_mosaic.version = 14 : i64} {
  func.func @sc_aggregate(%arg0: i32, %arg1: i32, %arg2: memref<10000x64xf32, #tpu.memory_space<hbm>>, %arg3: memref<32x125x80xi32, #tpu.memory_space<hbm>>, %arg4: memref<32x125x80xi32, #tpu.memory_space<hbm>>, %arg5: memref<10000x64xf32, #tpu.memory_space<hbm>>, %arg6: memref<2x10000x64xf32, #tpu.memory_space<hbm>>, %arg7: memref<125x80xi32, #tpu.memory_space<vmem>>, %arg8: memref<125x80xi32, #tpu.memory_space<vmem>>, %arg9: memref<80x64xf32, #tpu.memory_space<vmem>>, %arg10: memref<80x64xf32, #tpu.memory_space<vmem>>, %arg11: memref<80x64xf32, #tpu.memory_space<vmem>>, %arg12: memref<10016x64xf32, #tpu.memory_space<vmem_shared>>, %arg13: memref<10000x64xf32, #tpu.memory_space<vmem_shared>>, %arg14: memref<!tpu.dma_semaphore, #tpu.memory_space<semaphore_mem>>, %arg15: memref<!tpu.dma_semaphore, #tpu.memory_space<semaphore_mem>>, %arg16: memref<!tpu.dma_semaphore, #tpu.memory_space<semaphore_mem>>, %arg17: memref<!tpu.dma_semaphore, #tpu.memory_space<semaphore_mem>>, %arg18: memref<!tpu.dma_semaphore, #tpu.memory_space<semaphore_mem>>, %arg19: memref<!tpu.dma_semaphore, #tpu.memory_space<semaphore_mem>>) attributes {dimension_semantics = [#tpu.dimension_semantics<core_parallel>, #tpu.dimension_semantics<subcore_parallel>], iteration_bounds = array<i64: 2, 16>, scalar_prefetch = 0 : i64, scratch_operands = 13 : i64, tpu.core_type = #tpu.core_type<sc_vector_subcore>, window_params = [{transform_indices = #map}, {transform_indices = #map1}, {transform_indices = #map1}, {transform_indices = #map}, {transform_indices = #map1}]} {
    %mul3A = arith.constant 16 : i32
    %mul3A_0 = arith.muli %arg0, %mul3A : i32
    %add3A = arith.addi %mul3A_0, %arg1 : i32
    %mul3A_1 = arith.constant 625 : i32
    %mul3A_2 = arith.muli %arg1, %mul3A_1 : i32
    %mul3A_3 = arith.constant 625 : i32
    %mul3A_4 = arith.muli %arg1, %mul3A_3 : i32
    %dma_start3A = arith.constant 0 : i32
    %dma_start3A_5 = tpu.memref_slice %arg12[%mul3A_4, %dma_start3A] : memref<10016x64xf32, #tpu.memory_space<vmem_shared>> -> memref<625x64xf32, #tpu.memory_space<vmem_shared>>
    %dma_start3A_6 = arith.constant 0 : i32
    %dma_start3A_7 = tpu.memref_slice %arg5[%mul3A_2, %dma_start3A_6] : memref<10000x64xf32, #tpu.memory_space<hbm>> -> memref<625x64xf32, #tpu.memory_space<hbm>>
    tpu.enqueue_dma source(%dma_start3A_7 : memref<625x64xf32, #tpu.memory_space<hbm>>) target(%dma_start3A_5 : memref<625x64xf32, #tpu.memory_space<vmem_shared>>) target_semaphore(%arg14 : memref<!tpu.dma_semaphore, #tpu.memory_space<semaphore_mem>>)
    %mul3A_8 = arith.constant 625 : i32
    %mul3A_9 = arith.muli %arg1, %mul3A_8 : i32
    %mul3A_10 = arith.constant 625 : i32
    %mul3A_11 = arith.muli %arg1, %mul3A_10 : i32
    %dma_start3A_12 = arith.constant 0 : i32
    %dma_start3A_13 = tpu.memref_slice %arg13[%mul3A_11, %dma_start3A_12] : memref<10000x64xf32, #tpu.memory_space<vmem_shared>> -> memref<625x64xf32, #tpu.memory_space<vmem_shared>>
    %dma_start3A_14 = arith.constant 0 : i32
    %dma_start3A_15 = tpu.memref_slice %arg2[%mul3A_9, %dma_start3A_14] : memref<10000x64xf32, #tpu.memory_space<hbm>> -> memref<625x64xf32, #tpu.memory_space<hbm>>
    tpu.enqueue_dma source(%dma_start3A_15 : memref<625x64xf32, #tpu.memory_space<hbm>>) target(%dma_start3A_13 : memref<625x64xf32, #tpu.memory_space<vmem_shared>>) target_semaphore(%arg15 : memref<!tpu.dma_semaphore, #tpu.memory_space<semaphore_mem>>)
    %dma_start3A_16 = arith.constant 0 : i32
    %dma_start3A_17 = arith.constant 0 : i32
    %dma_start3A_18 = tpu.memref_slice %arg3[%add3A, %dma_start3A_16, %dma_start3A_17] : memref<32x125x80xi32, #tpu.memory_space<hbm>> -> memref<1x125x80xi32, #tpu.memory_space<hbm>>
    %dma_start3A_19 = tpu.memref_squeeze %dma_start3A_18 : memref<1x125x80xi32, #tpu.memory_space<hbm>> -> memref<125x80xi32, #tpu.memory_space<hbm>>
    %dma_start3A_20 = arith.constant 0 : i32
    %dma_start3A_21 = arith.constant 0 : i32
    %dma_start3A_22 = tpu.memref_slice %arg3[%add3A, %dma_start3A_20, %dma_start3A_21] : memref<32x125x80xi32, #tpu.memory_space<hbm>> -> memref<1x125x80xi32, #tpu.memory_space<hbm>>
    %dma_start3A_23 = tpu.memref_squeeze %dma_start3A_22 : memref<1x125x80xi32, #tpu.memory_space<hbm>> -> memref<125x80xi32, #tpu.memory_space<hbm>>
    tpu.enqueue_dma source(%dma_start3A_23 : memref<125x80xi32, #tpu.memory_space<hbm>>) target(%arg7 : memref<125x80xi32, #tpu.memory_space<vmem>>) target_semaphore(%arg17 : memref<!tpu.dma_semaphore, #tpu.memory_space<semaphore_mem>>)
    %dma_start3A_24 = arith.constant 0 : i32
    %dma_start3A_25 = arith.constant 0 : i32
    %dma_start3A_26 = tpu.memref_slice %arg4[%add3A, %dma_start3A_24, %dma_start3A_25] : memref<32x125x80xi32, #tpu.memory_space<hbm>> -> memref<1x125x80xi32, #tpu.memory_space<hbm>>
    %dma_start3A_27 = tpu.memref_squeeze %dma_start3A_26 : memref<1x125x80xi32, #tpu.memory_space<hbm>> -> memref<125x80xi32, #tpu.memory_space<hbm>>
    %dma_start3A_28 = arith.constant 0 : i32
    %dma_start3A_29 = arith.constant 0 : i32
    %dma_start3A_30 = tpu.memref_slice %arg4[%add3A, %dma_start3A_28, %dma_start3A_29] : memref<32x125x80xi32, #tpu.memory_space<hbm>> -> memref<1x125x80xi32, #tpu.memory_space<hbm>>
    %dma_start3A_31 = tpu.memref_squeeze %dma_start3A_30 : memref<1x125x80xi32, #tpu.memory_space<hbm>> -> memref<125x80xi32, #tpu.memory_space<hbm>>
    tpu.enqueue_dma source(%dma_start3A_31 : memref<125x80xi32, #tpu.memory_space<hbm>>) target(%arg8 : memref<125x80xi32, #tpu.memory_space<vmem>>) target_semaphore(%arg18 : memref<!tpu.dma_semaphore, #tpu.memory_space<semaphore_mem>>)
    %eq3A = arith.constant 0 : i32
    %eq3A_32 = arith.cmpi eq, %arg1, %eq3A : i32
    %convert_element_type3A = arith.extui %eq3A_32 : i1 to i32
    %cond3A = arith.constant 0 : i32
    %cond3A_33 = arith.cmpi ne, %convert_element_type3A, %cond3A : i32
    scf.if %cond3A_33 {
      "tpu.region"() ({
        %run_scoped3A_162 = tpu.sem_alloc : memref<!tpu.dma_semaphore, #tpu.memory_space<semaphore_mem>>
        %dma_start3A_163 = arith.constant 10000 : i32
        %dma_start3A_164 = arith.constant 0 : i32
        %dma_start3A_165 = tpu.memref_slice %arg12[%dma_start3A_163, %dma_start3A_164] : memref<10016x64xf32, #tpu.memory_space<vmem_shared>> -> memref<16x64xf32, #tpu.memory_space<vmem_shared>>
        %dma_start3A_166 = arith.constant 0 : i32
        %dma_start3A_167 = arith.constant 0 : i32
        %dma_start3A_168 = tpu.memref_slice %arg5[%dma_start3A_166, %dma_start3A_167] : memref<10000x64xf32, #tpu.memory_space<hbm>> -> memref<16x64xf32, #tpu.memory_space<hbm>>
        tpu.enqueue_dma source(%dma_start3A_168 : memref<16x64xf32, #tpu.memory_space<hbm>>) target(%dma_start3A_165 : memref<16x64xf32, #tpu.memory_space<vmem_shared>>) target_semaphore(%run_scoped3A_162 : memref<!tpu.dma_semaphore, #tpu.memory_space<semaphore_mem>>)
        %dma_wait3A_169 = arith.constant 10000 : i32
        %dma_wait3A_170 = arith.constant 0 : i32
        %dma_wait3A_171 = tpu.memref_slice %arg12[%dma_wait3A_169, %dma_wait3A_170] : memref<10016x64xf32, #tpu.memory_space<vmem_shared>> -> memref<16x64xf32, #tpu.memory_space<vmem_shared>>
        %dma_wait3A_172 = arith.constant 0 : i32
        %dma_wait3A_173 = arith.constant 0 : i32
        %dma_wait3A_174 = tpu.memref_slice %arg5[%dma_wait3A_172, %dma_wait3A_173] : memref<10000x64xf32, #tpu.memory_space<hbm>> -> memref<16x64xf32, #tpu.memory_space<hbm>>
        tpu.wait_dma2 semaphore(%run_scoped3A_162 : memref<!tpu.dma_semaphore, #tpu.memory_space<semaphore_mem>>) src(%dma_wait3A_174 : memref<16x64xf32, #tpu.memory_space<hbm>>) dst(%dma_wait3A_171 : memref<16x64xf32, #tpu.memory_space<vmem_shared>>)
        tpu.yield
      }) : () -> ()
    } else {
    }
    %mul3A_34 = arith.constant 625 : i32
    %mul3A_35 = arith.muli %arg1, %mul3A_34 : i32
    %mul3A_36 = arith.constant 625 : i32
    %mul3A_37 = arith.muli %arg1, %mul3A_36 : i32
    %dma_wait3A = arith.constant 0 : i32
    %dma_wait3A_38 = tpu.memref_slice %arg12[%mul3A_37, %dma_wait3A] : memref<10016x64xf32, #tpu.memory_space<vmem_shared>> -> memref<625x64xf32, #tpu.memory_space<vmem_shared>>
    %dma_wait3A_39 = arith.constant 0 : i32
    %dma_wait3A_40 = tpu.memref_slice %arg5[%mul3A_35, %dma_wait3A_39] : memref<10000x64xf32, #tpu.memory_space<hbm>> -> memref<625x64xf32, #tpu.memory_space<hbm>>
    tpu.wait_dma2 semaphore(%arg14 : memref<!tpu.dma_semaphore, #tpu.memory_space<semaphore_mem>>) src(%dma_wait3A_40 : memref<625x64xf32, #tpu.memory_space<hbm>>) dst(%dma_wait3A_38 : memref<625x64xf32, #tpu.memory_space<vmem_shared>>)
    %mul3A_41 = arith.constant 625 : i32
    %mul3A_42 = arith.muli %arg1, %mul3A_41 : i32
    %mul3A_43 = arith.constant 625 : i32
    %mul3A_44 = arith.muli %arg1, %mul3A_43 : i32
    %dma_wait3A_45 = arith.constant 0 : i32
    %dma_wait3A_46 = tpu.memref_slice %arg13[%mul3A_44, %dma_wait3A_45] : memref<10000x64xf32, #tpu.memory_space<vmem_shared>> -> memref<625x64xf32, #tpu.memory_space<vmem_shared>>
    %dma_wait3A_47 = arith.constant 0 : i32
    %dma_wait3A_48 = tpu.memref_slice %arg2[%mul3A_42, %dma_wait3A_47] : memref<10000x64xf32, #tpu.memory_space<hbm>> -> memref<625x64xf32, #tpu.memory_space<hbm>>
    tpu.wait_dma2 semaphore(%arg15 : memref<!tpu.dma_semaphore, #tpu.memory_space<semaphore_mem>>) src(%dma_wait3A_48 : memref<625x64xf32, #tpu.memory_space<hbm>>) dst(%dma_wait3A_46 : memref<625x64xf32, #tpu.memory_space<vmem_shared>>)
    %dma_wait3A_49 = arith.constant 0 : i32
    %dma_wait3A_50 = arith.constant 0 : i32
    %dma_wait3A_51 = tpu.memref_slice %arg3[%add3A, %dma_wait3A_49, %dma_wait3A_50] : memref<32x125x80xi32, #tpu.memory_space<hbm>> -> memref<1x125x80xi32, #tpu.memory_space<hbm>>
    %dma_wait3A_52 = tpu.memref_squeeze %dma_wait3A_51 : memref<1x125x80xi32, #tpu.memory_space<hbm>> -> memref<125x80xi32, #tpu.memory_space<hbm>>
    %dma_wait3A_53 = arith.constant 0 : i32
    %dma_wait3A_54 = arith.constant 0 : i32
    %dma_wait3A_55 = tpu.memref_slice %arg3[%add3A, %dma_wait3A_53, %dma_wait3A_54] : memref<32x125x80xi32, #tpu.memory_space<hbm>> -> memref<1x125x80xi32, #tpu.memory_space<hbm>>
    %dma_wait3A_56 = tpu.memref_squeeze %dma_wait3A_55 : memref<1x125x80xi32, #tpu.memory_space<hbm>> -> memref<125x80xi32, #tpu.memory_space<hbm>>
    tpu.wait_dma2 semaphore(%arg17 : memref<!tpu.dma_semaphore, #tpu.memory_space<semaphore_mem>>) src(%dma_wait3A_56 : memref<125x80xi32, #tpu.memory_space<hbm>>) dst(%arg7 : memref<125x80xi32, #tpu.memory_space<vmem>>)
    %dma_wait3A_57 = arith.constant 0 : i32
    %dma_wait3A_58 = arith.constant 0 : i32
    %dma_wait3A_59 = tpu.memref_slice %arg4[%add3A, %dma_wait3A_57, %dma_wait3A_58] : memref<32x125x80xi32, #tpu.memory_space<hbm>> -> memref<1x125x80xi32, #tpu.memory_space<hbm>>
    %dma_wait3A_60 = tpu.memref_squeeze %dma_wait3A_59 : memref<1x125x80xi32, #tpu.memory_space<hbm>> -> memref<125x80xi32, #tpu.memory_space<hbm>>
    %dma_wait3A_61 = arith.constant 0 : i32
    %dma_wait3A_62 = arith.constant 0 : i32
    %dma_wait3A_63 = tpu.memref_slice %arg4[%add3A, %dma_wait3A_61, %dma_wait3A_62] : memref<32x125x80xi32, #tpu.memory_space<hbm>> -> memref<1x125x80xi32, #tpu.memory_space<hbm>>
    %dma_wait3A_64 = tpu.memref_squeeze %dma_wait3A_63 : memref<1x125x80xi32, #tpu.memory_space<hbm>> -> memref<125x80xi32, #tpu.memory_space<hbm>>
    tpu.wait_dma2 semaphore(%arg18 : memref<!tpu.dma_semaphore, #tpu.memory_space<semaphore_mem>>) src(%dma_wait3A_64 : memref<125x80xi32, #tpu.memory_space<hbm>>) dst(%arg8 : memref<125x80xi32, #tpu.memory_space<vmem>>)
    %barrier3A = arith.constant 0 : index
    tpu.barrier barrier_id(%barrier3A)
    %dma_start3A_65 = arith.constant 0 : i32
    %dma_start3A_66 = arith.constant 0 : i32
    %dma_start3A_67 = tpu.memref_slice %arg7[%dma_start3A_65, %dma_start3A_66] : memref<125x80xi32, #tpu.memory_space<vmem>> -> memref<1x80xi32, #tpu.memory_space<vmem>>
    %dma_start3A_68 = tpu.memref_squeeze %dma_start3A_67 : memref<1x80xi32, #tpu.memory_space<vmem>> -> memref<80xi32, #tpu.memory_space<vmem>>
    %dma_start3A_69 = arith.constant 0 : i32
    %dma_start3A_70 = arith.constant 0 : i32
    %dma_start3A_71 = tpu.memref_slice %arg13[%dma_start3A_69, %dma_start3A_70] : memref<10000x64xf32, #tpu.memory_space<vmem_shared>> -> memref<10000x64xf32, #tpu.memory_space<vmem_shared>>
    tpu.enqueue_indirect_dma source(%dma_start3A_71 : memref<10000x64xf32, #tpu.memory_space<vmem_shared>>) target(%arg9 : memref<80x64xf32, #tpu.memory_space<vmem>>) offsets(%dma_start3A_68 : memref<80xi32, #tpu.memory_space<vmem>>) semaphore(%arg14 : memref<!tpu.dma_semaphore, #tpu.memory_space<semaphore_mem>>)
    %dma_start3A_72 = arith.constant 1 : i32
    %dma_start3A_73 = arith.constant 0 : i32
    %dma_start3A_74 = tpu.memref_slice %arg7[%dma_start3A_72, %dma_start3A_73] : memref<125x80xi32, #tpu.memory_space<vmem>> -> memref<1x80xi32, #tpu.memory_space<vmem>>
    %dma_start3A_75 = tpu.memref_squeeze %dma_start3A_74 : memref<1x80xi32, #tpu.memory_space<vmem>> -> memref<80xi32, #tpu.memory_space<vmem>>
    %dma_start3A_76 = arith.constant 0 : i32
    %dma_start3A_77 = arith.constant 0 : i32
    %dma_start3A_78 = tpu.memref_slice %arg13[%dma_start3A_76, %dma_start3A_77] : memref<10000x64xf32, #tpu.memory_space<vmem_shared>> -> memref<10000x64xf32, #tpu.memory_space<vmem_shared>>
    tpu.enqueue_indirect_dma source(%dma_start3A_78 : memref<10000x64xf32, #tpu.memory_space<vmem_shared>>) target(%arg10 : memref<80x64xf32, #tpu.memory_space<vmem>>) offsets(%dma_start3A_75 : memref<80xi32, #tpu.memory_space<vmem>>) semaphore(%arg15 : memref<!tpu.dma_semaphore, #tpu.memory_space<semaphore_mem>>)
    %dma_start3A_79 = arith.constant 2 : i32
    %dma_start3A_80 = arith.constant 0 : i32
    %dma_start3A_81 = tpu.memref_slice %arg7[%dma_start3A_79, %dma_start3A_80] : memref<125x80xi32, #tpu.memory_space<vmem>> -> memref<1x80xi32, #tpu.memory_space<vmem>>
    %dma_start3A_82 = tpu.memref_squeeze %dma_start3A_81 : memref<1x80xi32, #tpu.memory_space<vmem>> -> memref<80xi32, #tpu.memory_space<vmem>>
    %dma_start3A_83 = arith.constant 0 : i32
    %dma_start3A_84 = arith.constant 0 : i32
    %dma_start3A_85 = tpu.memref_slice %arg13[%dma_start3A_83, %dma_start3A_84] : memref<10000x64xf32, #tpu.memory_space<vmem_shared>> -> memref<10000x64xf32, #tpu.memory_space<vmem_shared>>
    tpu.enqueue_indirect_dma source(%dma_start3A_85 : memref<10000x64xf32, #tpu.memory_space<vmem_shared>>) target(%arg11 : memref<80x64xf32, #tpu.memory_space<vmem>>) offsets(%dma_start3A_82 : memref<80xi32, #tpu.memory_space<vmem>>) semaphore(%arg16 : memref<!tpu.dma_semaphore, #tpu.memory_space<semaphore_mem>>)
    %scan3A = arith.constant 0 : i32
    %scan3A_86 = arith.constant 0 : i32
    %scan3A_87 = arith.constant 40 : i32
    %scan3A_88 = arith.addi %scan3A_86, %scan3A_87 : i32
    %scan3A_89 = arith.constant 1 : i32
    scf.for %scan3A_162 = %scan3A_86 to %scan3A_88 step %scan3A_89  : i32 {
      %mul3A_163 = arith.constant 3 : i32
      %mul3A_164 = arith.muli %mul3A_163, %scan3A_162 : i32
      %add3A_165 = arith.constant 0 : i32
      %add3A_166 = arith.addi %mul3A_164, %add3A_165 : i32
      %dma_wait3A_167 = arith.constant 0 : i32
      %dma_wait3A_168 = tpu.memref_slice %arg7[%add3A_166, %dma_wait3A_167] : memref<125x80xi32, #tpu.memory_space<vmem>> -> memref<1x80xi32, #tpu.memory_space<vmem>>
      %dma_wait3A_169 = tpu.memref_squeeze %dma_wait3A_168 : memref<1x80xi32, #tpu.memory_space<vmem>> -> memref<80xi32, #tpu.memory_space<vmem>>
      %dma_wait3A_170 = arith.constant 0 : i32
      %dma_wait3A_171 = arith.constant 0 : i32
      %dma_wait3A_172 = tpu.memref_slice %arg13[%dma_wait3A_170, %dma_wait3A_171] : memref<10000x64xf32, #tpu.memory_space<vmem_shared>> -> memref<10000x64xf32, #tpu.memory_space<vmem_shared>>
      tpu.wait_indirect_dma semaphore(%arg14 : memref<!tpu.dma_semaphore, #tpu.memory_space<semaphore_mem>>) src(%dma_wait3A_172 : memref<10000x64xf32, #tpu.memory_space<vmem_shared>>) dst(%arg9 : memref<80x64xf32, #tpu.memory_space<vmem>>)
      %add3A_173 = arith.constant 0 : i32
      %add3A_174 = arith.addi %mul3A_164, %add3A_173 : i32
      %dma_start3A_175 = arith.constant 0 : i32
      %dma_start3A_176 = tpu.memref_slice %arg8[%add3A_174, %dma_start3A_175] : memref<125x80xi32, #tpu.memory_space<vmem>> -> memref<1x80xi32, #tpu.memory_space<vmem>>
      %dma_start3A_177 = tpu.memref_squeeze %dma_start3A_176 : memref<1x80xi32, #tpu.memory_space<vmem>> -> memref<80xi32, #tpu.memory_space<vmem>>
      %dma_start3A_178 = arith.constant 0 : i32
      %dma_start3A_179 = arith.constant 0 : i32
      %dma_start3A_180 = tpu.memref_slice %arg12[%dma_start3A_178, %dma_start3A_179] : memref<10016x64xf32, #tpu.memory_space<vmem_shared>> -> memref<10016x64xf32, #tpu.memory_space<vmem_shared>>
      tpu.enqueue_indirect_dma source(%arg9 : memref<80x64xf32, #tpu.memory_space<vmem>>) target(%dma_start3A_180 : memref<10016x64xf32, #tpu.memory_space<vmem_shared>>) offsets(%dma_start3A_177 : memref<80xi32, #tpu.memory_space<vmem>>) semaphore(%arg17 : memref<!tpu.dma_semaphore, #tpu.memory_space<semaphore_mem>>) {add = true}
      %add3A_181 = arith.constant 1 : i32
      %add3A_182 = arith.addi %mul3A_164, %add3A_181 : i32
      %dma_wait3A_183 = arith.constant 0 : i32
      %dma_wait3A_184 = tpu.memref_slice %arg7[%add3A_182, %dma_wait3A_183] : memref<125x80xi32, #tpu.memory_space<vmem>> -> memref<1x80xi32, #tpu.memory_space<vmem>>
      %dma_wait3A_185 = tpu.memref_squeeze %dma_wait3A_184 : memref<1x80xi32, #tpu.memory_space<vmem>> -> memref<80xi32, #tpu.memory_space<vmem>>
      %dma_wait3A_186 = arith.constant 0 : i32
      %dma_wait3A_187 = arith.constant 0 : i32
      %dma_wait3A_188 = tpu.memref_slice %arg13[%dma_wait3A_186, %dma_wait3A_187] : memref<10000x64xf32, #tpu.memory_space<vmem_shared>> -> memref<10000x64xf32, #tpu.memory_space<vmem_shared>>
      tpu.wait_indirect_dma semaphore(%arg15 : memref<!tpu.dma_semaphore, #tpu.memory_space<semaphore_mem>>) src(%dma_wait3A_188 : memref<10000x64xf32, #tpu.memory_space<vmem_shared>>) dst(%arg10 : memref<80x64xf32, #tpu.memory_space<vmem>>)
      %add3A_189 = arith.constant 1 : i32
      %add3A_190 = arith.addi %mul3A_164, %add3A_189 : i32
      %dma_start3A_191 = arith.constant 0 : i32
      %dma_start3A_192 = tpu.memref_slice %arg8[%add3A_190, %dma_start3A_191] : memref<125x80xi32, #tpu.memory_space<vmem>> -> memref<1x80xi32, #tpu.memory_space<vmem>>
      %dma_start3A_193 = tpu.memref_squeeze %dma_start3A_192 : memref<1x80xi32, #tpu.memory_space<vmem>> -> memref<80xi32, #tpu.memory_space<vmem>>
      %dma_start3A_194 = arith.constant 0 : i32
      %dma_start3A_195 = arith.constant 0 : i32
      %dma_start3A_196 = tpu.memref_slice %arg12[%dma_start3A_194, %dma_start3A_195] : memref<10016x64xf32, #tpu.memory_space<vmem_shared>> -> memref<10016x64xf32, #tpu.memory_space<vmem_shared>>
      tpu.enqueue_indirect_dma source(%arg10 : memref<80x64xf32, #tpu.memory_space<vmem>>) target(%dma_start3A_196 : memref<10016x64xf32, #tpu.memory_space<vmem_shared>>) offsets(%dma_start3A_193 : memref<80xi32, #tpu.memory_space<vmem>>) semaphore(%arg18 : memref<!tpu.dma_semaphore, #tpu.memory_space<semaphore_mem>>) {add = true}
      %add3A_197 = arith.constant 2 : i32
      %add3A_198 = arith.addi %mul3A_164, %add3A_197 : i32
      %dma_wait3A_199 = arith.constant 0 : i32
      %dma_wait3A_200 = tpu.memref_slice %arg7[%add3A_198, %dma_wait3A_199] : memref<125x80xi32, #tpu.memory_space<vmem>> -> memref<1x80xi32, #tpu.memory_space<vmem>>
      %dma_wait3A_201 = tpu.memref_squeeze %dma_wait3A_200 : memref<1x80xi32, #tpu.memory_space<vmem>> -> memref<80xi32, #tpu.memory_space<vmem>>
      %dma_wait3A_202 = arith.constant 0 : i32
      %dma_wait3A_203 = arith.constant 0 : i32
      %dma_wait3A_204 = tpu.memref_slice %arg13[%dma_wait3A_202, %dma_wait3A_203] : memref<10000x64xf32, #tpu.memory_space<vmem_shared>> -> memref<10000x64xf32, #tpu.memory_space<vmem_shared>>
      tpu.wait_indirect_dma semaphore(%arg16 : memref<!tpu.dma_semaphore, #tpu.memory_space<semaphore_mem>>) src(%dma_wait3A_204 : memref<10000x64xf32, #tpu.memory_space<vmem_shared>>) dst(%arg11 : memref<80x64xf32, #tpu.memory_space<vmem>>)
      %add3A_205 = arith.constant 2 : i32
      %add3A_206 = arith.addi %mul3A_164, %add3A_205 : i32
      %dma_start3A_207 = arith.constant 0 : i32
      %dma_start3A_208 = tpu.memref_slice %arg8[%add3A_206, %dma_start3A_207] : memref<125x80xi32, #tpu.memory_space<vmem>> -> memref<1x80xi32, #tpu.memory_space<vmem>>
      %dma_start3A_209 = tpu.memref_squeeze %dma_start3A_208 : memref<1x80xi32, #tpu.memory_space<vmem>> -> memref<80xi32, #tpu.memory_space<vmem>>
      %dma_start3A_210 = arith.constant 0 : i32
      %dma_start3A_211 = arith.constant 0 : i32
      %dma_start3A_212 = tpu.memref_slice %arg12[%dma_start3A_210, %dma_start3A_211] : memref<10016x64xf32, #tpu.memory_space<vmem_shared>> -> memref<10016x64xf32, #tpu.memory_space<vmem_shared>>
      tpu.enqueue_indirect_dma source(%arg11 : memref<80x64xf32, #tpu.memory_space<vmem>>) target(%dma_start3A_212 : memref<10016x64xf32, #tpu.memory_space<vmem_shared>>) offsets(%dma_start3A_209 : memref<80xi32, #tpu.memory_space<vmem>>) semaphore(%arg19 : memref<!tpu.dma_semaphore, #tpu.memory_space<semaphore_mem>>) {add = true}
      %add3A_213 = arith.constant 0 : i32
      %add3A_214 = arith.addi %mul3A_164, %add3A_213 : i32
      %dma_wait3A_215 = arith.constant 0 : i32
      %dma_wait3A_216 = tpu.memref_slice %arg8[%add3A_214, %dma_wait3A_215] : memref<125x80xi32, #tpu.memory_space<vmem>> -> memref<1x80xi32, #tpu.memory_space<vmem>>
      %dma_wait3A_217 = tpu.memref_squeeze %dma_wait3A_216 : memref<1x80xi32, #tpu.memory_space<vmem>> -> memref<80xi32, #tpu.memory_space<vmem>>
      %dma_wait3A_218 = arith.constant 0 : i32
      %dma_wait3A_219 = arith.constant 0 : i32
      %dma_wait3A_220 = tpu.memref_slice %arg12[%dma_wait3A_218, %dma_wait3A_219] : memref<10016x64xf32, #tpu.memory_space<vmem_shared>> -> memref<10016x64xf32, #tpu.memory_space<vmem_shared>>
      tpu.wait_indirect_dma semaphore(%arg17 : memref<!tpu.dma_semaphore, #tpu.memory_space<semaphore_mem>>) src(%arg9 : memref<80x64xf32, #tpu.memory_space<vmem>>) dst(%dma_wait3A_220 : memref<10016x64xf32, #tpu.memory_space<vmem_shared>>)
      %add3A_221 = arith.constant 3 : i32
      %add3A_222 = arith.addi %mul3A_164, %add3A_221 : i32
      %add3A_223 = arith.constant 0 : i32
      %add3A_224 = arith.addi %add3A_222, %add3A_223 : i32
      %dma_start3A_225 = arith.constant 0 : i32
      %dma_start3A_226 = tpu.memref_slice %arg7[%add3A_224, %dma_start3A_225] : memref<125x80xi32, #tpu.memory_space<vmem>> -> memref<1x80xi32, #tpu.memory_space<vmem>>
      %dma_start3A_227 = tpu.memref_squeeze %dma_start3A_226 : memref<1x80xi32, #tpu.memory_space<vmem>> -> memref<80xi32, #tpu.memory_space<vmem>>
      %dma_start3A_228 = arith.constant 0 : i32
      %dma_start3A_229 = arith.constant 0 : i32
      %dma_start3A_230 = tpu.memref_slice %arg13[%dma_start3A_228, %dma_start3A_229] : memref<10000x64xf32, #tpu.memory_space<vmem_shared>> -> memref<10000x64xf32, #tpu.memory_space<vmem_shared>>
      tpu.enqueue_indirect_dma source(%dma_start3A_230 : memref<10000x64xf32, #tpu.memory_space<vmem_shared>>) target(%arg9 : memref<80x64xf32, #tpu.memory_space<vmem>>) offsets(%dma_start3A_227 : memref<80xi32, #tpu.memory_space<vmem>>) semaphore(%arg14 : memref<!tpu.dma_semaphore, #tpu.memory_space<semaphore_mem>>)
      %add3A_231 = arith.constant 1 : i32
      %add3A_232 = arith.addi %mul3A_164, %add3A_231 : i32
      %dma_wait3A_233 = arith.constant 0 : i32
      %dma_wait3A_234 = tpu.memref_slice %arg8[%add3A_232, %dma_wait3A_233] : memref<125x80xi32, #tpu.memory_space<vmem>> -> memref<1x80xi32, #tpu.memory_space<vmem>>
      %dma_wait3A_235 = tpu.memref_squeeze %dma_wait3A_234 : memref<1x80xi32, #tpu.memory_space<vmem>> -> memref<80xi32, #tpu.memory_space<vmem>>
      %dma_wait3A_236 = arith.constant 0 : i32
      %dma_wait3A_237 = arith.constant 0 : i32
      %dma_wait3A_238 = tpu.memref_slice %arg12[%dma_wait3A_236, %dma_wait3A_237] : memref<10016x64xf32, #tpu.memory_space<vmem_shared>> -> memref<10016x64xf32, #tpu.memory_space<vmem_shared>>
      tpu.wait_indirect_dma semaphore(%arg18 : memref<!tpu.dma_semaphore, #tpu.memory_space<semaphore_mem>>) src(%arg10 : memref<80x64xf32, #tpu.memory_space<vmem>>) dst(%dma_wait3A_238 : memref<10016x64xf32, #tpu.memory_space<vmem_shared>>)
      %add3A_239 = arith.constant 3 : i32
      %add3A_240 = arith.addi %mul3A_164, %add3A_239 : i32
      %add3A_241 = arith.constant 1 : i32
      %add3A_242 = arith.addi %add3A_240, %add3A_241 : i32
      %dma_start3A_243 = arith.constant 0 : i32
      %dma_start3A_244 = tpu.memref_slice %arg7[%add3A_242, %dma_start3A_243] : memref<125x80xi32, #tpu.memory_space<vmem>> -> memref<1x80xi32, #tpu.memory_space<vmem>>
      %dma_start3A_245 = tpu.memref_squeeze %dma_start3A_244 : memref<1x80xi32, #tpu.memory_space<vmem>> -> memref<80xi32, #tpu.memory_space<vmem>>
      %dma_start3A_246 = arith.constant 0 : i32
      %dma_start3A_247 = arith.constant 0 : i32
      %dma_start3A_248 = tpu.memref_slice %arg13[%dma_start3A_246, %dma_start3A_247] : memref<10000x64xf32, #tpu.memory_space<vmem_shared>> -> memref<10000x64xf32, #tpu.memory_space<vmem_shared>>
      tpu.enqueue_indirect_dma source(%dma_start3A_248 : memref<10000x64xf32, #tpu.memory_space<vmem_shared>>) target(%arg10 : memref<80x64xf32, #tpu.memory_space<vmem>>) offsets(%dma_start3A_245 : memref<80xi32, #tpu.memory_space<vmem>>) semaphore(%arg15 : memref<!tpu.dma_semaphore, #tpu.memory_space<semaphore_mem>>)
      %add3A_249 = arith.constant 2 : i32
      %add3A_250 = arith.addi %mul3A_164, %add3A_249 : i32
      %dma_wait3A_251 = arith.constant 0 : i32
      %dma_wait3A_252 = tpu.memref_slice %arg8[%add3A_250, %dma_wait3A_251] : memref<125x80xi32, #tpu.memory_space<vmem>> -> memref<1x80xi32, #tpu.memory_space<vmem>>
      %dma_wait3A_253 = tpu.memref_squeeze %dma_wait3A_252 : memref<1x80xi32, #tpu.memory_space<vmem>> -> memref<80xi32, #tpu.memory_space<vmem>>
      %dma_wait3A_254 = arith.constant 0 : i32
      %dma_wait3A_255 = arith.constant 0 : i32
      %dma_wait3A_256 = tpu.memref_slice %arg12[%dma_wait3A_254, %dma_wait3A_255] : memref<10016x64xf32, #tpu.memory_space<vmem_shared>> -> memref<10016x64xf32, #tpu.memory_space<vmem_shared>>
      tpu.wait_indirect_dma semaphore(%arg19 : memref<!tpu.dma_semaphore, #tpu.memory_space<semaphore_mem>>) src(%arg11 : memref<80x64xf32, #tpu.memory_space<vmem>>) dst(%dma_wait3A_256 : memref<10016x64xf32, #tpu.memory_space<vmem_shared>>)
      %add3A_257 = arith.constant 3 : i32
      %add3A_258 = arith.addi %mul3A_164, %add3A_257 : i32
      %add3A_259 = arith.constant 2 : i32
      %add3A_260 = arith.addi %add3A_258, %add3A_259 : i32
      %dma_start3A_261 = arith.constant 0 : i32
      %dma_start3A_262 = tpu.memref_slice %arg7[%add3A_260, %dma_start3A_261] : memref<125x80xi32, #tpu.memory_space<vmem>> -> memref<1x80xi32, #tpu.memory_space<vmem>>
      %dma_start3A_263 = tpu.memref_squeeze %dma_start3A_262 : memref<1x80xi32, #tpu.memory_space<vmem>> -> memref<80xi32, #tpu.memory_space<vmem>>
      %dma_start3A_264 = arith.constant 0 : i32
      %dma_start3A_265 = arith.constant 0 : i32
      %dma_start3A_266 = tpu.memref_slice %arg13[%dma_start3A_264, %dma_start3A_265] : memref<10000x64xf32, #tpu.memory_space<vmem_shared>> -> memref<10000x64xf32, #tpu.memory_space<vmem_shared>>
      tpu.enqueue_indirect_dma source(%dma_start3A_266 : memref<10000x64xf32, #tpu.memory_space<vmem_shared>>) target(%arg11 : memref<80x64xf32, #tpu.memory_space<vmem>>) offsets(%dma_start3A_263 : memref<80xi32, #tpu.memory_space<vmem>>) semaphore(%arg16 : memref<!tpu.dma_semaphore, #tpu.memory_space<semaphore_mem>>)
    }
    %scan3A_90 = arith.constant 40 : i32
    %dma_wait3A_91 = arith.constant 120 : i32
    %dma_wait3A_92 = arith.constant 0 : i32
    %dma_wait3A_93 = tpu.memref_slice %arg7[%dma_wait3A_91, %dma_wait3A_92] : memref<125x80xi32, #tpu.memory_space<vmem>> -> memref<1x80xi32, #tpu.memory_space<vmem>>
    %dma_wait3A_94 = tpu.memref_squeeze %dma_wait3A_93 : memref<1x80xi32, #tpu.memory_space<vmem>> -> memref<80xi32, #tpu.memory_space<vmem>>
    %dma_wait3A_95 = arith.constant 0 : i32
    %dma_wait3A_96 = arith.constant 0 : i32
    %dma_wait3A_97 = tpu.memref_slice %arg13[%dma_wait3A_95, %dma_wait3A_96] : memref<10000x64xf32, #tpu.memory_space<vmem_shared>> -> memref<10000x64xf32, #tpu.memory_space<vmem_shared>>
    tpu.wait_indirect_dma semaphore(%arg14 : memref<!tpu.dma_semaphore, #tpu.memory_space<semaphore_mem>>) src(%dma_wait3A_97 : memref<10000x64xf32, #tpu.memory_space<vmem_shared>>) dst(%arg9 : memref<80x64xf32, #tpu.memory_space<vmem>>)
    %dma_start3A_98 = arith.constant 120 : i32
    %dma_start3A_99 = arith.constant 0 : i32
    %dma_start3A_100 = tpu.memref_slice %arg8[%dma_start3A_98, %dma_start3A_99] : memref<125x80xi32, #tpu.memory_space<vmem>> -> memref<1x80xi32, #tpu.memory_space<vmem>>
    %dma_start3A_101 = tpu.memref_squeeze %dma_start3A_100 : memref<1x80xi32, #tpu.memory_space<vmem>> -> memref<80xi32, #tpu.memory_space<vmem>>
    %dma_start3A_102 = arith.constant 0 : i32
    %dma_start3A_103 = arith.constant 0 : i32
    %dma_start3A_104 = tpu.memref_slice %arg12[%dma_start3A_102, %dma_start3A_103] : memref<10016x64xf32, #tpu.memory_space<vmem_shared>> -> memref<10016x64xf32, #tpu.memory_space<vmem_shared>>
    tpu.enqueue_indirect_dma source(%arg9 : memref<80x64xf32, #tpu.memory_space<vmem>>) target(%dma_start3A_104 : memref<10016x64xf32, #tpu.memory_space<vmem_shared>>) offsets(%dma_start3A_101 : memref<80xi32, #tpu.memory_space<vmem>>) semaphore(%arg17 : memref<!tpu.dma_semaphore, #tpu.memory_space<semaphore_mem>>) {add = true}
    %dma_wait3A_105 = arith.constant 121 : i32
    %dma_wait3A_106 = arith.constant 0 : i32
    %dma_wait3A_107 = tpu.memref_slice %arg7[%dma_wait3A_105, %dma_wait3A_106] : memref<125x80xi32, #tpu.memory_space<vmem>> -> memref<1x80xi32, #tpu.memory_space<vmem>>
    %dma_wait3A_108 = tpu.memref_squeeze %dma_wait3A_107 : memref<1x80xi32, #tpu.memory_space<vmem>> -> memref<80xi32, #tpu.memory_space<vmem>>
    %dma_wait3A_109 = arith.constant 0 : i32
    %dma_wait3A_110 = arith.constant 0 : i32
    %dma_wait3A_111 = tpu.memref_slice %arg13[%dma_wait3A_109, %dma_wait3A_110] : memref<10000x64xf32, #tpu.memory_space<vmem_shared>> -> memref<10000x64xf32, #tpu.memory_space<vmem_shared>>
    tpu.wait_indirect_dma semaphore(%arg15 : memref<!tpu.dma_semaphore, #tpu.memory_space<semaphore_mem>>) src(%dma_wait3A_111 : memref<10000x64xf32, #tpu.memory_space<vmem_shared>>) dst(%arg10 : memref<80x64xf32, #tpu.memory_space<vmem>>)
    %dma_start3A_112 = arith.constant 121 : i32
    %dma_start3A_113 = arith.constant 0 : i32
    %dma_start3A_114 = tpu.memref_slice %arg8[%dma_start3A_112, %dma_start3A_113] : memref<125x80xi32, #tpu.memory_space<vmem>> -> memref<1x80xi32, #tpu.memory_space<vmem>>
    %dma_start3A_115 = tpu.memref_squeeze %dma_start3A_114 : memref<1x80xi32, #tpu.memory_space<vmem>> -> memref<80xi32, #tpu.memory_space<vmem>>
    %dma_start3A_116 = arith.constant 0 : i32
    %dma_start3A_117 = arith.constant 0 : i32
    %dma_start3A_118 = tpu.memref_slice %arg12[%dma_start3A_116, %dma_start3A_117] : memref<10016x64xf32, #tpu.memory_space<vmem_shared>> -> memref<10016x64xf32, #tpu.memory_space<vmem_shared>>
    tpu.enqueue_indirect_dma source(%arg10 : memref<80x64xf32, #tpu.memory_space<vmem>>) target(%dma_start3A_118 : memref<10016x64xf32, #tpu.memory_space<vmem_shared>>) offsets(%dma_start3A_115 : memref<80xi32, #tpu.memory_space<vmem>>) semaphore(%arg18 : memref<!tpu.dma_semaphore, #tpu.memory_space<semaphore_mem>>) {add = true}
    %dma_wait3A_119 = arith.constant 122 : i32
    %dma_wait3A_120 = arith.constant 0 : i32
    %dma_wait3A_121 = tpu.memref_slice %arg7[%dma_wait3A_119, %dma_wait3A_120] : memref<125x80xi32, #tpu.memory_space<vmem>> -> memref<1x80xi32, #tpu.memory_space<vmem>>
    %dma_wait3A_122 = tpu.memref_squeeze %dma_wait3A_121 : memref<1x80xi32, #tpu.memory_space<vmem>> -> memref<80xi32, #tpu.memory_space<vmem>>
    %dma_wait3A_123 = arith.constant 0 : i32
    %dma_wait3A_124 = arith.constant 0 : i32
    %dma_wait3A_125 = tpu.memref_slice %arg13[%dma_wait3A_123, %dma_wait3A_124] : memref<10000x64xf32, #tpu.memory_space<vmem_shared>> -> memref<10000x64xf32, #tpu.memory_space<vmem_shared>>
    tpu.wait_indirect_dma semaphore(%arg16 : memref<!tpu.dma_semaphore, #tpu.memory_space<semaphore_mem>>) src(%dma_wait3A_125 : memref<10000x64xf32, #tpu.memory_space<vmem_shared>>) dst(%arg11 : memref<80x64xf32, #tpu.memory_space<vmem>>)
    %dma_start3A_126 = arith.constant 122 : i32
    %dma_start3A_127 = arith.constant 0 : i32
    %dma_start3A_128 = tpu.memref_slice %arg8[%dma_start3A_126, %dma_start3A_127] : memref<125x80xi32, #tpu.memory_space<vmem>> -> memref<1x80xi32, #tpu.memory_space<vmem>>
    %dma_start3A_129 = tpu.memref_squeeze %dma_start3A_128 : memref<1x80xi32, #tpu.memory_space<vmem>> -> memref<80xi32, #tpu.memory_space<vmem>>
    %dma_start3A_130 = arith.constant 0 : i32
    %dma_start3A_131 = arith.constant 0 : i32
    %dma_start3A_132 = tpu.memref_slice %arg12[%dma_start3A_130, %dma_start3A_131] : memref<10016x64xf32, #tpu.memory_space<vmem_shared>> -> memref<10016x64xf32, #tpu.memory_space<vmem_shared>>
    tpu.enqueue_indirect_dma source(%arg11 : memref<80x64xf32, #tpu.memory_space<vmem>>) target(%dma_start3A_132 : memref<10016x64xf32, #tpu.memory_space<vmem_shared>>) offsets(%dma_start3A_129 : memref<80xi32, #tpu.memory_space<vmem>>) semaphore(%arg19 : memref<!tpu.dma_semaphore, #tpu.memory_space<semaphore_mem>>) {add = true}
    %dma_wait3A_133 = arith.constant 120 : i32
    %dma_wait3A_134 = arith.constant 0 : i32
    %dma_wait3A_135 = tpu.memref_slice %arg8[%dma_wait3A_133, %dma_wait3A_134] : memref<125x80xi32, #tpu.memory_space<vmem>> -> memref<1x80xi32, #tpu.memory_space<vmem>>
    %dma_wait3A_136 = tpu.memref_squeeze %dma_wait3A_135 : memref<1x80xi32, #tpu.memory_space<vmem>> -> memref<80xi32, #tpu.memory_space<vmem>>
    %dma_wait3A_137 = arith.constant 0 : i32
    %dma_wait3A_138 = arith.constant 0 : i32
    %dma_wait3A_139 = tpu.memref_slice %arg12[%dma_wait3A_137, %dma_wait3A_138] : memref<10016x64xf32, #tpu.memory_space<vmem_shared>> -> memref<10016x64xf32, #tpu.memory_space<vmem_shared>>
    tpu.wait_indirect_dma semaphore(%arg17 : memref<!tpu.dma_semaphore, #tpu.memory_space<semaphore_mem>>) src(%arg9 : memref<80x64xf32, #tpu.memory_space<vmem>>) dst(%dma_wait3A_139 : memref<10016x64xf32, #tpu.memory_space<vmem_shared>>)
    %dma_wait3A_140 = arith.constant 121 : i32
    %dma_wait3A_141 = arith.constant 0 : i32
    %dma_wait3A_142 = tpu.memref_slice %arg8[%dma_wait3A_140, %dma_wait3A_141] : memref<125x80xi32, #tpu.memory_space<vmem>> -> memref<1x80xi32, #tpu.memory_space<vmem>>
    %dma_wait3A_143 = tpu.memref_squeeze %dma_wait3A_142 : memref<1x80xi32, #tpu.memory_space<vmem>> -> memref<80xi32, #tpu.memory_space<vmem>>
    %dma_wait3A_144 = arith.constant 0 : i32
    %dma_wait3A_145 = arith.constant 0 : i32
    %dma_wait3A_146 = tpu.memref_slice %arg12[%dma_wait3A_144, %dma_wait3A_145] : memref<10016x64xf32, #tpu.memory_space<vmem_shared>> -> memref<10016x64xf32, #tpu.memory_space<vmem_shared>>
    tpu.wait_indirect_dma semaphore(%arg18 : memref<!tpu.dma_semaphore, #tpu.memory_space<semaphore_mem>>) src(%arg10 : memref<80x64xf32, #tpu.memory_space<vmem>>) dst(%dma_wait3A_146 : memref<10016x64xf32, #tpu.memory_space<vmem_shared>>)
    %dma_wait3A_147 = arith.constant 122 : i32
    %dma_wait3A_148 = arith.constant 0 : i32
    %dma_wait3A_149 = tpu.memref_slice %arg8[%dma_wait3A_147, %dma_wait3A_148] : memref<125x80xi32, #tpu.memory_space<vmem>> -> memref<1x80xi32, #tpu.memory_space<vmem>>
    %dma_wait3A_150 = tpu.memref_squeeze %dma_wait3A_149 : memref<1x80xi32, #tpu.memory_space<vmem>> -> memref<80xi32, #tpu.memory_space<vmem>>
    %dma_wait3A_151 = arith.constant 0 : i32
    %dma_wait3A_152 = arith.constant 0 : i32
    %dma_wait3A_153 = tpu.memref_slice %arg12[%dma_wait3A_151, %dma_wait3A_152] : memref<10016x64xf32, #tpu.memory_space<vmem_shared>> -> memref<10016x64xf32, #tpu.memory_space<vmem_shared>>
    tpu.wait_indirect_dma semaphore(%arg19 : memref<!tpu.dma_semaphore, #tpu.memory_space<semaphore_mem>>) src(%arg11 : memref<80x64xf32, #tpu.memory_space<vmem>>) dst(%dma_wait3A_153 : memref<10016x64xf32, #tpu.memory_space<vmem_shared>>)
    %run_scoped3A = arith.constant 123 : i32
    "tpu.region"() ({
      %run_scoped3A_162 = tpu.sem_alloc : memref<!tpu.dma_semaphore, #tpu.memory_space<semaphore_mem>>
      %dma_start3A_163 = arith.constant 0 : i32
      %dma_start3A_164 = tpu.memref_slice %arg7[%run_scoped3A, %dma_start3A_163] : memref<125x80xi32, #tpu.memory_space<vmem>> -> memref<1x80xi32, #tpu.memory_space<vmem>>
      %dma_start3A_165 = tpu.memref_squeeze %dma_start3A_164 : memref<1x80xi32, #tpu.memory_space<vmem>> -> memref<80xi32, #tpu.memory_space<vmem>>
      %dma_start3A_166 = arith.constant 0 : i32
      %dma_start3A_167 = arith.constant 0 : i32
      %dma_start3A_168 = tpu.memref_slice %arg13[%dma_start3A_166, %dma_start3A_167] : memref<10000x64xf32, #tpu.memory_space<vmem_shared>> -> memref<10000x64xf32, #tpu.memory_space<vmem_shared>>
      tpu.enqueue_indirect_dma source(%dma_start3A_168 : memref<10000x64xf32, #tpu.memory_space<vmem_shared>>) target(%arg9 : memref<80x64xf32, #tpu.memory_space<vmem>>) offsets(%dma_start3A_165 : memref<80xi32, #tpu.memory_space<vmem>>) semaphore(%run_scoped3A_162 : memref<!tpu.dma_semaphore, #tpu.memory_space<semaphore_mem>>)
      %dma_wait3A_169 = arith.constant 0 : i32
      %dma_wait3A_170 = tpu.memref_slice %arg7[%run_scoped3A, %dma_wait3A_169] : memref<125x80xi32, #tpu.memory_space<vmem>> -> memref<1x80xi32, #tpu.memory_space<vmem>>
      %dma_wait3A_171 = tpu.memref_squeeze %dma_wait3A_170 : memref<1x80xi32, #tpu.memory_space<vmem>> -> memref<80xi32, #tpu.memory_space<vmem>>
      %dma_wait3A_172 = arith.constant 0 : i32
      %dma_wait3A_173 = arith.constant 0 : i32
      %dma_wait3A_174 = tpu.memref_slice %arg13[%dma_wait3A_172, %dma_wait3A_173] : memref<10000x64xf32, #tpu.memory_space<vmem_shared>> -> memref<10000x64xf32, #tpu.memory_space<vmem_shared>>
      tpu.wait_indirect_dma semaphore(%run_scoped3A_162 : memref<!tpu.dma_semaphore, #tpu.memory_space<semaphore_mem>>) src(%dma_wait3A_174 : memref<10000x64xf32, #tpu.memory_space<vmem_shared>>) dst(%arg9 : memref<80x64xf32, #tpu.memory_space<vmem>>)
      tpu.yield
    }) : () -> ()
    %run_scoped3A_154 = arith.constant 123 : i32
    "tpu.region"() ({
      %run_scoped3A_162 = tpu.sem_alloc : memref<!tpu.dma_semaphore, #tpu.memory_space<semaphore_mem>>
      %dma_start3A_163 = arith.constant 0 : i32
      %dma_start3A_164 = tpu.memref_slice %arg8[%run_scoped3A_154, %dma_start3A_163] : memref<125x80xi32, #tpu.memory_space<vmem>> -> memref<1x80xi32, #tpu.memory_space<vmem>>
      %dma_start3A_165 = tpu.memref_squeeze %dma_start3A_164 : memref<1x80xi32, #tpu.memory_space<vmem>> -> memref<80xi32, #tpu.memory_space<vmem>>
      %dma_start3A_166 = arith.constant 0 : i32
      %dma_start3A_167 = arith.constant 0 : i32
      %dma_start3A_168 = tpu.memref_slice %arg12[%dma_start3A_166, %dma_start3A_167] : memref<10016x64xf32, #tpu.memory_space<vmem_shared>> -> memref<10016x64xf32, #tpu.memory_space<vmem_shared>>
      tpu.enqueue_indirect_dma source(%arg9 : memref<80x64xf32, #tpu.memory_space<vmem>>) target(%dma_start3A_168 : memref<10016x64xf32, #tpu.memory_space<vmem_shared>>) offsets(%dma_start3A_165 : memref<80xi32, #tpu.memory_space<vmem>>) semaphore(%run_scoped3A_162 : memref<!tpu.dma_semaphore, #tpu.memory_space<semaphore_mem>>) {add = true}
      %dma_wait3A_169 = arith.constant 0 : i32
      %dma_wait3A_170 = tpu.memref_slice %arg8[%run_scoped3A_154, %dma_wait3A_169] : memref<125x80xi32, #tpu.memory_space<vmem>> -> memref<1x80xi32, #tpu.memory_space<vmem>>
      %dma_wait3A_171 = tpu.memref_squeeze %dma_wait3A_170 : memref<1x80xi32, #tpu.memory_space<vmem>> -> memref<80xi32, #tpu.memory_space<vmem>>
      %dma_wait3A_172 = arith.constant 0 : i32
      %dma_wait3A_173 = arith.constant 0 : i32
      %dma_wait3A_174 = tpu.memref_slice %arg12[%dma_wait3A_172, %dma_wait3A_173] : memref<10016x64xf32, #tpu.memory_space<vmem_shared>> -> memref<10016x64xf32, #tpu.memory_space<vmem_shared>>
      tpu.wait_indirect_dma semaphore(%run_scoped3A_162 : memref<!tpu.dma_semaphore, #tpu.memory_space<semaphore_mem>>) src(%arg9 : memref<80x64xf32, #tpu.memory_space<vmem>>) dst(%dma_wait3A_174 : memref<10016x64xf32, #tpu.memory_space<vmem_shared>>)
      tpu.yield
    }) : () -> ()
    %run_scoped3A_155 = arith.constant 124 : i32
    "tpu.region"() ({
      %run_scoped3A_162 = tpu.sem_alloc : memref<!tpu.dma_semaphore, #tpu.memory_space<semaphore_mem>>
      %dma_start3A_163 = arith.constant 0 : i32
      %dma_start3A_164 = tpu.memref_slice %arg7[%run_scoped3A_155, %dma_start3A_163] : memref<125x80xi32, #tpu.memory_space<vmem>> -> memref<1x80xi32, #tpu.memory_space<vmem>>
      %dma_start3A_165 = tpu.memref_squeeze %dma_start3A_164 : memref<1x80xi32, #tpu.memory_space<vmem>> -> memref<80xi32, #tpu.memory_space<vmem>>
      %dma_start3A_166 = arith.constant 0 : i32
      %dma_start3A_167 = arith.constant 0 : i32
      %dma_start3A_168 = tpu.memref_slice %arg13[%dma_start3A_166, %dma_start3A_167] : memref<10000x64xf32, #tpu.memory_space<vmem_shared>> -> memref<10000x64xf32, #tpu.memory_space<vmem_shared>>
      tpu.enqueue_indirect_dma source(%dma_start3A_168 : memref<10000x64xf32, #tpu.memory_space<vmem_shared>>) target(%arg9 : memref<80x64xf32, #tpu.memory_space<vmem>>) offsets(%dma_start3A_165 : memref<80xi32, #tpu.memory_space<vmem>>) semaphore(%run_scoped3A_162 : memref<!tpu.dma_semaphore, #tpu.memory_space<semaphore_mem>>)
      %dma_wait3A_169 = arith.constant 0 : i32
      %dma_wait3A_170 = tpu.memref_slice %arg7[%run_scoped3A_155, %dma_wait3A_169] : memref<125x80xi32, #tpu.memory_space<vmem>> -> memref<1x80xi32, #tpu.memory_space<vmem>>
      %dma_wait3A_171 = tpu.memref_squeeze %dma_wait3A_170 : memref<1x80xi32, #tpu.memory_space<vmem>> -> memref<80xi32, #tpu.memory_space<vmem>>
      %dma_wait3A_172 = arith.constant 0 : i32
      %dma_wait3A_173 = arith.constant 0 : i32
      %dma_wait3A_174 = tpu.memref_slice %arg13[%dma_wait3A_172, %dma_wait3A_173] : memref<10000x64xf32, #tpu.memory_space<vmem_shared>> -> memref<10000x64xf32, #tpu.memory_space<vmem_shared>>
      tpu.wait_indirect_dma semaphore(%run_scoped3A_162 : memref<!tpu.dma_semaphore, #tpu.memory_space<semaphore_mem>>) src(%dma_wait3A_174 : memref<10000x64xf32, #tpu.memory_space<vmem_shared>>) dst(%arg9 : memref<80x64xf32, #tpu.memory_space<vmem>>)
      tpu.yield
    }) : () -> ()
    %run_scoped3A_156 = arith.constant 124 : i32
    "tpu.region"() ({
      %run_scoped3A_162 = tpu.sem_alloc : memref<!tpu.dma_semaphore, #tpu.memory_space<semaphore_mem>>
      %dma_start3A_163 = arith.constant 0 : i32
      %dma_start3A_164 = tpu.memref_slice %arg8[%run_scoped3A_156, %dma_start3A_163] : memref<125x80xi32, #tpu.memory_space<vmem>> -> memref<1x80xi32, #tpu.memory_space<vmem>>
      %dma_start3A_165 = tpu.memref_squeeze %dma_start3A_164 : memref<1x80xi32, #tpu.memory_space<vmem>> -> memref<80xi32, #tpu.memory_space<vmem>>
      %dma_start3A_166 = arith.constant 0 : i32
      %dma_start3A_167 = arith.constant 0 : i32
      %dma_start3A_168 = tpu.memref_slice %arg12[%dma_start3A_166, %dma_start3A_167] : memref<10016x64xf32, #tpu.memory_space<vmem_shared>> -> memref<10016x64xf32, #tpu.memory_space<vmem_shared>>
      tpu.enqueue_indirect_dma source(%arg9 : memref<80x64xf32, #tpu.memory_space<vmem>>) target(%dma_start3A_168 : memref<10016x64xf32, #tpu.memory_space<vmem_shared>>) offsets(%dma_start3A_165 : memref<80xi32, #tpu.memory_space<vmem>>) semaphore(%run_scoped3A_162 : memref<!tpu.dma_semaphore, #tpu.memory_space<semaphore_mem>>) {add = true}
      %dma_wait3A_169 = arith.constant 0 : i32
      %dma_wait3A_170 = tpu.memref_slice %arg8[%run_scoped3A_156, %dma_wait3A_169] : memref<125x80xi32, #tpu.memory_space<vmem>> -> memref<1x80xi32, #tpu.memory_space<vmem>>
      %dma_wait3A_171 = tpu.memref_squeeze %dma_wait3A_170 : memref<1x80xi32, #tpu.memory_space<vmem>> -> memref<80xi32, #tpu.memory_space<vmem>>
      %dma_wait3A_172 = arith.constant 0 : i32
      %dma_wait3A_173 = arith.constant 0 : i32
      %dma_wait3A_174 = tpu.memref_slice %arg12[%dma_wait3A_172, %dma_wait3A_173] : memref<10016x64xf32, #tpu.memory_space<vmem_shared>> -> memref<10016x64xf32, #tpu.memory_space<vmem_shared>>
      tpu.wait_indirect_dma semaphore(%run_scoped3A_162 : memref<!tpu.dma_semaphore, #tpu.memory_space<semaphore_mem>>) src(%arg9 : memref<80x64xf32, #tpu.memory_space<vmem>>) dst(%dma_wait3A_174 : memref<10016x64xf32, #tpu.memory_space<vmem_shared>>)
      tpu.yield
    }) : () -> ()
    %barrier3A_157 = arith.constant 0 : index
    tpu.barrier barrier_id(%barrier3A_157)
    %mul3A_158 = arith.constant 625 : i32
    %mul3A_159 = arith.muli %arg1, %mul3A_158 : i32
    %mul3A_160 = arith.constant 625 : i32
    %mul3A_161 = arith.muli %arg1, %mul3A_160 : i32
    "tpu.region"() ({
      %run_scoped3A_162 = tpu.sem_alloc : memref<!tpu.dma_semaphore, #tpu.memory_space<semaphore_mem>>
      %dma_start3A_163 = arith.constant 0 : i32
      %dma_start3A_164 = tpu.memref_slice %arg6[%arg0, %mul3A_161, %dma_start3A_163] : memref<2x10000x64xf32, #tpu.memory_space<hbm>> -> memref<1x625x64xf32, #tpu.memory_space<hbm>>
      %dma_start3A_165 = tpu.memref_squeeze %dma_start3A_164 : memref<1x625x64xf32, #tpu.memory_space<hbm>> -> memref<625x64xf32, #tpu.memory_space<hbm>>
      %dma_start3A_166 = arith.constant 0 : i32
      %dma_start3A_167 = tpu.memref_slice %arg12[%mul3A_159, %dma_start3A_166] : memref<10016x64xf32, #tpu.memory_space<vmem_shared>> -> memref<625x64xf32, #tpu.memory_space<vmem_shared>>
      tpu.enqueue_dma source(%dma_start3A_167 : memref<625x64xf32, #tpu.memory_space<vmem_shared>>) target(%dma_start3A_165 : memref<625x64xf32, #tpu.memory_space<hbm>>) target_semaphore(%run_scoped3A_162 : memref<!tpu.dma_semaphore, #tpu.memory_space<semaphore_mem>>)
      %dma_wait3A_168 = arith.constant 0 : i32
      %dma_wait3A_169 = tpu.memref_slice %arg6[%arg0, %mul3A_161, %dma_wait3A_168] : memref<2x10000x64xf32, #tpu.memory_space<hbm>> -> memref<1x625x64xf32, #tpu.memory_space<hbm>>
      %dma_wait3A_170 = tpu.memref_squeeze %dma_wait3A_169 : memref<1x625x64xf32, #tpu.memory_space<hbm>> -> memref<625x64xf32, #tpu.memory_space<hbm>>
      %dma_wait3A_171 = arith.constant 0 : i32
      %dma_wait3A_172 = tpu.memref_slice %arg12[%mul3A_159, %dma_wait3A_171] : memref<10016x64xf32, #tpu.memory_space<vmem_shared>> -> memref<625x64xf32, #tpu.memory_space<vmem_shared>>
      tpu.wait_dma2 semaphore(%run_scoped3A_162 : memref<!tpu.dma_semaphore, #tpu.memory_space<semaphore_mem>>) src(%dma_wait3A_172 : memref<625x64xf32, #tpu.memory_space<vmem_shared>>) dst(%dma_wait3A_170 : memref<625x64xf32, #tpu.memory_space<hbm>>)
      tpu.yield
    }) : () -> ()
    return
  }
}

module attributes {stable_mosaic.version = 14 : i64} {
  func.func @_tc_first(%arg0: memref<10000x128xf32, #tpu.memory_space<vmem>>, %arg1: memref<2x10000x16xf32, #tpu.memory_space<vmem>>, %arg2: memref<1x128xf32, #tpu.memory_space<vmem>>, %arg3: memref<1x128xf32, #tpu.memory_space<vmem>>, %arg4: memref<1x128xf32, #tpu.memory_space<vmem>>, %arg5: memref<128x64xf32, #tpu.memory_space<vmem>>, %arg6: memref<10000x64xf32, #tpu.memory_space<vmem>>, %arg7: memref<10000x1xf32, #tpu.memory_space<vmem>>) attributes {dimension_semantics = [], scalar_prefetch = 0 : i64, scratch_operands = 0 : i64, tpu.core_type = #tpu.core_type<tc>} {
    %get3A = arith.constant 0 : index
    %get3A_0 = arith.constant 0 : index
    %get3A_1 = arith.constant 0 : index
    %get3A_2 = vector.load %arg1[%get3A, %get3A_0, %get3A_1] : memref<2x10000x16xf32, #tpu.memory_space<vmem>>, vector<1x10000x1xf32>
    %get3A_3 = vector.shape_cast %get3A_2 : vector<1x10000x1xf32> to vector<10000x1xf32>
    %get3A_4 = arith.constant 1 : index
    %get3A_5 = arith.constant 0 : index
    %get3A_6 = arith.constant 0 : index
    %get3A_7 = vector.load %arg1[%get3A_4, %get3A_5, %get3A_6] : memref<2x10000x16xf32, #tpu.memory_space<vmem>>, vector<1x10000x1xf32>
    %get3A_8 = vector.shape_cast %get3A_7 : vector<1x10000x1xf32> to vector<10000x1xf32>
    %add3A = arith.addf %get3A_3, %get3A_8 : vector<10000x1xf32>
    %add3A_9 = arith.constant 1.000000e+00 : f32
    %add3A_10 = vector.broadcast %add3A_9 : f32 to vector<10000x1xf32>
    %add3A_11 = arith.addf %add3A, %add3A_10 : vector<10000x1xf32>
    %rsqrt3A = math.rsqrt %add3A_11 : vector<10000x1xf32>
    %swap3A = arith.constant 0 : index
    %swap3A_12 = arith.constant 0 : index
    %swap3A_13 = vector.load %arg7[%swap3A, %swap3A_12] : memref<10000x1xf32, #tpu.memory_space<vmem>>, vector<10000x1xf32>
    tpu.vector_store %arg7[%swap3A, %swap3A_12], %rsqrt3A {strides = array<i32>} : memref<10000x1xf32, #tpu.memory_space<vmem>>, vector<10000x1xf32>,
    %get3A_14 = arith.constant 0 : index
    %get3A_15 = arith.constant 0 : index
    %get3A_16 = vector.load %arg0[%get3A_14, %get3A_15] : memref<10000x128xf32, #tpu.memory_space<vmem>>, vector<10000x128xf32>
    %get3A_17 = arith.constant 0 : index
    %get3A_18 = arith.constant 0 : index
    %get3A_19 = vector.load %arg2[%get3A_17, %get3A_18] : memref<1x128xf32, #tpu.memory_space<vmem>>, vector<1x128xf32>
    %get3A_20 = arith.constant 0 : index
    %get3A_21 = arith.constant 0 : index
    %get3A_22 = vector.load %arg3[%get3A_20, %get3A_21] : memref<1x128xf32, #tpu.memory_space<vmem>>, vector<1x128xf32>
    %get3A_23 = arith.constant 0 : index
    %get3A_24 = arith.constant 0 : index
    %get3A_25 = vector.load %arg4[%get3A_23, %get3A_24] : memref<1x128xf32, #tpu.memory_space<vmem>>, vector<1x128xf32>
    %reduce_sum3A = arith.constant dense<0.000000e+00> : vector<128xf32>
    %reduce_sum3A_26 = vector.multi_reduction <add>, %get3A_16, %reduce_sum3A [0] : vector<10000x128xf32> to vector<128xf32>
    %broadcast_in_dim3A = vector.shape_cast %reduce_sum3A_26 : vector<128xf32> to vector<1x128xf32>
    %div3A = arith.constant 1.000000e+04 : f32
    %div3A_27 = vector.broadcast %div3A : f32 to vector<1x128xf32>
    %div3A_28 = arith.divf %broadcast_in_dim3A, %div3A_27 : vector<1x128xf32>
    %mul3A = arith.mulf %get3A_25, %div3A_28 : vector<1x128xf32>
    %sub3A = vector.broadcast %mul3A : vector<1x128xf32> to vector<10000x128xf32>
    %sub3A_29 = arith.subf %get3A_16, %sub3A : vector<10000x128xf32>
    %mul3A_30 = arith.mulf %sub3A_29, %sub3A_29 : vector<10000x128xf32>
    %reduce_sum3A_31 = arith.constant dense<0.000000e+00> : vector<128xf32>
    %reduce_sum3A_32 = vector.multi_reduction <add>, %mul3A_30, %reduce_sum3A_31 [0] : vector<10000x128xf32> to vector<128xf32>
    %broadcast_in_dim3A_33 = vector.shape_cast %reduce_sum3A_32 : vector<128xf32> to vector<1x128xf32>
    %div3A_34 = arith.constant 1.000000e+04 : f32
    %div3A_35 = vector.broadcast %div3A_34 : f32 to vector<1x128xf32>
    %div3A_36 = arith.divf %broadcast_in_dim3A_33, %div3A_35 : vector<1x128xf32>
    %mul3A_37 = vector.broadcast %get3A_19 : vector<1x128xf32> to vector<10000x128xf32>
    %mul3A_38 = arith.mulf %mul3A_37, %sub3A_29 : vector<10000x128xf32>
    %add3A_39 = arith.constant 9.99999974E-6 : f32
    %add3A_40 = vector.broadcast %add3A_39 : f32 to vector<1x128xf32>
    %add3A_41 = arith.addf %div3A_36, %add3A_40 : vector<1x128xf32>
    %rsqrt3A_42 = math.rsqrt %add3A_41 : vector<1x128xf32>
    %mul3A_43 = vector.broadcast %rsqrt3A_42 : vector<1x128xf32> to vector<10000x128xf32>
    %mul3A_44 = arith.mulf %mul3A_38, %mul3A_43 : vector<10000x128xf32>
    %add3A_45 = vector.broadcast %get3A_22 : vector<1x128xf32> to vector<10000x128xf32>
    %add3A_46 = arith.addf %mul3A_44, %add3A_45 : vector<10000x128xf32>
    %get3A_47 = arith.constant 0 : index
    %get3A_48 = arith.constant 0 : index
    %get3A_49 = vector.load %arg5[%get3A_47, %get3A_48] : memref<128x64xf32, #tpu.memory_space<vmem>>, vector<128x64xf32>
    %dot_general3A = arith.constant dense<0.000000e+00> : vector<10000x64xf32>
    %dot_general3A_50 = tpu.matmul %add3A_46, %get3A_49, %dot_general3A {dimension_numbers = #tpu.dot_dimension_numbers<[1], [0], [0], [1], [0, 0, 1, 1], [], []>, transpose_lhs_hint = false} : vector<10000x128xf32>, vector<128x64xf32>, vector<10000x64xf32> -> vector<10000x64xf32>
    %mul3A_51 = vector.broadcast %rsqrt3A : vector<10000x1xf32> to vector<10000x64xf32>
    %mul3A_52 = arith.mulf %dot_general3A_50, %mul3A_51 : vector<10000x64xf32>
    %swap3A_53 = arith.constant 0 : index
    %swap3A_54 = arith.constant 0 : index
    %swap3A_55 = vector.load %arg6[%swap3A_53, %swap3A_54] : memref<10000x64xf32, #tpu.memory_space<vmem>>, vector<10000x64xf32>
    tpu.vector_store %arg6[%swap3A_53, %swap3A_54], %mul3A_52 {strides = array<i32>} : memref<10000x64xf32, #tpu.memory_space<vmem>>, vector<10000x64xf32>,
    return
  }
}

module attributes {stable_mosaic.version = 14 : i64} {
  func.func @_tc_mid(%arg0: memref<2x10000x64xf32, #tpu.memory_space<vmem>>, %arg1: memref<10000x64xf32, #tpu.memory_space<vmem>>, %arg2: memref<10000x1xf32, #tpu.memory_space<vmem>>, %arg3: memref<1x64xf32, #tpu.memory_space<vmem>>, %arg4: memref<1x64xf32, #tpu.memory_space<vmem>>, %arg5: memref<1x64xf32, #tpu.memory_space<vmem>>, %arg6: memref<1x64xf32, #tpu.memory_space<vmem>>, %arg7: memref<64x64xf32, #tpu.memory_space<vmem>>, %arg8: memref<10000x64xf32, #tpu.memory_space<vmem>>) attributes {dimension_semantics = [], scalar_prefetch = 0 : i64, scratch_operands = 0 : i64, tpu.core_type = #tpu.core_type<tc>} {
    %get3A = arith.constant 0 : index
    %get3A_0 = arith.constant 0 : index
    %get3A_1 = vector.load %arg2[%get3A, %get3A_0] : memref<10000x1xf32, #tpu.memory_space<vmem>>, vector<10000x1xf32>
    %get3A_2 = arith.constant 0 : index
    %get3A_3 = arith.constant 0 : index
    %get3A_4 = arith.constant 0 : index
    %get3A_5 = vector.load %arg0[%get3A_2, %get3A_3, %get3A_4] : memref<2x10000x64xf32, #tpu.memory_space<vmem>>, vector<1x10000x64xf32>
    %get3A_6 = vector.shape_cast %get3A_5 : vector<1x10000x64xf32> to vector<10000x64xf32>
    %get3A_7 = arith.constant 1 : index
    %get3A_8 = arith.constant 0 : index
    %get3A_9 = arith.constant 0 : index
    %get3A_10 = vector.load %arg0[%get3A_7, %get3A_8, %get3A_9] : memref<2x10000x64xf32, #tpu.memory_space<vmem>>, vector<1x10000x64xf32>
    %get3A_11 = vector.shape_cast %get3A_10 : vector<1x10000x64xf32> to vector<10000x64xf32>
    %add3A = arith.addf %get3A_6, %get3A_11 : vector<10000x64xf32>
    %get3A_12 = arith.constant 0 : index
    %get3A_13 = arith.constant 0 : index
    %get3A_14 = vector.load %arg1[%get3A_12, %get3A_13] : memref<10000x64xf32, #tpu.memory_space<vmem>>, vector<10000x64xf32>
    %add3A_15 = arith.addf %add3A, %get3A_14 : vector<10000x64xf32>
    %mul3A = vector.broadcast %get3A_1 : vector<10000x1xf32> to vector<10000x64xf32>
    %mul3A_16 = arith.mulf %mul3A, %add3A_15 : vector<10000x64xf32>
    %get3A_17 = arith.constant 0 : index
    %get3A_18 = arith.constant 0 : index
    %get3A_19 = vector.load %arg3[%get3A_17, %get3A_18] : memref<1x64xf32, #tpu.memory_space<vmem>>, vector<1x64xf32>
    %add3A_20 = vector.broadcast %get3A_19 : vector<1x64xf32> to vector<10000x64xf32>
    %add3A_21 = arith.addf %mul3A_16, %add3A_20 : vector<10000x64xf32>
    %max3A = arith.constant 0.000000e+00 : f32
    %max3A_22 = vector.broadcast %max3A : f32 to vector<10000x64xf32>
    %max3A_23 = arith.maximumf %add3A_21, %max3A_22 : vector<10000x64xf32>
    %get3A_24 = arith.constant 0 : index
    %get3A_25 = arith.constant 0 : index
    %get3A_26 = vector.load %arg4[%get3A_24, %get3A_25] : memref<1x64xf32, #tpu.memory_space<vmem>>, vector<1x64xf32>
    %get3A_27 = arith.constant 0 : index
    %get3A_28 = arith.constant 0 : index
    %get3A_29 = vector.load %arg5[%get3A_27, %get3A_28] : memref<1x64xf32, #tpu.memory_space<vmem>>, vector<1x64xf32>
    %get3A_30 = arith.constant 0 : index
    %get3A_31 = arith.constant 0 : index
    %get3A_32 = vector.load %arg6[%get3A_30, %get3A_31] : memref<1x64xf32, #tpu.memory_space<vmem>>, vector<1x64xf32>
    %reduce_sum3A = arith.constant dense<0.000000e+00> : vector<64xf32>
    %reduce_sum3A_33 = vector.multi_reduction <add>, %max3A_23, %reduce_sum3A [0] : vector<10000x64xf32> to vector<64xf32>
    %broadcast_in_dim3A = vector.shape_cast %reduce_sum3A_33 : vector<64xf32> to vector<1x64xf32>
    %div3A = arith.constant 1.000000e+04 : f32
    %div3A_34 = vector.broadcast %div3A : f32 to vector<1x64xf32>
    %div3A_35 = arith.divf %broadcast_in_dim3A, %div3A_34 : vector<1x64xf32>
    %mul3A_36 = arith.mulf %get3A_32, %div3A_35 : vector<1x64xf32>
    %sub3A = vector.broadcast %mul3A_36 : vector<1x64xf32> to vector<10000x64xf32>
    %sub3A_37 = arith.subf %max3A_23, %sub3A : vector<10000x64xf32>
    %mul3A_38 = arith.mulf %sub3A_37, %sub3A_37 : vector<10000x64xf32>
    %reduce_sum3A_39 = arith.constant dense<0.000000e+00> : vector<64xf32>
    %reduce_sum3A_40 = vector.multi_reduction <add>, %mul3A_38, %reduce_sum3A_39 [0] : vector<10000x64xf32> to vector<64xf32>
    %broadcast_in_dim3A_41 = vector.shape_cast %reduce_sum3A_40 : vector<64xf32> to vector<1x64xf32>
    %div3A_42 = arith.constant 1.000000e+04 : f32
    %div3A_43 = vector.broadcast %div3A_42 : f32 to vector<1x64xf32>
    %div3A_44 = arith.divf %broadcast_in_dim3A_41, %div3A_43 : vector<1x64xf32>
    %mul3A_45 = vector.broadcast %get3A_26 : vector<1x64xf32> to vector<10000x64xf32>
    %mul3A_46 = arith.mulf %mul3A_45, %sub3A_37 : vector<10000x64xf32>
    %add3A_47 = arith.constant 9.99999974E-6 : f32
    %add3A_48 = vector.broadcast %add3A_47 : f32 to vector<1x64xf32>
    %add3A_49 = arith.addf %div3A_44, %add3A_48 : vector<1x64xf32>
    %rsqrt3A = math.rsqrt %add3A_49 : vector<1x64xf32>
    %mul3A_50 = vector.broadcast %rsqrt3A : vector<1x64xf32> to vector<10000x64xf32>
    %mul3A_51 = arith.mulf %mul3A_46, %mul3A_50 : vector<10000x64xf32>
    %add3A_52 = vector.broadcast %get3A_29 : vector<1x64xf32> to vector<10000x64xf32>
    %add3A_53 = arith.addf %mul3A_51, %add3A_52 : vector<10000x64xf32>
    %get3A_54 = arith.constant 0 : index
    %get3A_55 = arith.constant 0 : index
    %get3A_56 = vector.load %arg7[%get3A_54, %get3A_55] : memref<64x64xf32, #tpu.memory_space<vmem>>, vector<64x64xf32>
    %dot_general3A = arith.constant dense<0.000000e+00> : vector<10000x64xf32>
    %dot_general3A_57 = tpu.matmul %add3A_53, %get3A_56, %dot_general3A {dimension_numbers = #tpu.dot_dimension_numbers<[1], [0], [0], [1], [0, 0, 1, 1], [], []>, transpose_lhs_hint = false} : vector<10000x64xf32>, vector<64x64xf32>, vector<10000x64xf32> -> vector<10000x64xf32>
    %mul3A_58 = vector.broadcast %get3A_1 : vector<10000x1xf32> to vector<10000x64xf32>
    %mul3A_59 = arith.mulf %dot_general3A_57, %mul3A_58 : vector<10000x64xf32>
    %swap3A = arith.constant 0 : index
    %swap3A_60 = arith.constant 0 : index
    %swap3A_61 = vector.load %arg8[%swap3A, %swap3A_60] : memref<10000x64xf32, #tpu.memory_space<vmem>>, vector<10000x64xf32>
    tpu.vector_store %arg8[%swap3A, %swap3A_60], %mul3A_59 {strides = array<i32>} : memref<10000x64xf32, #tpu.memory_space<vmem>>, vector<10000x64xf32>,
    return
  }
}

module attributes {stable_mosaic.version = 14 : i64} {
  func.func @_tc_head(%arg0: memref<2x10000x64xf32, #tpu.memory_space<vmem>>, %arg1: memref<10000x64xf32, #tpu.memory_space<vmem>>, %arg2: memref<10000x1xf32, #tpu.memory_space<vmem>>, %arg3: memref<1x64xf32, #tpu.memory_space<vmem>>, %arg4: memref<64x64xf32, #tpu.memory_space<vmem>>, %arg5: memref<1x64xf32, #tpu.memory_space<vmem>>, %arg6: memref<64x10xf32, #tpu.memory_space<vmem>>, %arg7: memref<1x10xf32, #tpu.memory_space<vmem>>, %arg8: memref<1x10xf32, #tpu.memory_space<vmem>>) attributes {dimension_semantics = [], scalar_prefetch = 0 : i64, scratch_operands = 0 : i64, tpu.core_type = #tpu.core_type<tc>} {
    %get3A = arith.constant 0 : index
    %get3A_0 = arith.constant 0 : index
    %get3A_1 = vector.load %arg2[%get3A, %get3A_0] : memref<10000x1xf32, #tpu.memory_space<vmem>>, vector<10000x1xf32>
    %get3A_2 = arith.constant 0 : index
    %get3A_3 = arith.constant 0 : index
    %get3A_4 = arith.constant 0 : index
    %get3A_5 = vector.load %arg0[%get3A_2, %get3A_3, %get3A_4] : memref<2x10000x64xf32, #tpu.memory_space<vmem>>, vector<1x10000x64xf32>
    %get3A_6 = vector.shape_cast %get3A_5 : vector<1x10000x64xf32> to vector<10000x64xf32>
    %get3A_7 = arith.constant 1 : index
    %get3A_8 = arith.constant 0 : index
    %get3A_9 = arith.constant 0 : index
    %get3A_10 = vector.load %arg0[%get3A_7, %get3A_8, %get3A_9] : memref<2x10000x64xf32, #tpu.memory_space<vmem>>, vector<1x10000x64xf32>
    %get3A_11 = vector.shape_cast %get3A_10 : vector<1x10000x64xf32> to vector<10000x64xf32>
    %add3A = arith.addf %get3A_6, %get3A_11 : vector<10000x64xf32>
    %get3A_12 = arith.constant 0 : index
    %get3A_13 = arith.constant 0 : index
    %get3A_14 = vector.load %arg1[%get3A_12, %get3A_13] : memref<10000x64xf32, #tpu.memory_space<vmem>>, vector<10000x64xf32>
    %add3A_15 = arith.addf %add3A, %get3A_14 : vector<10000x64xf32>
    %mul3A = vector.broadcast %get3A_1 : vector<10000x1xf32> to vector<10000x64xf32>
    %mul3A_16 = arith.mulf %mul3A, %add3A_15 : vector<10000x64xf32>
    %get3A_17 = arith.constant 0 : index
    %get3A_18 = arith.constant 0 : index
    %get3A_19 = vector.load %arg3[%get3A_17, %get3A_18] : memref<1x64xf32, #tpu.memory_space<vmem>>, vector<1x64xf32>
    %add3A_20 = vector.broadcast %get3A_19 : vector<1x64xf32> to vector<10000x64xf32>
    %add3A_21 = arith.addf %mul3A_16, %add3A_20 : vector<10000x64xf32>
    %max3A = arith.constant 0.000000e+00 : f32
    %max3A_22 = vector.broadcast %max3A : f32 to vector<10000x64xf32>
    %max3A_23 = arith.maximumf %add3A_21, %max3A_22 : vector<10000x64xf32>
    %reduce_sum3A = arith.constant dense<0.000000e+00> : vector<64xf32>
    %reduce_sum3A_24 = vector.multi_reduction <add>, %max3A_23, %reduce_sum3A [0] : vector<10000x64xf32> to vector<64xf32>
    %broadcast_in_dim3A = vector.shape_cast %reduce_sum3A_24 : vector<64xf32> to vector<1x64xf32>
    %div3A = arith.constant 1.000000e+04 : f32
    %div3A_25 = vector.broadcast %div3A : f32 to vector<1x64xf32>
    %div3A_26 = arith.divf %broadcast_in_dim3A, %div3A_25 : vector<1x64xf32>
    %get3A_27 = arith.constant 0 : index
    %get3A_28 = arith.constant 0 : index
    %get3A_29 = vector.load %arg4[%get3A_27, %get3A_28] : memref<64x64xf32, #tpu.memory_space<vmem>>, vector<64x64xf32>
    %dot_general3A = arith.constant dense<0.000000e+00> : vector<1x64xf32>
    %dot_general3A_30 = tpu.matmul %div3A_26, %get3A_29, %dot_general3A {dimension_numbers = #tpu.dot_dimension_numbers<[1], [0], [0], [1], [0, 0, 1, 1], [], []>, transpose_lhs_hint = false} : vector<1x64xf32>, vector<64x64xf32>, vector<1x64xf32> -> vector<1x64xf32>
    %get3A_31 = arith.constant 0 : index
    %get3A_32 = arith.constant 0 : index
    %get3A_33 = vector.load %arg5[%get3A_31, %get3A_32] : memref<1x64xf32, #tpu.memory_space<vmem>>, vector<1x64xf32>
    %add3A_34 = arith.addf %dot_general3A_30, %get3A_33 : vector<1x64xf32>
    %max3A_35 = arith.constant 0.000000e+00 : f32
    %max3A_36 = vector.broadcast %max3A_35 : f32 to vector<1x64xf32>
    %max3A_37 = arith.maximumf %add3A_34, %max3A_36 : vector<1x64xf32>
    %get3A_38 = arith.constant 0 : index
    %get3A_39 = arith.constant 0 : index
    %get3A_40 = vector.load %arg6[%get3A_38, %get3A_39] : memref<64x10xf32, #tpu.memory_space<vmem>>, vector<64x10xf32>
    %dot_general3A_41 = arith.constant dense<0.000000e+00> : vector<1x10xf32>
    %dot_general3A_42 = tpu.matmul %max3A_37, %get3A_40, %dot_general3A_41 {dimension_numbers = #tpu.dot_dimension_numbers<[1], [0], [0], [1], [0, 0, 1, 1], [], []>, transpose_lhs_hint = false} : vector<1x64xf32>, vector<64x10xf32>, vector<1x10xf32> -> vector<1x10xf32>
    %get3A_43 = arith.constant 0 : index
    %get3A_44 = arith.constant 0 : index
    %get3A_45 = vector.load %arg7[%get3A_43, %get3A_44] : memref<1x10xf32, #tpu.memory_space<vmem>>, vector<1x10xf32>
    %add3A_46 = arith.addf %dot_general3A_42, %get3A_45 : vector<1x10xf32>
    %reduce_max3A = arith.constant dense<0xFF800000> : vector<1xf32>
    %reduce_max3A_47 = vector.multi_reduction <maximumf>, %add3A_46, %reduce_max3A [1] : vector<1x10xf32> to vector<1xf32>
    %max3A_48 = arith.constant 0xFF800000 : f32
    %max3A_49 = vector.broadcast %max3A_48 : f32 to vector<1xf32>
    %max3A_50 = arith.maximumf %max3A_49, %reduce_max3A_47 : vector<1xf32>
    %broadcast_in_dim3A_51 = vector.shape_cast %max3A_50 : vector<1xf32> to vector<1x1xf32>
    %sub3A = vector.broadcast %broadcast_in_dim3A_51 : vector<1x1xf32> to vector<1x10xf32>
    %sub3A_52 = arith.subf %add3A_46, %sub3A : vector<1x10xf32>
    %exp3A = math.exp %sub3A_52 : vector<1x10xf32>
    %reduce_sum3A_53 = arith.constant dense<0.000000e+00> : vector<1xf32>
    %reduce_sum3A_54 = vector.multi_reduction <add>, %exp3A, %reduce_sum3A_53 [1] : vector<1x10xf32> to vector<1xf32>
    %broadcast_in_dim3A_55 = vector.shape_cast %reduce_sum3A_54 : vector<1xf32> to vector<1x1xf32>
    %div3A_56 = vector.broadcast %broadcast_in_dim3A_55 : vector<1x1xf32> to vector<1x10xf32>
    %div3A_57 = arith.divf %exp3A, %div3A_56 : vector<1x10xf32>
    %swap3A = arith.constant 0 : index
    %swap3A_58 = arith.constant 0 : index
    %swap3A_59 = vector.load %arg8[%swap3A, %swap3A_58] : memref<1x10xf32, #tpu.memory_space<vmem>>, vector<1x10xf32>
    tpu.vector_store %arg8[%swap3A, %swap3A_58], %div3A_57 {strides = array<i32>} : memref<1x10xf32, #tpu.memory_space<vmem>>, vector<1x10xf32>,
    return
  }
}

</mosaic_0001>

<sc_bundles>
// kernel: kernel.10.cloned.1.call-start
scs
__scs_entry_jumppad:
0x0: {  	(pc) =	sbr.rel $0x88, $3  }
0x1: {  	(tag) =	ssettag $0x0;
	lr =	simm.s32 $0x1  }
0x2: {  	[smem:$0x3F8C] =	sst lr;
	_ =	strace $0xD0000000  }
0x3: {  	_ = 	snop  }
0x4: {  	_ = 	snop  }
0x5: {  	_ = 	snop  }
0x6: {  	_ = 	snop  }
0x7: {  	_ = 	snop  }
__scs_overlays_trampoline_lowered:
0x8: {  	[smem:$0x3F9B] =	sst s0  }
0x9: {  	[smem:$0x3F9C] =	sst s1  }
0xa: {  	[smem:$0x3F9D] =	sst s2  }
0xb: {  	[smem:$0x3F9E] =	sst s3  }
0xc: {  	[smem:$0x3F9F] =	sst s4  }
0xd: {  	[smem:$0x3FA0] =	sst s5  }
0xe: {  	[smem:$0x3FA1] =	sst s6  }
0xf: {  	[smem:$0x3FA2] =	sst s7  }
0x10: {  	[smem:$0x3FA3] =	sst s8  }
0x11: {  	[smem:$0x3FA4] =	sst s9;
	s0 =	simm.s32 @!p0 $0x0  }
0x12: {  	s1 =	sld [smem:$0x3F8A];
	s0 =	simm.s32 @p0 $0x1  }
0x13: {  	[smem:$0x3FA5] =	sst s0;
	s0 =	simm.s32 @!p1 $0x0  }
0x14: {  	s2 =	sld [smem:$0x3F89];
	s0 =	simm.s32 @p1 $0x1  }
0x15: {  	[smem:$0x3FA6] =	sst s0;
	s0 =	simm.s32 @!p2 $0x0  }
0x16: {  	s3 =	sld [smem:$0x3FDB];
	s0 =	simm.s32 @p2 $0x1  }
0x17: {  	s4 =	simm.s32 $0x1BF5;
	[smem:$0x3FA8] =	sst s0  }
0x18: {  	s0 =	sld [smem:$0x3F8B];
	_ =	swait.ge [sflag:s4], $0x0  }
0x19: {  	s7 =	sld [smem:$0x3F8C]  }
0x1a: {  	s8 =	sadd.s32 $0xFFFFE003, lr  }
0x1b: {  	s9 =	sadd.s32 $0xFFFFFEF7, lr;
	s5 =	simm.s32 $0xFFFFFFFF;
	p2 =	slt.u32 s8, $0xFFFFF086  }
0x1c: {  	p1 =	slt.u32 s9, $0xF7A;
	s5 =	simm.s32 @!p2 $0x0  }
0x1d: {  	s5 =	simm.s32 @p1 $0x1;
	p0 =	seq.s32 s7, s2  }
0x1e: {  	s7 =	smul.u32 @!p0 $0xF7A, s2;
	p2 =	seq.s32 @!p0 s5, $0x0  }
0x1f: {  	s9 =	smul.u32 $0xF7A, s1;
	s8 =	simm.s32 @!p0 $0x1BF5;
	p2 =	por !p2, p0  }
0x20: {  	[sflag:s8] =	ssyncset.s32 @!p0 $0xFFFFF086;
	s6 =	sadd.s32 @!p0 s3, s7;
	s7 =	simm.s32 @!p0 $0x108  }
0x21: {  	s3 =	sadd.s32 s3, s9;
	s6 =	sadd.s32 @!p0 $0x88, s6;
	s7 =	simm.s32 @p2 $0x1082  }
0x22: {  	[simem:s7], [sflag:s8] =	dma.local @!p0 [hbm:s6], $0xF7A  }
0x23: {  	s9 =	sor.u32 $0xD0000000, s2;
	s6 =	simm.s32 $0x108;
	_ =	swait.ge @!p0 [sflag:s8], $0x0  }
0x24: {  	s3 =	sadd.s32 $0x88, s3;
	s6 =	simm.s32 @!p1 $0x1082;
	[sflag:s4] =	ssyncset.s32 $0xFFFFF086  }
0x25: {  	[simem:s6], [sflag:s4] =	dma.local [hbm:s3], $0xF7A  }
0x26: {  	[smem:$0x3F8C] =	sst s1;
	(tag) =	ssettag s2;
	_ =	strace s9  }
0x27: {  	s1 =	sld [smem:$0x3F9C]  }
0x28: {  	s2 =	sld [smem:$0x3F9D]  }
0x29: {  	s4 =	sld [smem:$0x3F9F]  }
0x2a: {  	p0 =	seq.s32 s5, $0x0;
	s5 =	sld [smem:$0x3FA0]  }
0x2b: {  	s6 =	sld [smem:$0x3FA1]  }
0x2c: {  	s7 =	sld [smem:$0x3FA2]  }
0x2d: {  	s3 =	simm.s32 $0x108;
	s8 =	sld [smem:$0x3FA3]  }
0x2e: {  	s3 =	simm.s32 @!p0 $0x1082;
	s9 =	sld [smem:$0x3FA4]  }
0x2f: {  	lr =	sadd.s32 s0, s3;
	s0 =	sld [smem:$0x3F9B]  }
0x30: {  	s3 =	sld [smem:$0x3F9E]  }
0x31: {  	[smem:$0x3FA7] =	sst s10  }
0x32: {  	s10 =	sld [smem:$0x3FA5];
	_ =	sdelay $0x3  }
0x33: {  	p0 =	seq.s32 s10, $0x1;
	s10 =	sld [smem:$0x3FA7];
	_ =	sdelay $0x3  }
0x34: {  	[smem:$0x3FA7] =	sst s10  }
0x35: {  	s10 =	sld [smem:$0x3FA6];
	_ =	sdelay $0x3  }
0x36: {  	p1 =	seq.s32 s10, $0x1;
	s10 =	sld [smem:$0x3FA7];
	_ =	sdelay $0x3  }
0x37: {  	[smem:$0x3FA7] =	sst s10  }
0x38: {  	s10 =	sld [smem:$0x3FA8]  }
0x39: {  	_ = 	snop;
	(pc) =	sbr.ind lr, $3  }
0x3a: {  	_ = 	snop  }
0x3b: {  	_ = 	snop  }
0x3c: {  	p2 =	seq.s32 s10, $0x1;
	s10 =	sld [smem:$0x3FA7]  }
0x3d: {  	_ =	shalt  }
0x3e: {  	_ =	shalt  }
0x3f: {  	_ =	shalt  }
0x40: {  	_ =	shalt  }
0x41: {  	_ =	shalt  }
0x42: {  	_ =	shalt  }
0x43: {  	_ =	shalt  }
0x44: {  	_ =	shalt  }
0x45: {  	_ =	shalt  }
0x46: {  	_ =	shalt  }
0x47: {  	_ =	shalt  }
0x48: {  	_ =	shalt  }
0x49: {  	_ =	shalt  }
0x4a: {  	_ =	shalt  }
0x4b: {  	_ =	shalt  }
0x4c: {  	_ =	shalt  }
0x4d: {  	_ =	shalt  }
0x4e: {  	_ =	shalt  }
0x4f: {  	_ =	shalt  }
0x50: {  	_ =	shalt  }
0x51: {  	_ =	shalt  }
0x52: {  	_ =	shalt  }
0x53: {  	_ =	shalt  }
0x54: {  	_ =	shalt  }
0x55: {  	_ =	shalt  }
0x56: {  	_ =	shalt  }
0x57: {  	_ =	shalt  }
0x58: {  	_ =	shalt  }
0x59: {  	_ =	shalt  }
0x5a: {  	_ =	shalt  }
0x5b: {  	_ =	shalt  }
0x5c: {  	_ =	shalt  }
0x5d: {  	_ =	shalt  }
0x5e: {  	_ =	shalt  }
0x5f: {  	_ =	shalt  }
0x60: {  	_ =	shalt  }
0x61: {  	_ =	shalt  }
0x62: {  	_ =	shalt  }
0x63: {  	_ =	shalt  }
0x64: {  	_ =	shalt  }
0x65: {  	_ =	shalt  }
0x66: {  	_ =	shalt  }
0x67: {  	_ =	shalt  }
0x68: {  	_ =	shalt  }
0x69: {  	_ =	shalt  }
0x6a: {  	_ =	shalt  }
0x6b: {  	_ =	shalt  }
0x6c: {  	_ =	shalt  }
0x6d: {  	_ =	shalt  }
0x6e: {  	_ =	shalt  }
0x6f: {  	_ =	shalt  }
0x70: {  	_ =	shalt  }
0x71: {  	_ =	shalt  }
0x72: {  	_ =	shalt  }
0x73: {  	_ =	shalt  }
0x74: {  	_ =	shalt  }
0x75: {  	_ =	shalt  }
0x76: {  	_ =	shalt  }
0x77: {  	_ =	shalt  }
0x78: {  	_ =	shalt  }
0x79: {  	_ =	shalt  }
0x7a: {  	_ =	shalt  }
0x7b: {  	_ =	shalt  }
0x7c: {  	_ =	shalt  }
0x7d: {  	_ =	shalt  }
0x7e: {  	_ =	shalt  }
0x7f: {  	_ =	shalt  }
0x80: {  	_ =	shalt  }
0x81: {  	_ =	shalt  }
0x82: {  	_ =	shalt  }
0x83: {  	_ =	shalt  }
0x84: {  	_ =	shalt  }
0x85: {  	_ =	shalt  }
0x86: {  	_ =	shalt  }
0x87: {  	_ =	shalt  }
.Lfunc_end0:
.L_simem_size_0:
called_computation_lowered:
.L_overlay_start_0:
0x88: {  	s2 =	sld [smem:$0x3FD9]  }
0x89: {  	s3 =	sld [smem:$0x3FFE];
	_ =	sdelay $0x1  }
0x8a: {  	s1 =	srdreg.scid  }
0x8b: {  	s0 =	sand.u32 $0x1, s1  }
0x8c: {  	s16 =	sshll.u32 s0, $0xA;
	s2 =	sadd.s32 s3, s2  }
0x8d: {  	s2 =	sadd.s32 s2, s16  }
0x8e: {  	[smem:$0x3FB3] =	sst s2  }
0x8f: {  	_ = 	snop  }
0x90: {  	(tm) =	ssettm $0x1  }
0x91: {  	s17 =	sld [smem:$0x3FFB];
	_ =	sdelay $0x3  }
0x92: {  	_ =	strace s17  }
0x93: {  	s2 =	sld [smem:$0x3FFC];
	_ =	sdelay $0x3  }
0x94: {  	_ =	strace s2  }
0x95: {  	s2 =	sld [smem:$0x3FFD];
	_ =	sdelay $0x3  }
0x96: {  	_ =	strace s2  }
0x97: {  	_ =	strace $0x8FFFFFFF  }
0x98: {  	s18 =	sld [smem:$0x3FDB];
	_ =	sdelay $0x1  }
0x99: {  	s19 =	simm.s32 $_scs_section_size  }
0x9a: {  	s4 =	simm.s32 $_size__tile_overlayer_lowered;
	s5 =	simm.s32 $_tile_overlayer_lowered  }
0x9b: {  	s22 =	simm.s32 $0x1BFF;
	s21 =	sshll.u32 s5, $0x1;
	s2 =	sadd.s32 s19, s18  }
0x9c: {  	s6 =	simm.s32 $0x0;
	s20 =	sshll.u32 s4, $0x1;
	s4 =	sadd.s32 s21, s2  }
0x9d: {  	[timem:s6], [sflag:s22] =	dma.local [hbm:s4], s20  }
0x9e: {  	_ =	swait.ge [sflag:s22], s20  }
0x9f: {  	s3 =	ssub.s32 $0x0, s20;
	[sflag:s22] =	ssyncset.done $0x0  }
0xa0: {  	[sflag:s22] =	ssyncadd.s32 s3;
	_ =	sdelay $0x1  }
0xa1: {  	s23 =	simm.s32 $0x1B8B  }
0xa2: {  	_ =	swait.ge [sflag:s23], $0x1  }
0xa3: {  	[sflag:s23] =	ssyncset.done $0x0  }
0xa4: {  	s25 =	simm.s32 $0x1B8E;
	s24 =	sld [smem:$0x3FFE];
	[sflag:s23] =	ssyncadd.s32 $0xFFFFFFFF  }
0xa5: {  	s26 =	simm.s32 $execute0_lowered;
	[smem:$0x3FD2] =	sst s25  }
0xa6: {  	s4 =	sshll.u32 s26, $0x1;
	_ =	strace $0x80000046;
	[dreg:$0x1] =	wrdreg $0xFFFFFFFF  }
0xa7: {  	s28 =	simm.s32 $_size_execute0_lowered;
	s2 =	sadd.s32 s2, s4;
	[dreg:$0x0] =	wrdreg $0x0  }
0xa8: {  	s4 =	sshll.u32 s28, $0x1;
	[dreg:$0x2] =	wrdreg s2  }
0xa9: {  	[dreg:$0x3] =	wrdreg s4  }
0xaa: {  	[dreg:$0x4] =	wrdreg $0xC0  }
0xab: {  	_ =	task [dreg:s6], $0x5FFFF  }
0xac: {  	[dreg:$0x1] =	wrdreg $0xFFFFFFFF  }
0xad: {  	[dreg:$0x0] =	wrdreg $0x60  }
0xae: {  	[dreg:$0x2] =	wrdreg s24  }
0xaf: {  	[dreg:$0x3] =	wrdreg $0x2C100  }
0xb0: {  	[dreg:$0x4] =	wrdreg $0x9  }
0xb1: {  	_ =	task.clear_ibuf [dreg:s6], $0x5FFFF;
	_ =	strace $0x90000046  }
0xb2: {  	s29 =	simm.s32 $0x9;
	_ =	strace $0x80000048  }
0xb3: {  	_ =	swait.ge [sflag:s29], $0x1  }
0xb4: {  	[sflag:s29] =	ssyncadd.s32 $0xFFFFFFFF  }
0xb5: {  	_ =	strace $0x90000048  }
0xb6: {  	_ =	sfence  }
0xb7: {  	s30 =	sld [smem:$0x0];
	_ =	sdelay $0x2  }
0xb8: {  	s31 =	sshll.u32 s1, $0xD;
	s1 =	sshrl.u32 s1, $0x2  }
0xb9: {  	s3 =	sand.u32 $0x4000, s31;
	s1 =	sadd.s32 s1, s30  }
0xba: {  	s0 =	sor.u32 s3, s0;
	s1 =	sshll.u32 s1, $0x11  }
0xbb: {  	s0 =	sor.u32 s1, s0  }
0xbc: {  	s0 =	sadd.s32 $0x8F2B, s0  }
0xbd: {  	[sflag:s0] =	ssyncadd.remote.s32 $0x1  }
0xbe: {  	_ =	sfence.sel $0xFFFF  }
0xbf: {  	[dreg:$0x0] =	wrdreg $0xFFFFFFFF;
	(pc) =	sbr.abs _section_cstart, $3  }
0xc0: {  	[dreg:$0x1] =	wrdreg $0xFFFFFFFF  }
0xc1: {  	_ =	task.clear_ibuf [dreg:s6], $0x2FFFF;
	_ =	strace $0x9FFFFFFF  }
0xc2: {  	(tm) =	ssettm $0x7FFFFFFF  }
0xc3: {  	_ =	shalt  }
tec
execute0_lowered:
.L_overlay_start_1:
0x0: {  	(tag) =	ssettag $0x1  }
0x1: {  	s0 =	srdreg.scid  }
0x2: {  	s10 =	stileid.u32;
	s5 =	rddreg [dreg:$0x0]  }
0x3: {  	s1 =	rddreg [dreg:$0x1];
	s2 =	simm.s32 $0x0;
	s14 =	simm.s32 $0x50  }
0x4: {  	s15 =	simm.s32 $0x1;
	s16 =	simm.s32 $0x2;
	s17 =	simm.s32 $0x26C0  }
0x5: {  	s18 =	simm.s32 $0x0;
	s4 =	sand.u32 $0x1, s0;
	s6 =	smul.u32 $0x2710, s10  }
0x6: {  	[smem:$0x7FF] =	sst s2;
	s31 =	sshll.u32 s10, $0x6;
	s13 =	sadd.s32 $0x27100, s1  }
0x7: {  	p0 =	sne.s32 s10, $0x0;
	s0 =	sshll.u32 s4, $0x4;
	s7 =	smul.u32 $0x27100, s4  }
0x8: {  	s9 =	ssub.s32 $0x2, s4;
	s4 =	sadd.s32 $0x1C400, s5;
	s0 =	sor.u32 s10, s0  }
0x9: {  	s11 =	sshrl.u32 s9, $0x1;
	s29 =	sshrl.u32 s6, $0x3;
	s30 =	sadd.s32 s6, s1  }
0xa: {  	s3 =	smul.u32 $0x4E2, s0;
	s0 =	rddreg [dreg:$0x2];
	_ =	strace $0x80000047  }
0xb: {  	s7 =	sadd.s32 s6, s7;
	s9 =	ssub.s32 s9, s11;
	s6 =	sor.u32 $0x1C03, s31  }
0xc: {  	s10 =	sshrl.u32 s30, $0x3;
	s11 =	simm.s32 $0x3;
	s7 =	sshrl.u32 s7, $0x3  }
0xd: {  	s9 =	smax.u32 s9, $0x1;
	s8 =	sadd.s32 s3, s5;
	s3 =	sadd.s32 $0x17400, s5  }
0xe: {  	s12 =	sadd.s32 s7, s5;
	s5 =	sadd.s32 s3, s29;
	s7 =	sadd.s32 $0xD600, s8  }
0xf: {  	s8 =	sadd.s32 $0x1C600, s12;
	s12 =	sshrl.u32 @!p0 s13, $0x3;
	s13 =	simm.s32 $0x2710  }
.LBB2_1:
0x10: {  	[spmem:s10], [sflag:s6] =	dma.local [hbm:s5], $0x4E2  }
0x11: {  	_ =	swait.ge [sflag:s11], $0x4E2  }
0x12: {  	[sflag:s11] =	ssyncset.done $0x0  }
0x13: {  	s19 =	simm.s32 @!p0 $0x3;
	[sflag:s11] =	ssyncadd.s32 $0xFFFFFB1E  }
0x14: {  	[spmem:s12], [sflag:s6] =	dma.local @!p0 [hbm:s3], $0x20  }
0x15: {  	_ =	swait.ge @!p0 [sflag:s19], $0x20  }
0x16: {  	[sflag:s19] =	ssyncset.done @!p0 $0x0  }
0x17: {  	[sflag:s19] =	ssyncadd.s32 @!p0 $0xFFFFFFE0  }
0x18: {  	[tilespmem:s13], [sflag:$0x3] =	stream.linear.gather [hbm4b:s4+s2], $0x500, $0x38;
	[tilespmem:$0x5330] =	vst v63  }
0x19: {  	_ =	swait.ge [sflag:s11], $0x500  }
0x1a: {  	[sflag:s11] =	ssyncset.done $0x0  }
0x1b: {  	[sflag:s11] =	ssyncadd.s32 $0xFFFFFB00  }
0x1c: {  	[tilespmem:s2], [sflag:$0x3] =	stream.linear.gather [hbm4b:s7+s2], $0x2710, $0x38;
	[tilespmem:$0x5330] =	vst v63  }
0x1d: {  	_ =	swait.ge [sflag:s11], $0x2710  }
0x1e: {  	[sflag:s11] =	ssyncset.done $0x0  }
0x1f: {  	[sflag:s11] =	ssyncadd.s32 $0xFFFFD8F0  }
0x20: {  	s30 =	simm.s32 $0x0;
	[bflag:$0x0] =	sbarrier.arrive $0xFFFF  }
0x21: {  	[spmem:s1] =	stream.indirect.scatter.add.f32 [tilespmem:s13], [sflag:$0x1], $0x10, s30, s14, $0xb8;
	[tilespmem:$0x5330] =	vst v63  }
0x22: {  	s31 =	simm.s32 $0x50  }
0x23: {  	[spmem:s1] =	stream.indirect.scatter.add.f32 [tilespmem:s13], [sflag:$0x2], $0x10, s31, s14, $0xb8;
	[tilespmem:$0x5330] =	vst v63  }
0x24: {  	_ =	swait.ge [sflag:s15], $0x500  }
0x25: {  	[sflag:s15] =	ssyncset.done $0x0  }
0x26: {  	[sflag:s15] =	ssyncadd.s32 $0xFFFFFB00  }
0x27: {  	_ =	swait.ge [sflag:s16], $0x500  }
0x28: {  	s20 =	simm.s32 $0x500;
	s19 =	simm.s32 $0x280;
	[sflag:s16] =	ssyncset.done $0x0  }
.LBB2_2:
0x29: {  	s21 =	sshra.s32 s19, $0x2  }
0x2a: {  	[sflag:s16] =	ssyncadd.s32 $0xFFFFFB00;
	s19 =	smov.u32 s20;
	s22 =	sadd.s32 $0x280, s20  }
0x2b: {  	[spmem:s1] =	stream.indirect.scatter.add.f32 [tilespmem:s13], [sflag:$0x1], $0x10, s21, s14, $0xb8;
	[tilespmem:$0x5330] =	vst v63  }
0x2c: {  	p1 =	sne.s32 s20, $0x9880;
	s20 =	sadd.s32 $0x50, s21  }
0x2d: {  	[spmem:s1] =	stream.indirect.scatter.add.f32 [tilespmem:s13], [sflag:$0x2], $0x10, s20, s14, $0xb8;
	[tilespmem:$0x5330] =	vst v63  }
.Ltmp0:
0x2e: {  	_ =	swait.ge [sflag:s15], $0x500;
	(pc) =	sbr.rel @p1 .LBB2_2-.Ltmp0, $4  }
0x2f: {  	[sflag:s15] =	ssyncset.done $0x0  }
0x30: {  	[sflag:s15] =	ssyncadd.s32 $0xFFFFFB00  }
0x31: {  	_ =	swait.ge [sflag:s16], $0x500  }
0x32: {  	s20 =	smov.u32 s22;
	[sflag:s16] =	ssyncset.done $0x0  }
0x33: {  	s19 =	sshra.s32 s19, $0x2;
	[sflag:s16] =	ssyncadd.s32 $0xFFFFFB00  }
0x34: {  	[spmem:s1] =	stream.indirect.scatter.add.f32 [tilespmem:s13], [sflag:$0x1], $0x10, s19, s14, $0xb8;
	[tilespmem:$0x5330] =	vst v63  }
0x35: {  	s19 =	sadd.s32 $0x50, s19  }
0x36: {  	[spmem:s1] =	stream.indirect.scatter.add.f32 [tilespmem:s13], [sflag:$0x2], $0x10, s19, s14, $0xb8;
	[tilespmem:$0x5330] =	vst v63  }
0x37: {  	_ =	swait.ge [sflag:s15], $0x500  }
0x38: {  	[sflag:s15] =	ssyncset.done $0x0  }
0x39: {  	[sflag:s15] =	ssyncadd.s32 $0xFFFFFB00  }
0x3a: {  	_ =	swait.ge [sflag:s16], $0x500  }
0x3b: {  	[sflag:s16] =	ssyncset.done $0x0  }
0x3c: {  	[sflag:s16] =	ssyncadd.s32 $0xFFFFFB00  }
0x3d: {  	[spmem:s1] =	stream.indirect.scatter.add.f32 [tilespmem:s13], [sflag:$0x3], $0x10, s17, s14, $0xb8;
	[tilespmem:$0x5330] =	vst v63  }
0x3e: {  	_ =	swait.ge [sflag:s11], $0x500  }
0x3f: {  	s18 =	sadd.s32 $0x1, s18;
	[sflag:s11] =	ssyncset.done $0x0  }
0x40: {  	p1 =	sne.s32 s18, s9;
	[sflag:s11] =	ssyncadd.s32 $0xFFFFFB00  }
.Ltmp1:
0x41: {  	[bflag:$0x0] =	sbarrier.arrive $0xFFFF;
	(pc) =	sbr.rel @p1 .LBB2_1-.Ltmp1, $4  }
0x42: {  	[hbm:s8], [sflag:s6] =	dma.local [spmem:s10], $0x4E2  }
0x43: {  	_ =	swait.ge [sflag:s11], $0x4E2  }
0x44: {  	[sflag:s11] =	ssyncset.done $0x0  }
0x45: {  	[sflag:s11] =	ssyncadd.s32 $0xFFFFFB1E  }
0x46: {  	_ =	sfence.sel $0x180000  }
0x47: {  	[bflag:$0x0] =	sbarrier.arrive $0xFFFF  }
0x48: {  	_ =	strace $0x90000047  }
0x49: {  	s0 =	sadd.s32 @!p0 $0x100000, s0;
	[bflag:$0x2] =	sbarrier.arrive $0xFFFF  }
0x4a: {  	[sflag:s0] =	ssyncadd.tile.s32 @!p0 $0x1;
	_ =	shalt  }
.Lfunc_end2:
_tile_overlayer_lowered:
.L_overlay_start_2:
0x4b: {  	(tag) =	ssettag $0x2  }
0x4c: {  	s0 =	rddreg [dreg:$0x0];
	s2 =	stileid.u32  }
0x4d: {  	s1 =	rddreg [dreg:$0x1];
	p0 =	sne.s32 s2, $0x0  }
0x4e: {  	s3 =	rddreg [dreg:$0x2];
	[bflag:$0x3] =	sbarrier.arrive $0xFFFF;
	s2 =	simm.s32 @!p0 $0x1C03  }
0x4f: {  	[timem:s3], [sflag:s2] =	dma.local @!p0 [hbm:s0], s1  }
0x50: {  	s0 =	simm.s32 @!p0 $0x3  }
0x51: {  	_ =	swait.ge @!p0 [sflag:s0], s1  }
0x52: {  	s1 =	ssub.s32 @!p0 $0x0, s1;
	[sflag:s0] =	ssyncset.done @!p0 $0x0  }
0x53: {  	[sflag:s0] =	ssyncadd.s32 @!p0 s1  }
0x54: {  	[bflag:$0x3] =	sbarrier.arrive $0xFFFF  }
0x55: {  	_ =	shalt  }

// kernel: kernel.13.cloned.1.call-start
scs
__scs_entry_jumppad:
0x0: {  	(pc) =	sbr.rel $0x88, $3  }
0x1: {  	(tag) =	ssettag $0x0;
	lr =	simm.s32 $0x1  }
0x2: {  	[smem:$0x3F8C] =	sst lr;
	_ =	strace $0xD0000000  }
0x3: {  	_ = 	snop  }
0x4: {  	_ = 	snop  }
0x5: {  	_ = 	snop  }
0x6: {  	_ = 	snop  }
0x7: {  	_ = 	snop  }
__scs_overlays_trampoline_lowered:
0x8: {  	[smem:$0x3F9B] =	sst s0  }
0x9: {  	[smem:$0x3F9C] =	sst s1  }
0xa: {  	[smem:$0x3F9D] =	sst s2  }
0xb: {  	[smem:$0x3F9E] =	sst s3  }
0xc: {  	[smem:$0x3F9F] =	sst s4  }
0xd: {  	[smem:$0x3FA0] =	sst s5  }
0xe: {  	[smem:$0x3FA1] =	sst s6  }
0xf: {  	[smem:$0x3FA2] =	sst s7  }
0x10: {  	[smem:$0x3FA3] =	sst s8  }
0x11: {  	[smem:$0x3FA4] =	sst s9;
	s0 =	simm.s32 @!p0 $0x0  }
0x12: {  	s1 =	sld [smem:$0x3F8A];
	s0 =	simm.s32 @p0 $0x1  }
0x13: {  	[smem:$0x3FA5] =	sst s0;
	s0 =	simm.s32 @!p1 $0x0  }
0x14: {  	s2 =	sld [smem:$0x3F89];
	s0 =	simm.s32 @p1 $0x1  }
0x15: {  	[smem:$0x3FA6] =	sst s0;
	s0 =	simm.s32 @!p2 $0x0  }
0x16: {  	s3 =	sld [smem:$0x3FDB];
	s0 =	simm.s32 @p2 $0x1  }
0x17: {  	s4 =	simm.s32 $0x1BF5;
	[smem:$0x3FA8] =	sst s0  }
0x18: {  	s0 =	sld [smem:$0x3F8B];
	_ =	swait.ge [sflag:s4], $0x0  }
0x19: {  	s7 =	sld [smem:$0x3F8C]  }
0x1a: {  	s8 =	sadd.s32 $0xFFFFE003, lr  }
0x1b: {  	s9 =	sadd.s32 $0xFFFFFEF7, lr;
	s5 =	simm.s32 $0xFFFFFFFF;
	p2 =	slt.u32 s8, $0xFFFFF086  }
0x1c: {  	p1 =	slt.u32 s9, $0xF7A;
	s5 =	simm.s32 @!p2 $0x0  }
0x1d: {  	s5 =	simm.s32 @p1 $0x1;
	p0 =	seq.s32 s7, s2  }
0x1e: {  	s7 =	smul.u32 @!p0 $0xF7A, s2;
	p2 =	seq.s32 @!p0 s5, $0x0  }
0x1f: {  	s9 =	smul.u32 $0xF7A, s1;
	s8 =	simm.s32 @!p0 $0x1BF5;
	p2 =	por !p2, p0  }
0x20: {  	[sflag:s8] =	ssyncset.s32 @!p0 $0xFFFFF086;
	s6 =	sadd.s32 @!p0 s3, s7;
	s7 =	simm.s32 @!p0 $0x108  }
0x21: {  	s3 =	sadd.s32 s3, s9;
	s6 =	sadd.s32 @!p0 $0x88, s6;
	s7 =	simm.s32 @p2 $0x1082  }
0x22: {  	[simem:s7], [sflag:s8] =	dma.local @!p0 [hbm:s6], $0xF7A  }
0x23: {  	s9 =	sor.u32 $0xD0000000, s2;
	s6 =	simm.s32 $0x108;
	_ =	swait.ge @!p0 [sflag:s8], $0x0  }
0x24: {  	s3 =	sadd.s32 $0x88, s3;
	s6 =	simm.s32 @!p1 $0x1082;
	[sflag:s4] =	ssyncset.s32 $0xFFFFF086  }
0x25: {  	[simem:s6], [sflag:s4] =	dma.local [hbm:s3], $0xF7A  }
0x26: {  	[smem:$0x3F8C] =	sst s1;
	(tag) =	ssettag s2;
	_ =	strace s9  }
0x27: {  	s1 =	sld [smem:$0x3F9C]  }
0x28: {  	s2 =	sld [smem:$0x3F9D]  }
0x29: {  	s4 =	sld [smem:$0x3F9F]  }
0x2a: {  	p0 =	seq.s32 s5, $0x0;
	s5 =	sld [smem:$0x3FA0]  }
0x2b: {  	s6 =	sld [smem:$0x3FA1]  }
0x2c: {  	s7 =	sld [smem:$0x3FA2]  }
0x2d: {  	s3 =	simm.s32 $0x108;
	s8 =	sld [smem:$0x3FA3]  }
0x2e: {  	s3 =	simm.s32 @!p0 $0x1082;
	s9 =	sld [smem:$0x3FA4]  }
0x2f: {  	lr =	sadd.s32 s0, s3;
	s0 =	sld [smem:$0x3F9B]  }
0x30: {  	s3 =	sld [smem:$0x3F9E]  }
0x31: {  	[smem:$0x3FA7] =	sst s10  }
0x32: {  	s10 =	sld [smem:$0x3FA5];
	_ =	sdelay $0x3  }
0x33: {  	p0 =	seq.s32 s10, $0x1;
	s10 =	sld [smem:$0x3FA7];
	_ =	sdelay $0x3  }
0x34: {  	[smem:$0x3FA7] =	sst s10  }
0x35: {  	s10 =	sld [smem:$0x3FA6];
	_ =	sdelay $0x3  }
0x36: {  	p1 =	seq.s32 s10, $0x1;
	s10 =	sld [smem:$0x3FA7];
	_ =	sdelay $0x3  }
0x37: {  	[smem:$0x3FA7] =	sst s10  }
0x38: {  	s10 =	sld [smem:$0x3FA8]  }
0x39: {  	_ = 	snop;
	(pc) =	sbr.ind lr, $3  }
0x3a: {  	_ = 	snop  }
0x3b: {  	_ = 	snop  }
0x3c: {  	p2 =	seq.s32 s10, $0x1;
	s10 =	sld [smem:$0x3FA7]  }
0x3d: {  	_ =	shalt  }
0x3e: {  	_ =	shalt  }
0x3f: {  	_ =	shalt  }
0x40: {  	_ =	shalt  }
0x41: {  	_ =	shalt  }
0x42: {  	_ =	shalt  }
0x43: {  	_ =	shalt  }
0x44: {  	_ =	shalt  }
0x45: {  	_ =	shalt  }
0x46: {  	_ =	shalt  }
0x47: {  	_ =	shalt  }
0x48: {  	_ =	shalt  }
0x49: {  	_ =	shalt  }
0x4a: {  	_ =	shalt  }
0x4b: {  	_ =	shalt  }
0x4c: {  	_ =	shalt  }
0x4d: {  	_ =	shalt  }
0x4e: {  	_ =	shalt  }
0x4f: {  	_ =	shalt  }
0x50: {  	_ =	shalt  }
0x51: {  	_ =	shalt  }
0x52: {  	_ =	shalt  }
0x53: {  	_ =	shalt  }
0x54: {  	_ =	shalt  }
0x55: {  	_ =	shalt  }
0x56: {  	_ =	shalt  }
0x57: {  	_ =	shalt  }
0x58: {  	_ =	shalt  }
0x59: {  	_ =	shalt  }
0x5a: {  	_ =	shalt  }
0x5b: {  	_ =	shalt  }
0x5c: {  	_ =	shalt  }
0x5d: {  	_ =	shalt  }
0x5e: {  	_ =	shalt  }
0x5f: {  	_ =	shalt  }
0x60: {  	_ =	shalt  }
0x61: {  	_ =	shalt  }
0x62: {  	_ =	shalt  }
0x63: {  	_ =	shalt  }
0x64: {  	_ =	shalt  }
0x65: {  	_ =	shalt  }
0x66: {  	_ =	shalt  }
0x67: {  	_ =	shalt  }
0x68: {  	_ =	shalt  }
0x69: {  	_ =	shalt  }
0x6a: {  	_ =	shalt  }
0x6b: {  	_ =	shalt  }
0x6c: {  	_ =	shalt  }
0x6d: {  	_ =	shalt  }
0x6e: {  	_ =	shalt  }
0x6f: {  	_ =	shalt  }
0x70: {  	_ =	shalt  }
0x71: {  	_ =	shalt  }
0x72: {  	_ =	shalt  }
0x73: {  	_ =	shalt  }
0x74: {  	_ =	shalt  }
0x75: {  	_ =	shalt  }
0x76: {  	_ =	shalt  }
0x77: {  	_ =	shalt  }
0x78: {  	_ =	shalt  }
0x79: {  	_ =	shalt  }
0x7a: {  	_ =	shalt  }
0x7b: {  	_ =	shalt  }
0x7c: {  	_ =	shalt  }
0x7d: {  	_ =	shalt  }
0x7e: {  	_ =	shalt  }
0x7f: {  	_ =	shalt  }
0x80: {  	_ =	shalt  }
0x81: {  	_ =	shalt  }
0x82: {  	_ =	shalt  }
0x83: {  	_ =	shalt  }
0x84: {  	_ =	shalt  }
0x85: {  	_ =	shalt  }
0x86: {  	_ =	shalt  }
0x87: {  	_ =	shalt  }
.Lfunc_end0:
.L_simem_size_0:
called_computation.1_lowered:
.L_overlay_start_0:
0x88: {  	s2 =	sld [smem:$0x3FD9]  }
0x89: {  	s3 =	sld [smem:$0x3FFE];
	_ =	sdelay $0x1  }
0x8a: {  	s1 =	srdreg.scid  }
0x8b: {  	s0 =	sand.u32 $0x1, s1  }
0x8c: {  	s16 =	sshll.u32 s0, $0xA;
	s2 =	sadd.s32 s3, s2  }
0x8d: {  	s2 =	sadd.s32 s2, s16  }
0x8e: {  	[smem:$0x3FB3] =	sst s2  }
0x8f: {  	_ = 	snop  }
0x90: {  	(tm) =	ssettm $0x1  }
0x91: {  	s17 =	sld [smem:$0x3FFB];
	_ =	sdelay $0x3  }
0x92: {  	_ =	strace s17  }
0x93: {  	s2 =	sld [smem:$0x3FFC];
	_ =	sdelay $0x3  }
0x94: {  	_ =	strace s2  }
0x95: {  	s2 =	sld [smem:$0x3FFD];
	_ =	sdelay $0x3  }
0x96: {  	_ =	strace s2  }
0x97: {  	_ =	strace $0x8FFFFFFF  }
0x98: {  	s18 =	sld [smem:$0x3FDB];
	_ =	sdelay $0x1  }
0x99: {  	s19 =	simm.s32 $_scs_section_size  }
0x9a: {  	s4 =	simm.s32 $_size__tile_overlayer_lowered;
	s5 =	simm.s32 $_tile_overlayer_lowered  }
0x9b: {  	s22 =	simm.s32 $0x1BFF;
	s21 =	sshll.u32 s5, $0x1;
	s2 =	sadd.s32 s19, s18  }
0x9c: {  	s6 =	simm.s32 $0x0;
	s20 =	sshll.u32 s4, $0x1;
	s4 =	sadd.s32 s21, s2  }
0x9d: {  	[timem:s6], [sflag:s22] =	dma.local [hbm:s4], s20  }
0x9e: {  	_ =	swait.ge [sflag:s22], s20  }
0x9f: {  	s3 =	ssub.s32 $0x0, s20;
	[sflag:s22] =	ssyncset.done $0x0  }
0xa0: {  	[sflag:s22] =	ssyncadd.s32 s3;
	_ =	sdelay $0x1  }
0xa1: {  	s23 =	simm.s32 $0x1B8B  }
0xa2: {  	_ =	swait.ge [sflag:s23], $0x1  }
0xa3: {  	[sflag:s23] =	ssyncset.done $0x0  }
0xa4: {  	s25 =	simm.s32 $0x1B8E;
	s24 =	sld [smem:$0x3FFE];
	[sflag:s23] =	ssyncadd.s32 $0xFFFFFFFF  }
0xa5: {  	s26 =	simm.s32 $execute0_lowered;
	[smem:$0x3FD2] =	sst s25  }
0xa6: {  	s4 =	sshll.u32 s26, $0x1;
	_ =	strace $0x80000049;
	[dreg:$0x1] =	wrdreg $0xFFFFFFFF  }
0xa7: {  	s28 =	simm.s32 $_size_execute0_lowered;
	s2 =	sadd.s32 s2, s4;
	[dreg:$0x0] =	wrdreg $0x0  }
0xa8: {  	s4 =	sshll.u32 s28, $0x1;
	[dreg:$0x2] =	wrdreg s2  }
0xa9: {  	[dreg:$0x3] =	wrdreg s4  }
0xaa: {  	[dreg:$0x4] =	wrdreg $0xC0  }
0xab: {  	_ =	task [dreg:s6], $0x5FFFF  }
0xac: {  	[dreg:$0x1] =	wrdreg $0xFFFFFFFF  }
0xad: {  	[dreg:$0x0] =	wrdreg $0x60  }
0xae: {  	[dreg:$0x2] =	wrdreg s24  }
0xaf: {  	[dreg:$0x3] =	wrdreg $0x8A200  }
0xb0: {  	[dreg:$0x4] =	wrdreg $0x126A00  }
0xb1: {  	[dreg:$0x5] =	wrdreg $0x9  }
0xb2: {  	_ =	task.clear_ibuf [dreg:s6], $0x6FFFF;
	_ =	strace $0x90000049  }
0xb3: {  	s29 =	simm.s32 $0x9;
	_ =	strace $0x8000004B  }
0xb4: {  	_ =	swait.ge [sflag:s29], $0x1  }
0xb5: {  	[sflag:s29] =	ssyncadd.s32 $0xFFFFFFFF  }
0xb6: {  	_ =	strace $0x9000004B  }
0xb7: {  	_ =	sfence  }
0xb8: {  	s30 =	sld [smem:$0x0];
	_ =	sdelay $0x2  }
0xb9: {  	s31 =	sshll.u32 s1, $0xD;
	s1 =	sshrl.u32 s1, $0x2  }
0xba: {  	s3 =	sand.u32 $0x4000, s31;
	s1 =	sadd.s32 s1, s30  }
0xbb: {  	s0 =	sor.u32 s3, s0;
	s1 =	sshll.u32 s1, $0x11  }
0xbc: {  	s0 =	sor.u32 s1, s0  }
0xbd: {  	s0 =	sadd.s32 $0x8F2B, s0  }
0xbe: {  	[sflag:s0] =	ssyncadd.remote.s32 $0x1  }
0xbf: {  	_ =	sfence.sel $0xFFFF  }
0xc0: {  	[dreg:$0x0] =	wrdreg $0xFFFFFFFF;
	(pc) =	sbr.abs _section_cstart, $3  }
0xc1: {  	[dreg:$0x1] =	wrdreg $0xFFFFFFFF  }
0xc2: {  	_ =	task.clear_ibuf [dreg:s6], $0x2FFFF;
	_ =	strace $0x9FFFFFFF  }
0xc3: {  	(tm) =	ssettm $0x7FFFFFFF  }
tec
execute0_lowered:
.L_overlay_start_1:
0x0: {  	(tag) =	ssettag $0x1  }
0x1: {  	s0 =	srdreg.scid;
	s1 =	rddreg [dreg:$0x0]  }
0x2: {  	s13 =	stileid.u32;
	s2 =	rddreg [dreg:$0x2]  }
0x3: {  	s18 =	simm.s32 $0x1;
	s19 =	simm.s32 $0x2;
	s20 =	simm.s32 $0x4  }
0x4: {  	s21 =	simm.s32 $0x5;
	s22 =	simm.s32 $0x50;
	s23 =	simm.s32 $0x4E20  }
0x5: {  	s24 =	simm.s32 $0x6220;
	s26 =	simm.s32 $0x7620;
	s28 =	simm.s32 $0x3  }
0x6: {  	s29 =	simm.s32 $0x6;
	s25 =	simm.s32 $0x7;
	s4 =	sand.u32 $0x1, s0  }
0x7: {  	s0 =	rddreg [dreg:$0x1];
	s8 =	smul.u32 $0x9C40, s13;
	p0 =	sne.s32 s13, $0x0  }
0x8: {  	s3 =	sshll.u32 s4, $0x4;
	s7 =	smul.u32 $0x9C400, s4;
	s31 =	ssub.s32 $0x2, s4  }
0x9: {  	s4 =	sadd.s32 $0x2AE00, s1;
	s16 =	sadd.s32 $0x9C400, s0;
	s5 =	sor.u32 s13, s3  }
0xa: {  	s3 =	simm.s32 $0x0;
	s6 =	sshrl.u32 s8, $0x3;
	s11 =	sshrl.u32 s31, $0x1  }
0xb: {  	s14 =	sadd.s32 s8, s0;
	s15 =	sadd.s32 s8, s2;
	s17 =	sshrl.u32 @!p0 s16, $0x3  }
0xc: {  	s16 =	simm.s32 $0x0;
	s5 =	smul.u32 $0x4E2, s5;
	[smem:$0x7FF] =	sst s3  }
0xd: {  	s9 =	sadd.s32 s6, s1;
	s30 =	sadd.s32 s8, s7;
	s12 =	ssub.s32 s31, s11  }
0xe: {  	s6 =	sadd.s32 s4, s6;
	s15 =	sshrl.u32 s15, $0x3;
	_ =	strace $0x8000004A  }
0xf: {  	s8 =	sadd.s32 $0x17400, s9;
	s10 =	sadd.s32 s5, s1;
	s5 =	sshrl.u32 s30, $0x3  }
0x10: {  	s12 =	smax.u32 s12, $0x1;
	s1 =	sadd.s32 s5, s1;
	s5 =	sshll.u32 s13, $0x6  }
0x11: {  	s9 =	sadd.s32 $0x3800, s10;
	s10 =	sadd.s32 $0xD600, s10;
	s13 =	sshrl.u32 s14, $0x3  }
0x12: {  	s7 =	sor.u32 $0x1C01, s5;
	s11 =	sadd.s32 $0x3E800, s1;
	s14 =	sor.u32 $0x1C02, s5  }
.LBB2_1:
0x13: {  	[spmem:s13], [sflag:s7] =	dma.local [hbm:s6], $0x1388  }
0x14: {  	[spmem:s15], [sflag:s14] =	dma.local [hbm:s8], $0x1388  }
0x15: {  	[tilespmem:s3], [sflag:$0x4] =	stream.linear.gather [hbm4b:s9+s3], $0x2710, $0x38;
	[tilespmem:$0x1C2E0] =	vst v63  }
0x16: {  	s1 =	simm.s32 $0x2710;
	s30 =	simm.s32 @!p0 $0x1C07  }
0x17: {  	[tilespmem:s1], [sflag:$0x5] =	stream.linear.gather [hbm4b:s10+s3], $0x2710, $0x38;
	[tilespmem:$0x1C2E0] =	vst v63  }
0x18: {  	[spmem:s17], [sflag:s30] =	dma.local @!p0 [hbm:s4], $0x80  }
0x19: {  	s30 =	simm.s32 @!p0 $0x7  }
0x1a: {  	_ =	swait.ge @!p0 [sflag:s30], $0x80  }
0x1b: {  	[sflag:s30] =	ssyncset.done @!p0 $0x0  }
0x1c: {  	[sflag:s30] =	ssyncadd.s32 @!p0 $0xFFFFFF80  }
0x1d: {  	_ =	swait.ge [sflag:s18], $0x1388  }
0x1e: {  	[sflag:s18] =	ssyncset.done $0x0  }
0x1f: {  	[sflag:s18] =	ssyncadd.s32 $0xFFFFEC78  }
0x20: {  	_ =	swait.ge [sflag:s19], $0x1388  }
0x21: {  	[sflag:s19] =	ssyncset.done $0x0  }
0x22: {  	[sflag:s19] =	ssyncadd.s32 $0xFFFFEC78  }
0x23: {  	_ =	swait.ge [sflag:s20], $0x2710  }
0x24: {  	[sflag:s20] =	ssyncset.done $0x0  }
0x25: {  	[sflag:s20] =	ssyncadd.s32 $0xFFFFD8F0  }
0x26: {  	_ =	swait.ge [sflag:s21], $0x2710  }
0x27: {  	[sflag:s21] =	ssyncset.done $0x0  }
0x28: {  	[sflag:s21] =	ssyncadd.s32 $0xFFFFD8F0  }
0x29: {  	[bflag:$0x0] =	sbarrier.arrive $0xFFFF  }
0x2a: {  	[tilespmem:s23], [sflag:$0x1] =	stream.indirect.gather [spmem:s2], $0x40, s3, s22, $0xb8;
	[tilespmem:$0x1C2E0] =	vst v63  }
0x2b: {  	_ = 	snop  }
0x2c: {  	[tilespmem:s24], [sflag:$0x2] =	stream.indirect.gather [spmem:s2], $0x40, s22, s22, $0xb8;
	[tilespmem:$0x1C2E0] =	vst v63  }
0x2d: {  	s1 =	simm.s32 $0xA0  }
0x2e: {  	[tilespmem:s26], [sflag:$0x3] =	stream.indirect.gather [spmem:s2], $0x40, s1, s22, $0xb8;
	[tilespmem:$0x1C2E0] =	vst v63  }
0x2f: {  	_ =	swait.ge [sflag:s18], $0x1400  }
0x30: {  	[sflag:s18] =	ssyncset.done $0x0  }
0x31: {  	s30 =	simm.s32 $0x2710;
	[sflag:s18] =	ssyncadd.s32 $0xFFFFEC00  }
0x32: {  	[spmem:s0] =	stream.indirect.scatter.add.f32 [tilespmem:s23], [sflag:$0x4], $0x40, s30, s22, $0xb8;
	[tilespmem:$0x1C2E0] =	vst v63  }
0x33: {  	_ =	swait.ge [sflag:s19], $0x1400  }
0x34: {  	[sflag:s19] =	ssyncset.done $0x0  }
0x35: {  	s30 =	simm.s32 $0x2760;
	[sflag:s19] =	ssyncadd.s32 $0xFFFFEC00  }
0x36: {  	[spmem:s0] =	stream.indirect.scatter.add.f32 [tilespmem:s24], [sflag:$0x5], $0x40, s30, s22, $0xb8;
	[tilespmem:$0x1C2E0] =	vst v63  }
0x37: {  	_ =	swait.ge [sflag:s28], $0x1400  }
0x38: {  	[sflag:s28] =	ssyncset.done $0x0  }
0x39: {  	s30 =	simm.s32 $0x27B0;
	[sflag:s28] =	ssyncadd.s32 $0xFFFFEC00  }
0x3a: {  	[spmem:s0] =	stream.indirect.scatter.add.f32 [tilespmem:s26], [sflag:$0x6], $0x40, s30, s22, $0xb8;
	[tilespmem:$0x1C2E0] =	vst v63  }
0x3b: {  	_ =	swait.ge [sflag:s20], $0x1400  }
0x3c: {  	[sflag:s20] =	ssyncset.done $0x0  }
0x3d: {  	s30 =	simm.s32 $0xF0;
	[sflag:s20] =	ssyncadd.s32 $0xFFFFEC00  }
0x3e: {  	[tilespmem:s23], [sflag:$0x1] =	stream.indirect.gather [spmem:s2], $0x40, s30, s22, $0xb8;
	[tilespmem:$0x1C2E0] =	vst v63  }
0x3f: {  	_ =	swait.ge [sflag:s21], $0x1400  }
0x40: {  	[sflag:s21] =	ssyncset.done $0x0  }
0x41: {  	s30 =	simm.s32 $0x140;
	[sflag:s21] =	ssyncadd.s32 $0xFFFFEC00  }
0x42: {  	[tilespmem:s24], [sflag:$0x2] =	stream.indirect.gather [spmem:s2], $0x40, s30, s22, $0xb8;
	[tilespmem:$0x1C2E0] =	vst v63  }
0x43: {  	_ =	swait.ge [sflag:s29], $0x1400  }
0x44: {  	[sflag:s29] =	ssyncset.done $0x0  }
0x45: {  	s31 =	simm.s32 $0x190;
	s30 =	simm.s32 $0x3C0;
	[sflag:s29] =	ssyncadd.s32 $0xFFFFEC00  }
.LBB2_2:
0x46: {  	[tilespmem:s26], [sflag:$0x3] =	stream.indirect.gather [spmem:s2], $0x40, s31, s22, $0xb8;
	[tilespmem:$0x1C2E0] =	vst v63  }
0x47: {  	s31 =	smov.u32 s30  }
0x48: {  	p1 =	sne.s32 s30, $0x9240;
	s30 =	sadd.s32 $0x3C0, s30;
	_ =	swait.ge [sflag:s18], $0x1400  }
0x49: {  	s31 =	sshra.s32 s31, $0x2;
	[sflag:s18] =	ssyncset.done $0x0  }
0x4a: {  	s1 =	sadd.s32 $0x2710, s31;
	[sflag:s18] =	ssyncadd.s32 $0xFFFFEC00  }
0x4b: {  	[spmem:s0] =	stream.indirect.scatter.add.f32 [tilespmem:s23], [sflag:$0x4], $0x40, s1, s22, $0xb8;
	[tilespmem:$0x1C2E0] =	vst v63  }
0x4c: {  	_ =	swait.ge [sflag:s19], $0x1400  }
0x4d: {  	[sflag:s19] =	ssyncset.done $0x0  }
0x4e: {  	s1 =	sadd.s32 $0x2760, s31;
	[sflag:s19] =	ssyncadd.s32 $0xFFFFEC00  }
0x4f: {  	[spmem:s0] =	stream.indirect.scatter.add.f32 [tilespmem:s24], [sflag:$0x5], $0x40, s1, s22, $0xb8;
	[tilespmem:$0x1C2E0] =	vst v63  }
0x50: {  	_ =	swait.ge [sflag:s28], $0x1400  }
0x51: {  	[sflag:s28] =	ssyncset.done $0x0  }
0x52: {  	s1 =	sadd.s32 $0x27B0, s31;
	[sflag:s28] =	ssyncadd.s32 $0xFFFFEC00  }
0x53: {  	[spmem:s0] =	stream.indirect.scatter.add.f32 [tilespmem:s26], [sflag:$0x6], $0x40, s1, s22, $0xb8;
	[tilespmem:$0x1C2E0] =	vst v63  }
0x54: {  	_ =	swait.ge [sflag:s20], $0x1400  }
0x55: {  	[sflag:s20] =	ssyncset.done $0x0  }
0x56: {  	s1 =	sadd.s32 $0xF0, s31;
	[sflag:s20] =	ssyncadd.s32 $0xFFFFEC00  }
0x57: {  	[tilespmem:s23], [sflag:$0x1] =	stream.indirect.gather [spmem:s2], $0x40, s1, s22, $0xb8;
	[tilespmem:$0x1C2E0] =	vst v63  }
0x58: {  	_ =	swait.ge [sflag:s21], $0x1400  }
0x59: {  	[sflag:s21] =	ssyncset.done $0x0  }
.Ltmp0:
0x5a: {  	s1 =	sadd.s32 $0x140, s31;
	[sflag:s21] =	ssyncadd.s32 $0xFFFFEC00;
	(pc) =	sbr.rel @p1 .LBB2_2-.Ltmp0, $4  }
0x5b: {  	[tilespmem:s24], [sflag:$0x2] =	stream.indirect.gather [spmem:s2], $0x40, s1, s22, $0xb8;
	[tilespmem:$0x1C2E0] =	vst v63  }
0x5c: {  	_ =	swait.ge [sflag:s29], $0x1400  }
0x5d: {  	[sflag:s29] =	ssyncset.done $0x0  }
0x5e: {  	s31 =	sadd.s32 $0x190, s31;
	[sflag:s29] =	ssyncadd.s32 $0xFFFFEC00  }
0x5f: {  	[tilespmem:s26], [sflag:$0x3] =	stream.indirect.gather [spmem:s2], $0x40, s31, s22, $0xb8;
	[tilespmem:$0x1C2E0] =	vst v63  }
0x60: {  	_ =	swait.ge [sflag:s18], $0x1400  }
0x61: {  	[sflag:s18] =	ssyncset.done $0x0  }
0x62: {  	s1 =	simm.s32 $0x4C90;
	[sflag:s18] =	ssyncadd.s32 $0xFFFFEC00  }
0x63: {  	[spmem:s0] =	stream.indirect.scatter.add.f32 [tilespmem:s23], [sflag:$0x4], $0x40, s1, s22, $0xb8;
	[tilespmem:$0x1C2E0] =	vst v63  }
0x64: {  	_ =	swait.ge [sflag:s19], $0x1400  }
0x65: {  	[sflag:s19] =	ssyncset.done $0x0  }
0x66: {  	s31 =	simm.s32 $0x4CE0;
	[sflag:s19] =	ssyncadd.s32 $0xFFFFEC00  }
0x67: {  	[spmem:s0] =	stream.indirect.scatter.add.f32 [tilespmem:s24], [sflag:$0x5], $0x40, s31, s22, $0xb8;
	[tilespmem:$0x1C2E0] =	vst v63  }
0x68: {  	_ =	swait.ge [sflag:s28], $0x1400  }
0x69: {  	[sflag:s28] =	ssyncset.done $0x0  }
0x6a: {  	s30 =	simm.s32 $0x4D30;
	[sflag:s28] =	ssyncadd.s32 $0xFFFFEC00  }
0x6b: {  	[spmem:s0] =	stream.indirect.scatter.add.f32 [tilespmem:s26], [sflag:$0x6], $0x40, s30, s22, $0xb8;
	[tilespmem:$0x1C2E0] =	vst v63  }
0x6c: {  	_ =	swait.ge [sflag:s20], $0x1400  }
0x6d: {  	[sflag:s20] =	ssyncset.done $0x0  }
0x6e: {  	[sflag:s20] =	ssyncadd.s32 $0xFFFFEC00  }
0x6f: {  	_ =	swait.ge [sflag:s21], $0x1400  }
0x70: {  	[sflag:s21] =	ssyncset.done $0x0  }
0x71: {  	[sflag:s21] =	ssyncadd.s32 $0xFFFFEC00  }
0x72: {  	_ =	swait.ge [sflag:s29], $0x1400  }
0x73: {  	[sflag:s29] =	ssyncset.done $0x0  }
0x74: {  	s31 =	simm.s32 $0x2670;
	[sflag:s29] =	ssyncadd.s32 $0xFFFFEC00  }
0x75: {  	[tilespmem:s23], [sflag:$0x7] =	stream.indirect.gather [spmem:s2], $0x40, s31, s22, $0xb8;
	[tilespmem:$0x1C2E0] =	vst v63  }
0x76: {  	_ =	swait.ge [sflag:s25], $0x1400  }
0x77: {  	[sflag:s25] =	ssyncset.done $0x0  }
0x78: {  	s30 =	simm.s32 $0x4D80;
	[sflag:s25] =	ssyncadd.s32 $0xFFFFEC00  }
0x79: {  	[spmem:s0] =	stream.indirect.scatter.add.f32 [tilespmem:s23], [sflag:$0x7], $0x40, s30, s22, $0xb8;
	[tilespmem:$0x1C2E0] =	vst v63  }
0x7a: {  	_ =	swait.ge [sflag:s25], $0x1400  }
0x7b: {  	[sflag:s25] =	ssyncset.done $0x0  }
0x7c: {  	s31 =	simm.s32 $0x26C0;
	[sflag:s25] =	ssyncadd.s32 $0xFFFFEC00  }
0x7d: {  	[tilespmem:s23], [sflag:$0x7] =	stream.indirect.gather [spmem:s2], $0x40, s31, s22, $0xb8;
	[tilespmem:$0x1C2E0] =	vst v63  }
0x7e: {  	_ =	swait.ge [sflag:s25], $0x1400  }
0x7f: {  	[sflag:s25] =	ssyncset.done $0x0  }
0x80: {  	s30 =	simm.s32 $0x4DD0;
	[sflag:s25] =	ssyncadd.s32 $0xFFFFEC00  }
0x81: {  	[spmem:s0] =	stream.indirect.scatter.add.f32 [tilespmem:s23], [sflag:$0x7], $0x40, s30, s22, $0xb8;
	[tilespmem:$0x1C2E0] =	vst v63  }
0x82: {  	_ =	swait.ge [sflag:s25], $0x1400  }
0x83: {  	s16 =	sadd.s32 $0x1, s16;
	[sflag:s25] =	ssyncset.done $0x0  }
0x84: {  	p1 =	sne.s32 s16, s12;
	[sflag:s25] =	ssyncadd.s32 $0xFFFFEC00  }
.Ltmp1:
0x85: {  	s31 =	sor.u32 $0x1C07, s5;
	[bflag:$0x0] =	sbarrier.arrive $0xFFFF;
	(pc) =	sbr.rel @p1 .LBB2_1-.Ltmp1, $4  }
0x86: {  	[hbm:s11], [sflag:s31] =	dma.local [spmem:s13], $0x1388  }
0x87: {  	_ =	swait.ge [sflag:s25], $0x1388  }
0x88: {  	[sflag:s25] =	ssyncset.done $0x0  }
0x89: {  	[sflag:s25] =	ssyncadd.s32 $0xFFFFEC78  }
0x8a: {  	_ =	sfence.sel $0x180000  }
0x8b: {  	[bflag:$0x0] =	sbarrier.arrive $0xFFFF  }
0x8c: {  	_ =	strace $0x9000004A  }
0x8d: {  	[bflag:$0x2] =	sbarrier.arrive $0xFFFF  }
0x8e: {  	s0 =	rddreg [dreg:$0x3]  }
0x8f: {  	s0 =	sadd.s32 @!p0 $0x100000, s0  }
0x90: {  	[sflag:s0] =	ssyncadd.tile.s32 @!p0 $0x1;
	_ =	shalt  }
.Lfunc_end2:
_tile_overlayer_lowered:
.L_overlay_start_2:
0x91: {  	(tag) =	ssettag $0x2  }
0x92: {  	s0 =	rddreg [dreg:$0x0];
	s2 =	stileid.u32  }
0x93: {  	s1 =	rddreg [dreg:$0x1];
	p0 =	sne.s32 s2, $0x0  }
0x94: {  	s3 =	rddreg [dreg:$0x2];
	[bflag:$0x3] =	sbarrier.arrive $0xFFFF;
	s2 =	simm.s32 @!p0 $0x1C07  }
0x95: {  	[timem:s3], [sflag:s2] =	dma.local @!p0 [hbm:s0], s1  }
0x96: {  	s0 =	simm.s32 @!p0 $0x7  }
0x97: {  	_ =	swait.ge @!p0 [sflag:s0], s1  }
0x98: {  	s1 =	ssub.s32 @!p0 $0x0, s1;
	[sflag:s0] =	ssyncset.done @!p0 $0x0  }
0x99: {  	[sflag:s0] =	ssyncadd.s32 @!p0 s1  }
0x9a: {  	[bflag:$0x3] =	sbarrier.arrive $0xFFFF  }
0x9b: {  	_ =	shalt  }

// kernel: kernel.16.cloned.1.call-start
scs
__scs_entry_jumppad:
0x0: {  	(pc) =	sbr.rel $0x88, $3  }
0x1: {  	(tag) =	ssettag $0x0;
	lr =	simm.s32 $0x1  }
0x2: {  	[smem:$0x3F8C] =	sst lr;
	_ =	strace $0xD0000000  }
0x3: {  	_ = 	snop  }
0x4: {  	_ = 	snop  }
0x5: {  	_ = 	snop  }
0x6: {  	_ = 	snop  }
0x7: {  	_ = 	snop  }
__scs_overlays_trampoline_lowered:
0x8: {  	[smem:$0x3F9B] =	sst s0  }
0x9: {  	[smem:$0x3F9C] =	sst s1  }
0xa: {  	[smem:$0x3F9D] =	sst s2  }
0xb: {  	[smem:$0x3F9E] =	sst s3  }
0xc: {  	[smem:$0x3F9F] =	sst s4  }
0xd: {  	[smem:$0x3FA0] =	sst s5  }
0xe: {  	[smem:$0x3FA1] =	sst s6  }
0xf: {  	[smem:$0x3FA2] =	sst s7  }
0x10: {  	[smem:$0x3FA3] =	sst s8  }
0x11: {  	[smem:$0x3FA4] =	sst s9;
	s0 =	simm.s32 @!p0 $0x0  }
0x12: {  	s1 =	sld [smem:$0x3F8A];
	s0 =	simm.s32 @p0 $0x1  }
0x13: {  	[smem:$0x3FA5] =	sst s0;
	s0 =	simm.s32 @!p1 $0x0  }
0x14: {  	s2 =	sld [smem:$0x3F89];
	s0 =	simm.s32 @p1 $0x1  }
0x15: {  	[smem:$0x3FA6] =	sst s0;
	s0 =	simm.s32 @!p2 $0x0  }
0x16: {  	s3 =	sld [smem:$0x3FDB];
	s0 =	simm.s32 @p2 $0x1  }
0x17: {  	s4 =	simm.s32 $0x1BF5;
	[smem:$0x3FA8] =	sst s0  }
0x18: {  	s0 =	sld [smem:$0x3F8B];
	_ =	swait.ge [sflag:s4], $0x0  }
0x19: {  	s7 =	sld [smem:$0x3F8C]  }
0x1a: {  	s8 =	sadd.s32 $0xFFFFE003, lr  }
0x1b: {  	s9 =	sadd.s32 $0xFFFFFEF7, lr;
	s5 =	simm.s32 $0xFFFFFFFF;
	p2 =	slt.u32 s8, $0xFFFFF086  }
0x1c: {  	p1 =	slt.u32 s9, $0xF7A;
	s5 =	simm.s32 @!p2 $0x0  }
0x1d: {  	s5 =	simm.s32 @p1 $0x1;
	p0 =	seq.s32 s7, s2  }
0x1e: {  	s7 =	smul.u32 @!p0 $0xF7A, s2;
	p2 =	seq.s32 @!p0 s5, $0x0  }
0x1f: {  	s9 =	smul.u32 $0xF7A, s1;
	s8 =	simm.s32 @!p0 $0x1BF5;
	p2 =	por !p2, p0  }
0x20: {  	[sflag:s8] =	ssyncset.s32 @!p0 $0xFFFFF086;
	s6 =	sadd.s32 @!p0 s3, s7;
	s7 =	simm.s32 @!p0 $0x108  }
0x21: {  	s3 =	sadd.s32 s3, s9;
	s6 =	sadd.s32 @!p0 $0x88, s6;
	s7 =	simm.s32 @p2 $0x1082  }
0x22: {  	[simem:s7], [sflag:s8] =	dma.local @!p0 [hbm:s6], $0xF7A  }
0x23: {  	s9 =	sor.u32 $0xD0000000, s2;
	s6 =	simm.s32 $0x108;
	_ =	swait.ge @!p0 [sflag:s8], $0x0  }
0x24: {  	s3 =	sadd.s32 $0x88, s3;
	s6 =	simm.s32 @!p1 $0x1082;
	[sflag:s4] =	ssyncset.s32 $0xFFFFF086  }
0x25: {  	[simem:s6], [sflag:s4] =	dma.local [hbm:s3], $0xF7A  }
0x26: {  	[smem:$0x3F8C] =	sst s1;
	(tag) =	ssettag s2;
	_ =	strace s9  }
0x27: {  	s1 =	sld [smem:$0x3F9C]  }
0x28: {  	s2 =	sld [smem:$0x3F9D]  }
0x29: {  	s4 =	sld [smem:$0x3F9F]  }
0x2a: {  	p0 =	seq.s32 s5, $0x0;
	s5 =	sld [smem:$0x3FA0]  }
0x2b: {  	s6 =	sld [smem:$0x3FA1]  }
0x2c: {  	s7 =	sld [smem:$0x3FA2]  }
0x2d: {  	s3 =	simm.s32 $0x108;
	s8 =	sld [smem:$0x3FA3]  }
0x2e: {  	s3 =	simm.s32 @!p0 $0x1082;
	s9 =	sld [smem:$0x3FA4]  }
0x2f: {  	lr =	sadd.s32 s0, s3;
	s0 =	sld [smem:$0x3F9B]  }
0x30: {  	s3 =	sld [smem:$0x3F9E]  }
0x31: {  	[smem:$0x3FA7] =	sst s10  }
0x32: {  	s10 =	sld [smem:$0x3FA5];
	_ =	sdelay $0x3  }
0x33: {  	p0 =	seq.s32 s10, $0x1;
	s10 =	sld [smem:$0x3FA7];
	_ =	sdelay $0x3  }
0x34: {  	[smem:$0x3FA7] =	sst s10  }
0x35: {  	s10 =	sld [smem:$0x3FA6];
	_ =	sdelay $0x3  }
0x36: {  	p1 =	seq.s32 s10, $0x1;
	s10 =	sld [smem:$0x3FA7];
	_ =	sdelay $0x3  }
0x37: {  	[smem:$0x3FA7] =	sst s10  }
0x38: {  	s10 =	sld [smem:$0x3FA8]  }
0x39: {  	_ = 	snop;
	(pc) =	sbr.ind lr, $3  }
0x3a: {  	_ = 	snop  }
0x3b: {  	_ = 	snop  }
0x3c: {  	p2 =	seq.s32 s10, $0x1;
	s10 =	sld [smem:$0x3FA7]  }
0x3d: {  	_ =	shalt  }
0x3e: {  	_ =	shalt  }
0x3f: {  	_ =	shalt  }
0x40: {  	_ =	shalt  }
0x41: {  	_ =	shalt  }
0x42: {  	_ =	shalt  }
0x43: {  	_ =	shalt  }
0x44: {  	_ =	shalt  }
0x45: {  	_ =	shalt  }
0x46: {  	_ =	shalt  }
0x47: {  	_ =	shalt  }
0x48: {  	_ =	shalt  }
0x49: {  	_ =	shalt  }
0x4a: {  	_ =	shalt  }
0x4b: {  	_ =	shalt  }
0x4c: {  	_ =	shalt  }
0x4d: {  	_ =	shalt  }
0x4e: {  	_ =	shalt  }
0x4f: {  	_ =	shalt  }
0x50: {  	_ =	shalt  }
0x51: {  	_ =	shalt  }
0x52: {  	_ =	shalt  }
0x53: {  	_ =	shalt  }
0x54: {  	_ =	shalt  }
0x55: {  	_ =	shalt  }
0x56: {  	_ =	shalt  }
0x57: {  	_ =	shalt  }
0x58: {  	_ =	shalt  }
0x59: {  	_ =	shalt  }
0x5a: {  	_ =	shalt  }
0x5b: {  	_ =	shalt  }
0x5c: {  	_ =	shalt  }
0x5d: {  	_ =	shalt  }
0x5e: {  	_ =	shalt  }
0x5f: {  	_ =	shalt  }
0x60: {  	_ =	shalt  }
0x61: {  	_ =	shalt  }
0x62: {  	_ =	shalt  }
0x63: {  	_ =	shalt  }
0x64: {  	_ =	shalt  }
0x65: {  	_ =	shalt  }
0x66: {  	_ =	shalt  }
0x67: {  	_ =	shalt  }
0x68: {  	_ =	shalt  }
0x69: {  	_ =	shalt  }
0x6a: {  	_ =	shalt  }
0x6b: {  	_ =	shalt  }
0x6c: {  	_ =	shalt  }
0x6d: {  	_ =	shalt  }
0x6e: {  	_ =	shalt  }
0x6f: {  	_ =	shalt  }
0x70: {  	_ =	shalt  }
0x71: {  	_ =	shalt  }
0x72: {  	_ =	shalt  }
0x73: {  	_ =	shalt  }
0x74: {  	_ =	shalt  }
0x75: {  	_ =	shalt  }
0x76: {  	_ =	shalt  }
0x77: {  	_ =	shalt  }
0x78: {  	_ =	shalt  }
0x79: {  	_ =	shalt  }
0x7a: {  	_ =	shalt  }
0x7b: {  	_ =	shalt  }
0x7c: {  	_ =	shalt  }
0x7d: {  	_ =	shalt  }
0x7e: {  	_ =	shalt  }
0x7f: {  	_ =	shalt  }
0x80: {  	_ =	shalt  }
0x81: {  	_ =	shalt  }
0x82: {  	_ =	shalt  }
0x83: {  	_ =	shalt  }
0x84: {  	_ =	shalt  }
0x85: {  	_ =	shalt  }
0x86: {  	_ =	shalt  }
0x87: {  	_ =	shalt  }
.Lfunc_end0:
.L_simem_size_0:
called_computation.2_lowered:
.L_overlay_start_0:
0x88: {  	s2 =	sld [smem:$0x3FD9]  }
0x89: {  	s3 =	sld [smem:$0x3FFE];
	_ =	sdelay $0x1  }
0x8a: {  	s1 =	srdreg.scid  }
0x8b: {  	s0 =	sand.u32 $0x1, s1  }
0x8c: {  	s16 =	sshll.u32 s0, $0xA;
	s2 =	sadd.s32 s3, s2  }
0x8d: {  	s2 =	sadd.s32 s2, s16  }
0x8e: {  	[smem:$0x3FB3] =	sst s2  }
0x8f: {  	_ = 	snop  }
0x90: {  	(tm) =	ssettm $0x1  }
0x91: {  	s17 =	sld [smem:$0x3FFB];
	_ =	sdelay $0x3  }
0x92: {  	_ =	strace s17  }
0x93: {  	s2 =	sld [smem:$0x3FFC];
	_ =	sdelay $0x3  }
0x94: {  	_ =	strace s2  }
0x95: {  	s2 =	sld [smem:$0x3FFD];
	_ =	sdelay $0x3  }
0x96: {  	_ =	strace s2  }
0x97: {  	_ =	strace $0x8FFFFFFF  }
0x98: {  	s18 =	sld [smem:$0x3FDB];
	_ =	sdelay $0x1  }
0x99: {  	s19 =	simm.s32 $_scs_section_size  }
0x9a: {  	s4 =	simm.s32 $_size__tile_overlayer_lowered;
	s5 =	simm.s32 $_tile_overlayer_lowered  }
0x9b: {  	s22 =	simm.s32 $0x1BFF;
	s21 =	sshll.u32 s5, $0x1;
	s2 =	sadd.s32 s19, s18  }
0x9c: {  	s6 =	simm.s32 $0x0;
	s20 =	sshll.u32 s4, $0x1;
	s4 =	sadd.s32 s21, s2  }
0x9d: {  	[timem:s6], [sflag:s22] =	dma.local [hbm:s4], s20  }
0x9e: {  	_ =	swait.ge [sflag:s22], s20  }
0x9f: {  	s3 =	ssub.s32 $0x0, s20;
	[sflag:s22] =	ssyncset.done $0x0  }
0xa0: {  	[sflag:s22] =	ssyncadd.s32 s3;
	_ =	sdelay $0x1  }
0xa1: {  	s23 =	simm.s32 $0x1B8B  }
0xa2: {  	_ =	swait.ge [sflag:s23], $0x1  }
0xa3: {  	[sflag:s23] =	ssyncset.done $0x0  }
0xa4: {  	s25 =	simm.s32 $0x1B8E;
	s24 =	sld [smem:$0x3FFE];
	[sflag:s23] =	ssyncadd.s32 $0xFFFFFFFF  }
0xa5: {  	s26 =	simm.s32 $execute0_lowered;
	[smem:$0x3FD2] =	sst s25  }
0xa6: {  	s4 =	sshll.u32 s26, $0x1;
	_ =	strace $0x8000004C;
	[dreg:$0x1] =	wrdreg $0xFFFFFFFF  }
0xa7: {  	s28 =	simm.s32 $_size_execute0_lowered;
	s2 =	sadd.s32 s2, s4;
	[dreg:$0x0] =	wrdreg $0x0  }
0xa8: {  	s4 =	sshll.u32 s28, $0x1;
	[dreg:$0x2] =	wrdreg s2  }
0xa9: {  	[dreg:$0x3] =	wrdreg s4  }
0xaa: {  	[dreg:$0x4] =	wrdreg $0xC0  }
0xab: {  	_ =	task [dreg:s6], $0x5FFFF  }
0xac: {  	[dreg:$0x1] =	wrdreg $0xFFFFFFFF  }
0xad: {  	[dreg:$0x0] =	wrdreg $0x60  }
0xae: {  	[dreg:$0x2] =	wrdreg s24  }
0xaf: {  	[dreg:$0x3] =	wrdreg $0x8A200  }
0xb0: {  	[dreg:$0x4] =	wrdreg $0x126A00  }
0xb1: {  	[dreg:$0x5] =	wrdreg $0x9  }
0xb2: {  	_ =	task.clear_ibuf [dreg:s6], $0x6FFFF;
	_ =	strace $0x9000004C  }
0xb3: {  	s29 =	simm.s32 $0x9;
	_ =	strace $0x8000004E  }
0xb4: {  	_ =	swait.ge [sflag:s29], $0x1  }
0xb5: {  	[sflag:s29] =	ssyncadd.s32 $0xFFFFFFFF  }
0xb6: {  	_ =	strace $0x9000004E  }
0xb7: {  	_ =	sfence  }
0xb8: {  	s30 =	sld [smem:$0x0];
	_ =	sdelay $0x2  }
0xb9: {  	s31 =	sshll.u32 s1, $0xD;
	s1 =	sshrl.u32 s1, $0x2  }
0xba: {  	s3 =	sand.u32 $0x4000, s31;
	s1 =	sadd.s32 s1, s30  }
0xbb: {  	s0 =	sor.u32 s3, s0;
	s1 =	sshll.u32 s1, $0x11  }
0xbc: {  	s0 =	sor.u32 s1, s0  }
0xbd: {  	s0 =	sadd.s32 $0x8F2B, s0  }
0xbe: {  	[sflag:s0] =	ssyncadd.remote.s32 $0x1  }
0xbf: {  	_ =	sfence.sel $0xFFFF  }
0xc0: {  	[dreg:$0x0] =	wrdreg $0xFFFFFFFF;
	(pc) =	sbr.abs _section_cstart, $3  }
0xc1: {  	[dreg:$0x1] =	wrdreg $0xFFFFFFFF  }
0xc2: {  	_ =	task.clear_ibuf [dreg:s6], $0x2FFFF;
	_ =	strace $0x9FFFFFFF  }
0xc3: {  	(tm) =	ssettm $0x7FFFFFFF  }
tec
execute0_lowered:
.L_overlay_start_1:
0x0: {  	(tag) =	ssettag $0x1  }
0x1: {  	s0 =	srdreg.scid;
	s1 =	rddreg [dreg:$0x0]  }
0x2: {  	s13 =	stileid.u32;
	s2 =	rddreg [dreg:$0x2]  }
0x3: {  	s18 =	simm.s32 $0x1;
	s19 =	simm.s32 $0x2;
	s20 =	simm.s32 $0x4  }
0x4: {  	s21 =	simm.s32 $0x5;
	s22 =	simm.s32 $0x50;
	s23 =	simm.s32 $0x4E20  }
0x5: {  	s24 =	simm.s32 $0x6220;
	s26 =	simm.s32 $0x7620;
	s28 =	simm.s32 $0x3  }
0x6: {  	s29 =	simm.s32 $0x6;
	s25 =	simm.s32 $0x7;
	s4 =	sand.u32 $0x1, s0  }
0x7: {  	s0 =	rddreg [dreg:$0x1];
	s8 =	smul.u32 $0x9C40, s13;
	p0 =	sne.s32 s13, $0x0  }
0x8: {  	s3 =	sshll.u32 s4, $0x4;
	s7 =	smul.u32 $0x9C400, s4;
	s31 =	ssub.s32 $0x2, s4  }
0x9: {  	s4 =	sadd.s32 $0x2AE00, s1;
	s16 =	sadd.s32 $0x9C400, s0;
	s5 =	sor.u32 s13, s3  }
0xa: {  	s3 =	simm.s32 $0x0;
	s6 =	sshrl.u32 s8, $0x3;
	s11 =	sshrl.u32 s31, $0x1  }
0xb: {  	s14 =	sadd.s32 s8, s0;
	s15 =	sadd.s32 s8, s2;
	s17 =	sshrl.u32 @!p0 s16, $0x3  }
0xc: {  	s16 =	simm.s32 $0x0;
	s5 =	smul.u32 $0x4E2, s5;
	[smem:$0x7FF] =	sst s3  }
0xd: {  	s9 =	sadd.s32 s6, s1;
	s30 =	sadd.s32 s8, s7;
	s12 =	ssub.s32 s31, s11  }
0xe: {  	s6 =	sadd.s32 s4, s6;
	s15 =	sshrl.u32 s15, $0x3;
	_ =	strace $0x8000004D  }
0xf: {  	s8 =	sadd.s32 $0x17400, s9;
	s10 =	sadd.s32 s5, s1;
	s5 =	sshrl.u32 s30, $0x3  }
0x10: {  	s12 =	smax.u32 s12, $0x1;
	s1 =	sadd.s32 s5, s1;
	s5 =	sshll.u32 s13, $0x6  }
0x11: {  	s9 =	sadd.s32 $0x3800, s10;
	s10 =	sadd.s32 $0xD600, s10;
	s13 =	sshrl.u32 s14, $0x3  }
0x12: {  	s7 =	sor.u32 $0x1C01, s5;
	s11 =	sadd.s32 $0x3E800, s1;
	s14 =	sor.u32 $0x1C02, s5  }
.LBB2_1:
0x13: {  	[spmem:s13], [sflag:s7] =	dma.local [hbm:s6], $0x1388  }
0x14: {  	[spmem:s15], [sflag:s14] =	dma.local [hbm:s8], $0x1388  }
0x15: {  	[tilespmem:s3], [sflag:$0x4] =	stream.linear.gather [hbm4b:s9+s3], $0x2710, $0x38;
	[tilespmem:$0x1C2E0] =	vst v63  }
0x16: {  	s1 =	simm.s32 $0x2710;
	s30 =	simm.s32 @!p0 $0x1C07  }
0x17: {  	[tilespmem:s1], [sflag:$0x5] =	stream.linear.gather [hbm4b:s10+s3], $0x2710, $0x38;
	[tilespmem:$0x1C2E0] =	vst v63  }
0x18: {  	[spmem:s17], [sflag:s30] =	dma.local @!p0 [hbm:s4], $0x80  }
0x19: {  	s30 =	simm.s32 @!p0 $0x7  }
0x1a: {  	_ =	swait.ge @!p0 [sflag:s30], $0x80  }
0x1b: {  	[sflag:s30] =	ssyncset.done @!p0 $0x0  }
0x1c: {  	[sflag:s30] =	ssyncadd.s32 @!p0 $0xFFFFFF80  }
0x1d: {  	_ =	swait.ge [sflag:s18], $0x1388  }
0x1e: {  	[sflag:s18] =	ssyncset.done $0x0  }
0x1f: {  	[sflag:s18] =	ssyncadd.s32 $0xFFFFEC78  }
0x20: {  	_ =	swait.ge [sflag:s19], $0x1388  }
0x21: {  	[sflag:s19] =	ssyncset.done $0x0  }
0x22: {  	[sflag:s19] =	ssyncadd.s32 $0xFFFFEC78  }
0x23: {  	_ =	swait.ge [sflag:s20], $0x2710  }
0x24: {  	[sflag:s20] =	ssyncset.done $0x0  }
0x25: {  	[sflag:s20] =	ssyncadd.s32 $0xFFFFD8F0  }
0x26: {  	_ =	swait.ge [sflag:s21], $0x2710  }
0x27: {  	[sflag:s21] =	ssyncset.done $0x0  }
0x28: {  	[sflag:s21] =	ssyncadd.s32 $0xFFFFD8F0  }
0x29: {  	[bflag:$0x0] =	sbarrier.arrive $0xFFFF  }
0x2a: {  	[tilespmem:s23], [sflag:$0x1] =	stream.indirect.gather [spmem:s2], $0x40, s3, s22, $0xb8;
	[tilespmem:$0x1C2E0] =	vst v63  }
0x2b: {  	_ = 	snop  }
0x2c: {  	[tilespmem:s24], [sflag:$0x2] =	stream.indirect.gather [spmem:s2], $0x40, s22, s22, $0xb8;
	[tilespmem:$0x1C2E0] =	vst v63  }
0x2d: {  	s1 =	simm.s32 $0xA0  }
0x2e: {  	[tilespmem:s26], [sflag:$0x3] =	stream.indirect.gather [spmem:s2], $0x40, s1, s22, $0xb8;
	[tilespmem:$0x1C2E0] =	vst v63  }
0x2f: {  	_ =	swait.ge [sflag:s18], $0x1400  }
0x30: {  	[sflag:s18] =	ssyncset.done $0x0  }
0x31: {  	s30 =	simm.s32 $0x2710;
	[sflag:s18] =	ssyncadd.s32 $0xFFFFEC00  }
0x32: {  	[spmem:s0] =	stream.indirect.scatter.add.f32 [tilespmem:s23], [sflag:$0x4], $0x40, s30, s22, $0xb8;
	[tilespmem:$0x1C2E0] =	vst v63  }
0x33: {  	_ =	swait.ge [sflag:s19], $0x1400  }
0x34: {  	[sflag:s19] =	ssyncset.done $0x0  }
0x35: {  	s30 =	simm.s32 $0x2760;
	[sflag:s19] =	ssyncadd.s32 $0xFFFFEC00  }
0x36: {  	[spmem:s0] =	stream.indirect.scatter.add.f32 [tilespmem:s24], [sflag:$0x5], $0x40, s30, s22, $0xb8;
	[tilespmem:$0x1C2E0] =	vst v63  }
0x37: {  	_ =	swait.ge [sflag:s28], $0x1400  }
0x38: {  	[sflag:s28] =	ssyncset.done $0x0  }
0x39: {  	s30 =	simm.s32 $0x27B0;
	[sflag:s28] =	ssyncadd.s32 $0xFFFFEC00  }
0x3a: {  	[spmem:s0] =	stream.indirect.scatter.add.f32 [tilespmem:s26], [sflag:$0x6], $0x40, s30, s22, $0xb8;
	[tilespmem:$0x1C2E0] =	vst v63  }
0x3b: {  	_ =	swait.ge [sflag:s20], $0x1400  }
0x3c: {  	[sflag:s20] =	ssyncset.done $0x0  }
0x3d: {  	s30 =	simm.s32 $0xF0;
	[sflag:s20] =	ssyncadd.s32 $0xFFFFEC00  }
0x3e: {  	[tilespmem:s23], [sflag:$0x1] =	stream.indirect.gather [spmem:s2], $0x40, s30, s22, $0xb8;
	[tilespmem:$0x1C2E0] =	vst v63  }
0x3f: {  	_ =	swait.ge [sflag:s21], $0x1400  }
0x40: {  	[sflag:s21] =	ssyncset.done $0x0  }
0x41: {  	s30 =	simm.s32 $0x140;
	[sflag:s21] =	ssyncadd.s32 $0xFFFFEC00  }
0x42: {  	[tilespmem:s24], [sflag:$0x2] =	stream.indirect.gather [spmem:s2], $0x40, s30, s22, $0xb8;
	[tilespmem:$0x1C2E0] =	vst v63  }
0x43: {  	_ =	swait.ge [sflag:s29], $0x1400  }
0x44: {  	[sflag:s29] =	ssyncset.done $0x0  }
0x45: {  	s31 =	simm.s32 $0x190;
	s30 =	simm.s32 $0x3C0;
	[sflag:s29] =	ssyncadd.s32 $0xFFFFEC00  }
.LBB2_2:
0x46: {  	[tilespmem:s26], [sflag:$0x3] =	stream.indirect.gather [spmem:s2], $0x40, s31, s22, $0xb8;
	[tilespmem:$0x1C2E0] =	vst v63  }
0x47: {  	s31 =	smov.u32 s30  }
0x48: {  	p1 =	sne.s32 s30, $0x9240;
	s30 =	sadd.s32 $0x3C0, s30;
	_ =	swait.ge [sflag:s18], $0x1400  }
0x49: {  	s31 =	sshra.s32 s31, $0x2;
	[sflag:s18] =	ssyncset.done $0x0  }
0x4a: {  	s1 =	sadd.s32 $0x2710, s31;
	[sflag:s18] =	ssyncadd.s32 $0xFFFFEC00  }
0x4b: {  	[spmem:s0] =	stream.indirect.scatter.add.f32 [tilespmem:s23], [sflag:$0x4], $0x40, s1, s22, $0xb8;
	[tilespmem:$0x1C2E0] =	vst v63  }
0x4c: {  	_ =	swait.ge [sflag:s19], $0x1400  }
0x4d: {  	[sflag:s19] =	ssyncset.done $0x0  }
0x4e: {  	s1 =	sadd.s32 $0x2760, s31;
	[sflag:s19] =	ssyncadd.s32 $0xFFFFEC00  }
0x4f: {  	[spmem:s0] =	stream.indirect.scatter.add.f32 [tilespmem:s24], [sflag:$0x5], $0x40, s1, s22, $0xb8;
	[tilespmem:$0x1C2E0] =	vst v63  }
0x50: {  	_ =	swait.ge [sflag:s28], $0x1400  }
0x51: {  	[sflag:s28] =	ssyncset.done $0x0  }
0x52: {  	s1 =	sadd.s32 $0x27B0, s31;
	[sflag:s28] =	ssyncadd.s32 $0xFFFFEC00  }
0x53: {  	[spmem:s0] =	stream.indirect.scatter.add.f32 [tilespmem:s26], [sflag:$0x6], $0x40, s1, s22, $0xb8;
	[tilespmem:$0x1C2E0] =	vst v63  }
0x54: {  	_ =	swait.ge [sflag:s20], $0x1400  }
0x55: {  	[sflag:s20] =	ssyncset.done $0x0  }
0x56: {  	s1 =	sadd.s32 $0xF0, s31;
	[sflag:s20] =	ssyncadd.s32 $0xFFFFEC00  }
0x57: {  	[tilespmem:s23], [sflag:$0x1] =	stream.indirect.gather [spmem:s2], $0x40, s1, s22, $0xb8;
	[tilespmem:$0x1C2E0] =	vst v63  }
0x58: {  	_ =	swait.ge [sflag:s21], $0x1400  }
0x59: {  	[sflag:s21] =	ssyncset.done $0x0  }
.Ltmp0:
0x5a: {  	s1 =	sadd.s32 $0x140, s31;
	[sflag:s21] =	ssyncadd.s32 $0xFFFFEC00;
	(pc) =	sbr.rel @p1 .LBB2_2-.Ltmp0, $4  }
0x5b: {  	[tilespmem:s24], [sflag:$0x2] =	stream.indirect.gather [spmem:s2], $0x40, s1, s22, $0xb8;
	[tilespmem:$0x1C2E0] =	vst v63  }
0x5c: {  	_ =	swait.ge [sflag:s29], $0x1400  }
0x5d: {  	[sflag:s29] =	ssyncset.done $0x0  }
0x5e: {  	s31 =	sadd.s32 $0x190, s31;
	[sflag:s29] =	ssyncadd.s32 $0xFFFFEC00  }
0x5f: {  	[tilespmem:s26], [sflag:$0x3] =	stream.indirect.gather [spmem:s2], $0x40, s31, s22, $0xb8;
	[tilespmem:$0x1C2E0] =	vst v63  }
0x60: {  	_ =	swait.ge [sflag:s18], $0x1400  }
0x61: {  	[sflag:s18] =	ssyncset.done $0x0  }
0x62: {  	s1 =	simm.s32 $0x4C90;
	[sflag:s18] =	ssyncadd.s32 $0xFFFFEC00  }
0x63: {  	[spmem:s0] =	stream.indirect.scatter.add.f32 [tilespmem:s23], [sflag:$0x4], $0x40, s1, s22, $0xb8;
	[tilespmem:$0x1C2E0] =	vst v63  }
0x64: {  	_ =	swait.ge [sflag:s19], $0x1400  }
0x65: {  	[sflag:s19] =	ssyncset.done $0x0  }
0x66: {  	s31 =	simm.s32 $0x4CE0;
	[sflag:s19] =	ssyncadd.s32 $0xFFFFEC00  }
0x67: {  	[spmem:s0] =	stream.indirect.scatter.add.f32 [tilespmem:s24], [sflag:$0x5], $0x40, s31, s22, $0xb8;
	[tilespmem:$0x1C2E0] =	vst v63  }
0x68: {  	_ =	swait.ge [sflag:s28], $0x1400  }
0x69: {  	[sflag:s28] =	ssyncset.done $0x0  }
0x6a: {  	s30 =	simm.s32 $0x4D30;
	[sflag:s28] =	ssyncadd.s32 $0xFFFFEC00  }
0x6b: {  	[spmem:s0] =	stream.indirect.scatter.add.f32 [tilespmem:s26], [sflag:$0x6], $0x40, s30, s22, $0xb8;
	[tilespmem:$0x1C2E0] =	vst v63  }
0x6c: {  	_ =	swait.ge [sflag:s20], $0x1400  }
0x6d: {  	[sflag:s20] =	ssyncset.done $0x0  }
0x6e: {  	[sflag:s20] =	ssyncadd.s32 $0xFFFFEC00  }
0x6f: {  	_ =	swait.ge [sflag:s21], $0x1400  }
0x70: {  	[sflag:s21] =	ssyncset.done $0x0  }
0x71: {  	[sflag:s21] =	ssyncadd.s32 $0xFFFFEC00  }
0x72: {  	_ =	swait.ge [sflag:s29], $0x1400  }
0x73: {  	[sflag:s29] =	ssyncset.done $0x0  }
0x74: {  	s31 =	simm.s32 $0x2670;
	[sflag:s29] =	ssyncadd.s32 $0xFFFFEC00  }
0x75: {  	[tilespmem:s23], [sflag:$0x7] =	stream.indirect.gather [spmem:s2], $0x40, s31, s22, $0xb8;
	[tilespmem:$0x1C2E0] =	vst v63  }
0x76: {  	_ =	swait.ge [sflag:s25], $0x1400  }
0x77: {  	[sflag:s25] =	ssyncset.done $0x0  }
0x78: {  	s30 =	simm.s32 $0x4D80;
	[sflag:s25] =	ssyncadd.s32 $0xFFFFEC00  }
0x79: {  	[spmem:s0] =	stream.indirect.scatter.add.f32 [tilespmem:s23], [sflag:$0x7], $0x40, s30, s22, $0xb8;
	[tilespmem:$0x1C2E0] =	vst v63  }
0x7a: {  	_ =	swait.ge [sflag:s25], $0x1400  }
0x7b: {  	[sflag:s25] =	ssyncset.done $0x0  }
0x7c: {  	s31 =	simm.s32 $0x26C0;
	[sflag:s25] =	ssyncadd.s32 $0xFFFFEC00  }
0x7d: {  	[tilespmem:s23], [sflag:$0x7] =	stream.indirect.gather [spmem:s2], $0x40, s31, s22, $0xb8;
	[tilespmem:$0x1C2E0] =	vst v63  }
0x7e: {  	_ =	swait.ge [sflag:s25], $0x1400  }
0x7f: {  	[sflag:s25] =	ssyncset.done $0x0  }
0x80: {  	s30 =	simm.s32 $0x4DD0;
	[sflag:s25] =	ssyncadd.s32 $0xFFFFEC00  }
0x81: {  	[spmem:s0] =	stream.indirect.scatter.add.f32 [tilespmem:s23], [sflag:$0x7], $0x40, s30, s22, $0xb8;
	[tilespmem:$0x1C2E0] =	vst v63  }
0x82: {  	_ =	swait.ge [sflag:s25], $0x1400  }
0x83: {  	s16 =	sadd.s32 $0x1, s16;
	[sflag:s25] =	ssyncset.done $0x0  }
0x84: {  	p1 =	sne.s32 s16, s12;
	[sflag:s25] =	ssyncadd.s32 $0xFFFFEC00  }
.Ltmp1:
0x85: {  	s31 =	sor.u32 $0x1C07, s5;
	[bflag:$0x0] =	sbarrier.arrive $0xFFFF;
	(pc) =	sbr.rel @p1 .LBB2_1-.Ltmp1, $4  }
0x86: {  	[hbm:s11], [sflag:s31] =	dma.local [spmem:s13], $0x1388  }
0x87: {  	_ =	swait.ge [sflag:s25], $0x1388  }
0x88: {  	[sflag:s25] =	ssyncset.done $0x0  }
0x89: {  	[sflag:s25] =	ssyncadd.s32 $0xFFFFEC78  }
0x8a: {  	_ =	sfence.sel $0x180000  }
0x8b: {  	[bflag:$0x0] =	sbarrier.arrive $0xFFFF  }
0x8c: {  	_ =	strace $0x9000004D  }
0x8d: {  	[bflag:$0x2] =	sbarrier.arrive $0xFFFF  }
0x8e: {  	s0 =	rddreg [dreg:$0x3]  }
0x8f: {  	s0 =	sadd.s32 @!p0 $0x100000, s0  }
0x90: {  	[sflag:s0] =	ssyncadd.tile.s32 @!p0 $0x1;
	_ =	shalt  }
.Lfunc_end2:
_tile_overlayer_lowered:
.L_overlay_start_2:
0x91: {  	(tag) =	ssettag $0x2  }
0x92: {  	s0 =	rddreg [dreg:$0x0];
	s2 =	stileid.u32  }
0x93: {  	s1 =	rddreg [dreg:$0x1];
	p0 =	sne.s32 s2, $0x0  }
0x94: {  	s3 =	rddreg [dreg:$0x2];
	[bflag:$0x3] =	sbarrier.arrive $0xFFFF;
	s2 =	simm.s32 @!p0 $0x1C07  }
0x95: {  	[timem:s3], [sflag:s2] =	dma.local @!p0 [hbm:s0], s1  }
0x96: {  	s0 =	simm.s32 @!p0 $0x7  }
0x97: {  	_ =	swait.ge @!p0 [sflag:s0], s1  }
0x98: {  	s1 =	ssub.s32 @!p0 $0x0, s1;
	[sflag:s0] =	ssyncset.done @!p0 $0x0  }
0x99: {  	[sflag:s0] =	ssyncadd.s32 @!p0 s1  }
0x9a: {  	[bflag:$0x3] =	sbarrier.arrive $0xFFFF  }
0x9b: {  	_ =	shalt  }

// kernel: kernel.19.cloned.1.call-start
scs
__scs_entry_jumppad:
0x0: {  	(pc) =	sbr.rel $0x88, $3  }
0x1: {  	(tag) =	ssettag $0x0;
	lr =	simm.s32 $0x1  }
0x2: {  	[smem:$0x3F8C] =	sst lr;
	_ =	strace $0xD0000000  }
0x3: {  	_ = 	snop  }
0x4: {  	_ = 	snop  }
0x5: {  	_ = 	snop  }
0x6: {  	_ = 	snop  }
0x7: {  	_ = 	snop  }
__scs_overlays_trampoline_lowered:
0x8: {  	[smem:$0x3F9B] =	sst s0  }
0x9: {  	[smem:$0x3F9C] =	sst s1  }
0xa: {  	[smem:$0x3F9D] =	sst s2  }
0xb: {  	[smem:$0x3F9E] =	sst s3  }
0xc: {  	[smem:$0x3F9F] =	sst s4  }
0xd: {  	[smem:$0x3FA0] =	sst s5  }
0xe: {  	[smem:$0x3FA1] =	sst s6  }
0xf: {  	[smem:$0x3FA2] =	sst s7  }
0x10: {  	[smem:$0x3FA3] =	sst s8  }
0x11: {  	[smem:$0x3FA4] =	sst s9;
	s0 =	simm.s32 @!p0 $0x0  }
0x12: {  	s1 =	sld [smem:$0x3F8A];
	s0 =	simm.s32 @p0 $0x1  }
0x13: {  	[smem:$0x3FA5] =	sst s0;
	s0 =	simm.s32 @!p1 $0x0  }
0x14: {  	s2 =	sld [smem:$0x3F89];
	s0 =	simm.s32 @p1 $0x1  }
0x15: {  	[smem:$0x3FA6] =	sst s0;
	s0 =	simm.s32 @!p2 $0x0  }
0x16: {  	s3 =	sld [smem:$0x3FDB];
	s0 =	simm.s32 @p2 $0x1  }
0x17: {  	s4 =	simm.s32 $0x1BF5;
	[smem:$0x3FA8] =	sst s0  }
0x18: {  	s0 =	sld [smem:$0x3F8B];
	_ =	swait.ge [sflag:s4], $0x0  }
0x19: {  	s7 =	sld [smem:$0x3F8C]  }
0x1a: {  	s8 =	sadd.s32 $0xFFFFE003, lr  }
0x1b: {  	s9 =	sadd.s32 $0xFFFFFEF7, lr;
	s5 =	simm.s32 $0xFFFFFFFF;
	p2 =	slt.u32 s8, $0xFFFFF086  }
0x1c: {  	p1 =	slt.u32 s9, $0xF7A;
	s5 =	simm.s32 @!p2 $0x0  }
0x1d: {  	s5 =	simm.s32 @p1 $0x1;
	p0 =	seq.s32 s7, s2  }
0x1e: {  	s7 =	smul.u32 @!p0 $0xF7A, s2;
	p2 =	seq.s32 @!p0 s5, $0x0  }
0x1f: {  	s9 =	smul.u32 $0xF7A, s1;
	s8 =	simm.s32 @!p0 $0x1BF5;
	p2 =	por !p2, p0  }
0x20: {  	[sflag:s8] =	ssyncset.s32 @!p0 $0xFFFFF086;
	s6 =	sadd.s32 @!p0 s3, s7;
	s7 =	simm.s32 @!p0 $0x108  }
0x21: {  	s3 =	sadd.s32 s3, s9;
	s6 =	sadd.s32 @!p0 $0x88, s6;
	s7 =	simm.s32 @p2 $0x1082  }
0x22: {  	[simem:s7], [sflag:s8] =	dma.local @!p0 [hbm:s6], $0xF7A  }
0x23: {  	s9 =	sor.u32 $0xD0000000, s2;
	s6 =	simm.s32 $0x108;
	_ =	swait.ge @!p0 [sflag:s8], $0x0  }
0x24: {  	s3 =	sadd.s32 $0x88, s3;
	s6 =	simm.s32 @!p1 $0x1082;
	[sflag:s4] =	ssyncset.s32 $0xFFFFF086  }
0x25: {  	[simem:s6], [sflag:s4] =	dma.local [hbm:s3], $0xF7A  }
0x26: {  	[smem:$0x3F8C] =	sst s1;
	(tag) =	ssettag s2;
	_ =	strace s9  }
0x27: {  	s1 =	sld [smem:$0x3F9C]  }
0x28: {  	s2 =	sld [smem:$0x3F9D]  }
0x29: {  	s4 =	sld [smem:$0x3F9F]  }
0x2a: {  	p0 =	seq.s32 s5, $0x0;
	s5 =	sld [smem:$0x3FA0]  }
0x2b: {  	s6 =	sld [smem:$0x3FA1]  }
0x2c: {  	s7 =	sld [smem:$0x3FA2]  }
0x2d: {  	s3 =	simm.s32 $0x108;
	s8 =	sld [smem:$0x3FA3]  }
0x2e: {  	s3 =	simm.s32 @!p0 $0x1082;
	s9 =	sld [smem:$0x3FA4]  }
0x2f: {  	lr =	sadd.s32 s0, s3;
	s0 =	sld [smem:$0x3F9B]  }
0x30: {  	s3 =	sld [smem:$0x3F9E]  }
0x31: {  	[smem:$0x3FA7] =	sst s10  }
0x32: {  	s10 =	sld [smem:$0x3FA5];
	_ =	sdelay $0x3  }
0x33: {  	p0 =	seq.s32 s10, $0x1;
	s10 =	sld [smem:$0x3FA7];
	_ =	sdelay $0x3  }
0x34: {  	[smem:$0x3FA7] =	sst s10  }
0x35: {  	s10 =	sld [smem:$0x3FA6];
	_ =	sdelay $0x3  }
0x36: {  	p1 =	seq.s32 s10, $0x1;
	s10 =	sld [smem:$0x3FA7];
	_ =	sdelay $0x3  }
0x37: {  	[smem:$0x3FA7] =	sst s10  }
0x38: {  	s10 =	sld [smem:$0x3FA8]  }
0x39: {  	_ = 	snop;
	(pc) =	sbr.ind lr, $3  }
0x3a: {  	_ = 	snop  }
0x3b: {  	_ = 	snop  }
0x3c: {  	p2 =	seq.s32 s10, $0x1;
	s10 =	sld [smem:$0x3FA7]  }
0x3d: {  	_ =	shalt  }
0x3e: {  	_ =	shalt  }
0x3f: {  	_ =	shalt  }
0x40: {  	_ =	shalt  }
0x41: {  	_ =	shalt  }
0x42: {  	_ =	shalt  }
0x43: {  	_ =	shalt  }
0x44: {  	_ =	shalt  }
0x45: {  	_ =	shalt  }
0x46: {  	_ =	shalt  }
0x47: {  	_ =	shalt  }
0x48: {  	_ =	shalt  }
0x49: {  	_ =	shalt  }
0x4a: {  	_ =	shalt  }
0x4b: {  	_ =	shalt  }
0x4c: {  	_ =	shalt  }
0x4d: {  	_ =	shalt  }
0x4e: {  	_ =	shalt  }
0x4f: {  	_ =	shalt  }
0x50: {  	_ =	shalt  }
0x51: {  	_ =	shalt  }
0x52: {  	_ =	shalt  }
0x53: {  	_ =	shalt  }
0x54: {  	_ =	shalt  }
0x55: {  	_ =	shalt  }
0x56: {  	_ =	shalt  }
0x57: {  	_ =	shalt  }
0x58: {  	_ =	shalt  }
0x59: {  	_ =	shalt  }
0x5a: {  	_ =	shalt  }
0x5b: {  	_ =	shalt  }
0x5c: {  	_ =	shalt  }
0x5d: {  	_ =	shalt  }
0x5e: {  	_ =	shalt  }
0x5f: {  	_ =	shalt  }
0x60: {  	_ =	shalt  }
0x61: {  	_ =	shalt  }
0x62: {  	_ =	shalt  }
0x63: {  	_ =	shalt  }
0x64: {  	_ =	shalt  }
0x65: {  	_ =	shalt  }
0x66: {  	_ =	shalt  }
0x67: {  	_ =	shalt  }
0x68: {  	_ =	shalt  }
0x69: {  	_ =	shalt  }
0x6a: {  	_ =	shalt  }
0x6b: {  	_ =	shalt  }
0x6c: {  	_ =	shalt  }
0x6d: {  	_ =	shalt  }
0x6e: {  	_ =	shalt  }
0x6f: {  	_ =	shalt  }
0x70: {  	_ =	shalt  }
0x71: {  	_ =	shalt  }
0x72: {  	_ =	shalt  }
0x73: {  	_ =	shalt  }
0x74: {  	_ =	shalt  }
0x75: {  	_ =	shalt  }
0x76: {  	_ =	shalt  }
0x77: {  	_ =	shalt  }
0x78: {  	_ =	shalt  }
0x79: {  	_ =	shalt  }
0x7a: {  	_ =	shalt  }
0x7b: {  	_ =	shalt  }
0x7c: {  	_ =	shalt  }
0x7d: {  	_ =	shalt  }
0x7e: {  	_ =	shalt  }
0x7f: {  	_ =	shalt  }
0x80: {  	_ =	shalt  }
0x81: {  	_ =	shalt  }
0x82: {  	_ =	shalt  }
0x83: {  	_ =	shalt  }
0x84: {  	_ =	shalt  }
0x85: {  	_ =	shalt  }
0x86: {  	_ =	shalt  }
0x87: {  	_ =	shalt  }
.Lfunc_end0:
.L_simem_size_0:
called_computation.3_lowered:
.L_overlay_start_0:
0x88: {  	s2 =	sld [smem:$0x3FD9]  }
0x89: {  	s3 =	sld [smem:$0x3FFE];
	_ =	sdelay $0x1  }
0x8a: {  	s1 =	srdreg.scid  }
0x8b: {  	s0 =	sand.u32 $0x1, s1  }
0x8c: {  	s16 =	sshll.u32 s0, $0xA;
	s2 =	sadd.s32 s3, s2  }
0x8d: {  	s2 =	sadd.s32 s2, s16  }
0x8e: {  	[smem:$0x3FB3] =	sst s2  }
0x8f: {  	_ = 	snop  }
0x90: {  	(tm) =	ssettm $0x1  }
0x91: {  	s17 =	sld [smem:$0x3FFB];
	_ =	sdelay $0x3  }
0x92: {  	_ =	strace s17  }
0x93: {  	s2 =	sld [smem:$0x3FFC];
	_ =	sdelay $0x3  }
0x94: {  	_ =	strace s2  }
0x95: {  	s2 =	sld [smem:$0x3FFD];
	_ =	sdelay $0x3  }
0x96: {  	_ =	strace s2  }
0x97: {  	_ =	strace $0x8FFFFFFF  }
0x98: {  	s18 =	sld [smem:$0x3FDB];
	_ =	sdelay $0x1  }
0x99: {  	s19 =	simm.s32 $_scs_section_size  }
0x9a: {  	s4 =	simm.s32 $_size__tile_overlayer_lowered;
	s5 =	simm.s32 $_tile_overlayer_lowered  }
0x9b: {  	s22 =	simm.s32 $0x1BFF;
	s21 =	sshll.u32 s5, $0x1;
	s2 =	sadd.s32 s19, s18  }
0x9c: {  	s6 =	simm.s32 $0x0;
	s20 =	sshll.u32 s4, $0x1;
	s4 =	sadd.s32 s21, s2  }
0x9d: {  	[timem:s6], [sflag:s22] =	dma.local [hbm:s4], s20  }
0x9e: {  	_ =	swait.ge [sflag:s22], s20  }
0x9f: {  	s3 =	ssub.s32 $0x0, s20;
	[sflag:s22] =	ssyncset.done $0x0  }
0xa0: {  	[sflag:s22] =	ssyncadd.s32 s3;
	_ =	sdelay $0x1  }
0xa1: {  	s23 =	simm.s32 $0x1B8B  }
0xa2: {  	_ =	swait.ge [sflag:s23], $0x1  }
0xa3: {  	[sflag:s23] =	ssyncset.done $0x0  }
0xa4: {  	s25 =	simm.s32 $0x1B8E;
	s24 =	sld [smem:$0x3FFE];
	[sflag:s23] =	ssyncadd.s32 $0xFFFFFFFF  }
0xa5: {  	s26 =	simm.s32 $execute0_lowered;
	[smem:$0x3FD2] =	sst s25  }
0xa6: {  	s4 =	sshll.u32 s26, $0x1;
	_ =	strace $0x8000004F;
	[dreg:$0x1] =	wrdreg $0xFFFFFFFF  }
0xa7: {  	s28 =	simm.s32 $_size_execute0_lowered;
	s2 =	sadd.s32 s2, s4;
	[dreg:$0x0] =	wrdreg $0x0  }
0xa8: {  	s4 =	sshll.u32 s28, $0x1;
	[dreg:$0x2] =	wrdreg s2  }
0xa9: {  	[dreg:$0x3] =	wrdreg s4  }
0xaa: {  	[dreg:$0x4] =	wrdreg $0xC0  }
0xab: {  	_ =	task [dreg:s6], $0x5FFFF  }
0xac: {  	[dreg:$0x1] =	wrdreg $0xFFFFFFFF  }
0xad: {  	[dreg:$0x0] =	wrdreg $0x60  }
0xae: {  	[dreg:$0x2] =	wrdreg s24  }
0xaf: {  	[dreg:$0x3] =	wrdreg $0x8A200  }
0xb0: {  	[dreg:$0x4] =	wrdreg $0x126A00  }
0xb1: {  	[dreg:$0x5] =	wrdreg $0x9  }
0xb2: {  	_ =	task.clear_ibuf [dreg:s6], $0x6FFFF;
	_ =	strace $0x9000004F  }
0xb3: {  	s29 =	simm.s32 $0x9;
	_ =	strace $0x80000051  }
0xb4: {  	_ =	swait.ge [sflag:s29], $0x1  }
0xb5: {  	[sflag:s29] =	ssyncadd.s32 $0xFFFFFFFF  }
0xb6: {  	_ =	strace $0x90000051  }
0xb7: {  	_ =	sfence  }
0xb8: {  	s30 =	sld [smem:$0x0];
	_ =	sdelay $0x2  }
0xb9: {  	s31 =	sshll.u32 s1, $0xD;
	s1 =	sshrl.u32 s1, $0x2  }
0xba: {  	s3 =	sand.u32 $0x4000, s31;
	s1 =	sadd.s32 s1, s30  }
0xbb: {  	s0 =	sor.u32 s3, s0;
	s1 =	sshll.u32 s1, $0x11  }
0xbc: {  	s0 =	sor.u32 s1, s0  }
0xbd: {  	s0 =	sadd.s32 $0x8F2B, s0  }
0xbe: {  	[sflag:s0] =	ssyncadd.remote.s32 $0x1  }
0xbf: {  	_ =	sfence.sel $0xFFFF  }
0xc0: {  	[dreg:$0x0] =	wrdreg $0xFFFFFFFF;
	(pc) =	sbr.abs _section_cstart, $3  }
0xc1: {  	[dreg:$0x1] =	wrdreg $0xFFFFFFFF  }
0xc2: {  	_ =	task.clear_ibuf [dreg:s6], $0x2FFFF;
	_ =	strace $0x9FFFFFFF  }
0xc3: {  	(tm) =	ssettm $0x7FFFFFFF  }
tec
execute0_lowered:
.L_overlay_start_1:
0x0: {  	(tag) =	ssettag $0x1  }
0x1: {  	s0 =	srdreg.scid;
	s1 =	rddreg [dreg:$0x0]  }
0x2: {  	s13 =	stileid.u32;
	s2 =	rddreg [dreg:$0x2]  }
0x3: {  	s18 =	simm.s32 $0x1;
	s19 =	simm.s32 $0x2;
	s20 =	simm.s32 $0x4  }
0x4: {  	s21 =	simm.s32 $0x5;
	s22 =	simm.s32 $0x50;
	s23 =	simm.s32 $0x4E20  }
0x5: {  	s24 =	simm.s32 $0x6220;
	s26 =	simm.s32 $0x7620;
	s28 =	simm.s32 $0x3  }
0x6: {  	s29 =	simm.s32 $0x6;
	s25 =	simm.s32 $0x7;
	s4 =	sand.u32 $0x1, s0  }
0x7: {  	s0 =	rddreg [dreg:$0x1];
	s8 =	smul.u32 $0x9C40, s13;
	p0 =	sne.s32 s13, $0x0  }
0x8: {  	s3 =	sshll.u32 s4, $0x4;
	s7 =	smul.u32 $0x9C400, s4;
	s31 =	ssub.s32 $0x2, s4  }
0x9: {  	s4 =	sadd.s32 $0x2AE00, s1;
	s16 =	sadd.s32 $0x9C400, s0;
	s5 =	sor.u32 s13, s3  }
0xa: {  	s3 =	simm.s32 $0x0;
	s6 =	sshrl.u32 s8, $0x3;
	s11 =	sshrl.u32 s31, $0x1  }
0xb: {  	s14 =	sadd.s32 s8, s0;
	s15 =	sadd.s32 s8, s2;
	s17 =	sshrl.u32 @!p0 s16, $0x3  }
0xc: {  	s16 =	simm.s32 $0x0;
	s5 =	smul.u32 $0x4E2, s5;
	[smem:$0x7FF] =	sst s3  }
0xd: {  	s9 =	sadd.s32 s6, s1;
	s30 =	sadd.s32 s8, s7;
	s12 =	ssub.s32 s31, s11  }
0xe: {  	s6 =	sadd.s32 s4, s6;
	s15 =	sshrl.u32 s15, $0x3;
	_ =	strace $0x80000050  }
0xf: {  	s8 =	sadd.s32 $0x17400, s9;
	s10 =	sadd.s32 s5, s1;
	s5 =	sshrl.u32 s30, $0x3  }
0x10: {  	s12 =	smax.u32 s12, $0x1;
	s1 =	sadd.s32 s5, s1;
	s5 =	sshll.u32 s13, $0x6  }
0x11: {  	s9 =	sadd.s32 $0x3800, s10;
	s10 =	sadd.s32 $0xD600, s10;
	s13 =	sshrl.u32 s14, $0x3  }
0x12: {  	s7 =	sor.u32 $0x1C01, s5;
	s11 =	sadd.s32 $0x3E800, s1;
	s14 =	sor.u32 $0x1C02, s5  }
.LBB2_1:
0x13: {  	[spmem:s13], [sflag:s7] =	dma.local [hbm:s6], $0x1388  }
0x14: {  	[spmem:s15], [sflag:s14] =	dma.local [hbm:s8], $0x1388  }
0x15: {  	[tilespmem:s3], [sflag:$0x4] =	stream.linear.gather [hbm4b:s9+s3], $0x2710, $0x38;
	[tilespmem:$0x1C2E0] =	vst v63  }
0x16: {  	s1 =	simm.s32 $0x2710;
	s30 =	simm.s32 @!p0 $0x1C07  }
0x17: {  	[tilespmem:s1], [sflag:$0x5] =	stream.linear.gather [hbm4b:s10+s3], $0x2710, $0x38;
	[tilespmem:$0x1C2E0] =	vst v63  }
0x18: {  	[spmem:s17], [sflag:s30] =	dma.local @!p0 [hbm:s4], $0x80  }
0x19: {  	s30 =	simm.s32 @!p0 $0x7  }
0x1a: {  	_ =	swait.ge @!p0 [sflag:s30], $0x80  }
0x1b: {  	[sflag:s30] =	ssyncset.done @!p0 $0x0  }
0x1c: {  	[sflag:s30] =	ssyncadd.s32 @!p0 $0xFFFFFF80  }
0x1d: {  	_ =	swait.ge [sflag:s18], $0x1388  }
0x1e: {  	[sflag:s18] =	ssyncset.done $0x0  }
0x1f: {  	[sflag:s18] =	ssyncadd.s32 $0xFFFFEC78  }
0x20: {  	_ =	swait.ge [sflag:s19], $0x1388  }
0x21: {  	[sflag:s19] =	ssyncset.done $0x0  }
0x22: {  	[sflag:s19] =	ssyncadd.s32 $0xFFFFEC78  }
0x23: {  	_ =	swait.ge [sflag:s20], $0x2710  }
0x24: {  	[sflag:s20] =	ssyncset.done $0x0  }
0x25: {  	[sflag:s20] =	ssyncadd.s32 $0xFFFFD8F0  }
0x26: {  	_ =	swait.ge [sflag:s21], $0x2710  }
0x27: {  	[sflag:s21] =	ssyncset.done $0x0  }
0x28: {  	[sflag:s21] =	ssyncadd.s32 $0xFFFFD8F0  }
0x29: {  	[bflag:$0x0] =	sbarrier.arrive $0xFFFF  }
0x2a: {  	[tilespmem:s23], [sflag:$0x1] =	stream.indirect.gather [spmem:s2], $0x40, s3, s22, $0xb8;
	[tilespmem:$0x1C2E0] =	vst v63  }
0x2b: {  	_ = 	snop  }
0x2c: {  	[tilespmem:s24], [sflag:$0x2] =	stream.indirect.gather [spmem:s2], $0x40, s22, s22, $0xb8;
	[tilespmem:$0x1C2E0] =	vst v63  }
0x2d: {  	s1 =	simm.s32 $0xA0  }
0x2e: {  	[tilespmem:s26], [sflag:$0x3] =	stream.indirect.gather [spmem:s2], $0x40, s1, s22, $0xb8;
	[tilespmem:$0x1C2E0] =	vst v63  }
0x2f: {  	_ =	swait.ge [sflag:s18], $0x1400  }
0x30: {  	[sflag:s18] =	ssyncset.done $0x0  }
0x31: {  	s30 =	simm.s32 $0x2710;
	[sflag:s18] =	ssyncadd.s32 $0xFFFFEC00  }
0x32: {  	[spmem:s0] =	stream.indirect.scatter.add.f32 [tilespmem:s23], [sflag:$0x4], $0x40, s30, s22, $0xb8;
	[tilespmem:$0x1C2E0] =	vst v63  }
0x33: {  	_ =	swait.ge [sflag:s19], $0x1400  }
0x34: {  	[sflag:s19] =	ssyncset.done $0x0  }
0x35: {  	s30 =	simm.s32 $0x2760;
	[sflag:s19] =	ssyncadd.s32 $0xFFFFEC00  }
0x36: {  	[spmem:s0] =	stream.indirect.scatter.add.f32 [tilespmem:s24], [sflag:$0x5], $0x40, s30, s22, $0xb8;
	[tilespmem:$0x1C2E0] =	vst v63  }
0x37: {  	_ =	swait.ge [sflag:s28], $0x1400  }
0x38: {  	[sflag:s28] =	ssyncset.done $0x0  }
0x39: {  	s30 =	simm.s32 $0x27B0;
	[sflag:s28] =	ssyncadd.s32 $0xFFFFEC00  }
0x3a: {  	[spmem:s0] =	stream.indirect.scatter.add.f32 [tilespmem:s26], [sflag:$0x6], $0x40, s30, s22, $0xb8;
	[tilespmem:$0x1C2E0] =	vst v63  }
0x3b: {  	_ =	swait.ge [sflag:s20], $0x1400  }
0x3c: {  	[sflag:s20] =	ssyncset.done $0x0  }
0x3d: {  	s30 =	simm.s32 $0xF0;
	[sflag:s20] =	ssyncadd.s32 $0xFFFFEC00  }
0x3e: {  	[tilespmem:s23], [sflag:$0x1] =	stream.indirect.gather [spmem:s2], $0x40, s30, s22, $0xb8;
	[tilespmem:$0x1C2E0] =	vst v63  }
0x3f: {  	_ =	swait.ge [sflag:s21], $0x1400  }
0x40: {  	[sflag:s21] =	ssyncset.done $0x0  }
0x41: {  	s30 =	simm.s32 $0x140;
	[sflag:s21] =	ssyncadd.s32 $0xFFFFEC00  }
0x42: {  	[tilespmem:s24], [sflag:$0x2] =	stream.indirect.gather [spmem:s2], $0x40, s30, s22, $0xb8;
	[tilespmem:$0x1C2E0] =	vst v63  }
0x43: {  	_ =	swait.ge [sflag:s29], $0x1400  }
0x44: {  	[sflag:s29] =	ssyncset.done $0x0  }
0x45: {  	s31 =	simm.s32 $0x190;
	s30 =	simm.s32 $0x3C0;
	[sflag:s29] =	ssyncadd.s32 $0xFFFFEC00  }
.LBB2_2:
0x46: {  	[tilespmem:s26], [sflag:$0x3] =	stream.indirect.gather [spmem:s2], $0x40, s31, s22, $0xb8;
	[tilespmem:$0x1C2E0] =	vst v63  }
0x47: {  	s31 =	smov.u32 s30  }
0x48: {  	p1 =	sne.s32 s30, $0x9240;
	s30 =	sadd.s32 $0x3C0, s30;
	_ =	swait.ge [sflag:s18], $0x1400  }
0x49: {  	s31 =	sshra.s32 s31, $0x2;
	[sflag:s18] =	ssyncset.done $0x0  }
0x4a: {  	s1 =	sadd.s32 $0x2710, s31;
	[sflag:s18] =	ssyncadd.s32 $0xFFFFEC00  }
0x4b: {  	[spmem:s0] =	stream.indirect.scatter.add.f32 [tilespmem:s23], [sflag:$0x4], $0x40, s1, s22, $0xb8;
	[tilespmem:$0x1C2E0] =	vst v63  }
0x4c: {  	_ =	swait.ge [sflag:s19], $0x1400  }
0x4d: {  	[sflag:s19] =	ssyncset.done $0x0  }
0x4e: {  	s1 =	sadd.s32 $0x2760, s31;
	[sflag:s19] =	ssyncadd.s32 $0xFFFFEC00  }
0x4f: {  	[spmem:s0] =	stream.indirect.scatter.add.f32 [tilespmem:s24], [sflag:$0x5], $0x40, s1, s22, $0xb8;
	[tilespmem:$0x1C2E0] =	vst v63  }
0x50: {  	_ =	swait.ge [sflag:s28], $0x1400  }
0x51: {  	[sflag:s28] =	ssyncset.done $0x0  }
0x52: {  	s1 =	sadd.s32 $0x27B0, s31;
	[sflag:s28] =	ssyncadd.s32 $0xFFFFEC00  }
0x53: {  	[spmem:s0] =	stream.indirect.scatter.add.f32 [tilespmem:s26], [sflag:$0x6], $0x40, s1, s22, $0xb8;
	[tilespmem:$0x1C2E0] =	vst v63  }
0x54: {  	_ =	swait.ge [sflag:s20], $0x1400  }
0x55: {  	[sflag:s20] =	ssyncset.done $0x0  }
0x56: {  	s1 =	sadd.s32 $0xF0, s31;
	[sflag:s20] =	ssyncadd.s32 $0xFFFFEC00  }
0x57: {  	[tilespmem:s23], [sflag:$0x1] =	stream.indirect.gather [spmem:s2], $0x40, s1, s22, $0xb8;
	[tilespmem:$0x1C2E0] =	vst v63  }
0x58: {  	_ =	swait.ge [sflag:s21], $0x1400  }
0x59: {  	[sflag:s21] =	ssyncset.done $0x0  }
.Ltmp0:
0x5a: {  	s1 =	sadd.s32 $0x140, s31;
	[sflag:s21] =	ssyncadd.s32 $0xFFFFEC00;
	(pc) =	sbr.rel @p1 .LBB2_2-.Ltmp0, $4  }
0x5b: {  	[tilespmem:s24], [sflag:$0x2] =	stream.indirect.gather [spmem:s2], $0x40, s1, s22, $0xb8;
	[tilespmem:$0x1C2E0] =	vst v63  }
0x5c: {  	_ =	swait.ge [sflag:s29], $0x1400  }
0x5d: {  	[sflag:s29] =	ssyncset.done $0x0  }
0x5e: {  	s31 =	sadd.s32 $0x190, s31;
	[sflag:s29] =	ssyncadd.s32 $0xFFFFEC00  }
0x5f: {  	[tilespmem:s26], [sflag:$0x3] =	stream.indirect.gather [spmem:s2], $0x40, s31, s22, $0xb8;
	[tilespmem:$0x1C2E0] =	vst v63  }
0x60: {  	_ =	swait.ge [sflag:s18], $0x1400  }
0x61: {  	[sflag:s18] =	ssyncset.done $0x0  }
0x62: {  	s1 =	simm.s32 $0x4C90;
	[sflag:s18] =	ssyncadd.s32 $0xFFFFEC00  }
0x63: {  	[spmem:s0] =	stream.indirect.scatter.add.f32 [tilespmem:s23], [sflag:$0x4], $0x40, s1, s22, $0xb8;
	[tilespmem:$0x1C2E0] =	vst v63  }
0x64: {  	_ =	swait.ge [sflag:s19], $0x1400  }
0x65: {  	[sflag:s19] =	ssyncset.done $0x0  }
0x66: {  	s31 =	simm.s32 $0x4CE0;
	[sflag:s19] =	ssyncadd.s32 $0xFFFFEC00  }
0x67: {  	[spmem:s0] =	stream.indirect.scatter.add.f32 [tilespmem:s24], [sflag:$0x5], $0x40, s31, s22, $0xb8;
	[tilespmem:$0x1C2E0] =	vst v63  }
0x68: {  	_ =	swait.ge [sflag:s28], $0x1400  }
0x69: {  	[sflag:s28] =	ssyncset.done $0x0  }
0x6a: {  	s30 =	simm.s32 $0x4D30;
	[sflag:s28] =	ssyncadd.s32 $0xFFFFEC00  }
0x6b: {  	[spmem:s0] =	stream.indirect.scatter.add.f32 [tilespmem:s26], [sflag:$0x6], $0x40, s30, s22, $0xb8;
	[tilespmem:$0x1C2E0] =	vst v63  }
0x6c: {  	_ =	swait.ge [sflag:s20], $0x1400  }
0x6d: {  	[sflag:s20] =	ssyncset.done $0x0  }
0x6e: {  	[sflag:s20] =	ssyncadd.s32 $0xFFFFEC00  }
0x6f: {  	_ =	swait.ge [sflag:s21], $0x1400  }
0x70: {  	[sflag:s21] =	ssyncset.done $0x0  }
0x71: {  	[sflag:s21] =	ssyncadd.s32 $0xFFFFEC00  }
0x72: {  	_ =	swait.ge [sflag:s29], $0x1400  }
0x73: {  	[sflag:s29] =	ssyncset.done $0x0  }
0x74: {  	s31 =	simm.s32 $0x2670;
	[sflag:s29] =	ssyncadd.s32 $0xFFFFEC00  }
0x75: {  	[tilespmem:s23], [sflag:$0x7] =	stream.indirect.gather [spmem:s2], $0x40, s31, s22, $0xb8;
	[tilespmem:$0x1C2E0] =	vst v63  }
0x76: {  	_ =	swait.ge [sflag:s25], $0x1400  }
0x77: {  	[sflag:s25] =	ssyncset.done $0x0  }
0x78: {  	s30 =	simm.s32 $0x4D80;
	[sflag:s25] =	ssyncadd.s32 $0xFFFFEC00  }
0x79: {  	[spmem:s0] =	stream.indirect.scatter.add.f32 [tilespmem:s23], [sflag:$0x7], $0x40, s30, s22, $0xb8;
	[tilespmem:$0x1C2E0] =	vst v63  }
0x7a: {  	_ =	swait.ge [sflag:s25], $0x1400  }
0x7b: {  	[sflag:s25] =	ssyncset.done $0x0  }
0x7c: {  	s31 =	simm.s32 $0x26C0;
	[sflag:s25] =	ssyncadd.s32 $0xFFFFEC00  }
0x7d: {  	[tilespmem:s23], [sflag:$0x7] =	stream.indirect.gather [spmem:s2], $0x40, s31, s22, $0xb8;
	[tilespmem:$0x1C2E0] =	vst v63  }
0x7e: {  	_ =	swait.ge [sflag:s25], $0x1400  }
0x7f: {  	[sflag:s25] =	ssyncset.done $0x0  }
0x80: {  	s30 =	simm.s32 $0x4DD0;
	[sflag:s25] =	ssyncadd.s32 $0xFFFFEC00  }
0x81: {  	[spmem:s0] =	stream.indirect.scatter.add.f32 [tilespmem:s23], [sflag:$0x7], $0x40, s30, s22, $0xb8;
	[tilespmem:$0x1C2E0] =	vst v63  }
0x82: {  	_ =	swait.ge [sflag:s25], $0x1400  }
0x83: {  	s16 =	sadd.s32 $0x1, s16;
	[sflag:s25] =	ssyncset.done $0x0  }
0x84: {  	p1 =	sne.s32 s16, s12;
	[sflag:s25] =	ssyncadd.s32 $0xFFFFEC00  }
.Ltmp1:
0x85: {  	s31 =	sor.u32 $0x1C07, s5;
	[bflag:$0x0] =	sbarrier.arrive $0xFFFF;
	(pc) =	sbr.rel @p1 .LBB2_1-.Ltmp1, $4  }
0x86: {  	[hbm:s11], [sflag:s31] =	dma.local [spmem:s13], $0x1388  }
0x87: {  	_ =	swait.ge [sflag:s25], $0x1388  }
0x88: {  	[sflag:s25] =	ssyncset.done $0x0  }
0x89: {  	[sflag:s25] =	ssyncadd.s32 $0xFFFFEC78  }
0x8a: {  	_ =	sfence.sel $0x180000  }
0x8b: {  	[bflag:$0x0] =	sbarrier.arrive $0xFFFF  }
0x8c: {  	_ =	strace $0x90000050  }
0x8d: {  	[bflag:$0x2] =	sbarrier.arrive $0xFFFF  }
0x8e: {  	s0 =	rddreg [dreg:$0x3]  }
0x8f: {  	s0 =	sadd.s32 @!p0 $0x100000, s0  }
0x90: {  	[sflag:s0] =	ssyncadd.tile.s32 @!p0 $0x1;
	_ =	shalt  }
.Lfunc_end2:
_tile_overlayer_lowered:
.L_overlay_start_2:
0x91: {  	(tag) =	ssettag $0x2  }
0x92: {  	s0 =	rddreg [dreg:$0x0];
	s2 =	stileid.u32  }
0x93: {  	s1 =	rddreg [dreg:$0x1];
	p0 =	sne.s32 s2, $0x0  }
0x94: {  	s3 =	rddreg [dreg:$0x2];
	[bflag:$0x3] =	sbarrier.arrive $0xFFFF;
	s2 =	simm.s32 @!p0 $0x1C07  }
0x95: {  	[timem:s3], [sflag:s2] =	dma.local @!p0 [hbm:s0], s1  }
0x96: {  	s0 =	simm.s32 @!p0 $0x7  }
0x97: {  	_ =	swait.ge @!p0 [sflag:s0], s1  }
0x98: {  	s1 =	ssub.s32 @!p0 $0x0, s1;
	[sflag:s0] =	ssyncset.done @!p0 $0x0  }
0x99: {  	[sflag:s0] =	ssyncadd.s32 @!p0 s1  }
0x9a: {  	[bflag:$0x3] =	sbarrier.arrive $0xFFFF  }
0x9b: {  	_ =	shalt  }

</sc_bundles>
